<compile_context>
chip_gen: v7x
topology: tpu7x:2x2x1
jax: 0.10.2.dev20260603
libtpu: 0.0.44.dev20260713+nightly
codegen_flags: <defaults>
</compile_context>

<pallas_src>
import functools

import jax
import jax.numpy as jnp
from jax import lax
from jax.experimental import pallas as pl
from jax.experimental.pallas import tpu as pltpu
from jax.experimental.pallas import tpu_sc as plsc

_R = 5
_N = 4096
_L = 4096
_NC = 2
_NS = 16
_NW = _NC * _NS
_NSC = 2304
_NTC = _N - _NSC
_ROWS = _NSC // _NW
_LANES = 16

_NEGINF = float("-inf")
_POSINF = float("inf")
_GRP = 8
_K = 4
_NB = 2
_NG = _ROWS // _K
_BT = 128


def _perm(v, idx):
    return lax.gather(
        v, idx[:, None],
        lax.GatherDimensionNumbers(offset_dims=(), collapsed_slice_dims=(0,),
                                   start_index_map=(0,)),
        slice_sizes=(1,), mode=lax.GatherScatterMode.PROMISE_IN_BOUNDS)


def _row_result(buf, r, leff):
    iota = lax.iota(jnp.int32, _LANES)

    def _bin(j, vec):
        s = (j * leff) // _R
        e = ((j + 1) * leff + (_R - 1)) // _R
        c0 = (s // _LANES) * _LANES
        v0 = buf[r, pl.ds(pl.multiple_of(c0, _LANES), _LANES)]
        m0 = (iota >= s - c0) & (iota < e - c0)
        am0 = jnp.where(m0, v0, _NEGINF)
        an0 = jnp.where(m0, v0, _POSINF)
        n_int = jnp.maximum((e - c0) // _LANES - 1, 0)
        c1 = c0 + _LANES
        n_grp = n_int // _GRP

        def _group(base, am_, an_):
            vs = [buf[r, pl.ds(pl.multiple_of(base + u * _LANES, _LANES),
                               _LANES)] for u in range(_GRP)]
            mxs, mns = list(vs), list(vs)
            while len(mxs) > 1:
                mxs = [jnp.maximum(a, b) for a, b in zip(mxs[::2], mxs[1::2])]
                mns = [jnp.minimum(a, b) for a, b in zip(mns[::2], mns[1::2])]
            return jnp.maximum(am_, mxs[0]), jnp.minimum(an_, mns[0])

        @plsc.parallel_loop(0, n_grp, carry=(am0, an0))
        def _interior(g, carry, c1=c1):
            return _group(c1 + g * (_GRP * _LANES), *carry)

        am, an = _interior
        base_o = c1 + jnp.maximum(n_int - _GRP, 0) * _LANES
        am_o, an_o = _group(base_o, am, an)
        big = n_int >= _GRP
        am = jnp.where(big, am_o, am)
        an = jnp.where(big, an_o, an)

        @plsc.parallel_loop(0, jnp.where(big, 0, n_int), carry=(am, an))
        def _singles(t, carry, c1=c1):
            am_, an_ = carry
            v = buf[r, pl.ds(pl.multiple_of(c1 + t * _LANES, _LANES),
                             _LANES)]
            return jnp.maximum(am_, v), jnp.minimum(an_, v)

        am, an = _singles
        pt = c1 + n_int * _LANES
        vt = buf[r, pl.ds(pl.multiple_of(jnp.minimum(pt, _L - _LANES),
                                         _LANES), _LANES)]
        mt = iota < (e - pt)
        am = jnp.maximum(am, jnp.where(mt, vt, _NEGINF))
        an = jnp.minimum(an, jnp.where(mt, vt, _POSINF))
        for sh in (1, 2, 4, 8):
            am = jnp.maximum(am, _perm(am, iota ^ sh))
            an = jnp.minimum(an, _perm(an, iota ^ sh))
        vec = jnp.where(iota == j, an, vec)
        vec = jnp.where(iota == (_R + j), am, vec)
        return vec

    vec = lax.fori_loop(0, _R, _bin,
                        jnp.full((_LANES,), _POSINF, jnp.float32))
    for k in (2, 4, 8, 16):
        sh = k // 2
        while sh >= 1:
            p = _perm(vec, iota ^ sh)
            want_min = ((iota & sh) == 0) != ((iota & k) != 0)
            vec = jnp.where(want_min, jnp.minimum(vec, p),
                            jnp.maximum(vec, p))
            sh //= 2
    return vec


def _sc_body(x_hbm, len_hbm, out_hbm, len_v, buf0, buf1, outv, sem0, sem1):
    wid = lax.axis_index("s") * _NC + lax.axis_index("c")
    base = wid * _ROWS
    pltpu.sync_copy(len_hbm.at[pl.ds(base * _LANES, _ROWS * _LANES)], len_v)
    bufs = (buf0, buf1)
    sems = (sem0, sem1)
    for b in range(_NB - 1):
        pltpu.async_copy(x_hbm.at[pl.ds(base + b * _K, _K)], bufs[b], sems[b])

    def outer(gq, _):
        for kb in range(_NB):
            g = gq * _NB + kb
            nk = (kb + _NB - 1) % _NB

            @pl.when(g + _NB - 1 < _NG)
            def _():
                pltpu.async_copy(
                    x_hbm.at[pl.ds(base + (g + _NB - 1) * _K, _K)],
                    bufs[nk], sems[nk])

            pltpu.make_async_copy(x_hbm.at[pl.ds(base + g * _K, _K)],
                                  bufs[kb], sems[kb]).wait()

            def row_loop(rr, _2, kb=kb, g=g):
                i = g * _K + rr
                lv = len_v[pl.ds(pl.multiple_of(i * _LANES, _LANES), _LANES)]
                leff = lv[0]
                outv[i, :] = _row_result(bufs[kb], rr, leff)
                return 0

            lax.fori_loop(0, _K, row_loop, 0)
        return 0

    lax.fori_loop(0, _NG // _NB, outer, 0)
    pltpu.sync_copy(outv, out_hbm.at[pl.ds(base, _ROWS)])


def _minmax16(inputs, lengths16):
    mesh = plsc.VectorSubcoreMesh(core_axis_name="c", subcore_axis_name="s")
    f = functools.partial(
        pl.kernel,
        out_type=jax.ShapeDtypeStruct((_NSC, _LANES), jnp.float32),
        mesh=mesh,
        scratch_types=[
            pltpu.VMEM((_ROWS * _LANES,), jnp.int32),
            pltpu.VMEM((_K, _L), jnp.float32),
            pltpu.VMEM((_K, _L), jnp.float32),
            pltpu.VMEM((_ROWS, _LANES), jnp.float32),
            pltpu.SemaphoreType.DMA,
            pltpu.SemaphoreType.DMA,
        ],
    )(_sc_body)
    return f(inputs, lengths16)


def _swap_blocks(v, sh):
    chunks = [v[i * sh:(i + 1) * sh] for i in range(16 // sh)]
    out = []
    for i in range(0, len(chunks), 2):
        out.extend([chunks[i + 1], chunks[i]])
    return jnp.concatenate(out, axis=0)


def _tc_body(se_ref, x_ref, o_ref):
    x = x_ref[...]
    pos = lax.broadcasted_iota(jnp.int32, (_BT, _L), 1)
    rows = []
    for j in range(_R):
        s = se_ref[:, j:j + 1]
        e = se_ref[:, _R + j:_R + j + 1]
        m = (pos >= s) & (pos < e)
        mn = jnp.min(jnp.where(m, x, _POSINF), axis=1)
        mx = jnp.max(jnp.where(m, x, _NEGINF), axis=1)
        rows.append(mn[None, :])
        rows.append(mx[None, :])
    pad = jnp.full((6, _BT), _POSINF, jnp.float32)
    v = jnp.concatenate(rows + [pad], axis=0)
    riota = lax.broadcasted_iota(jnp.int32, (16, 1), 0)
    for k in (2, 4, 8, 16):
        sh = k // 2
        while sh >= 1:
            p = _swap_blocks(v, sh)
            wm = ((riota & sh) == 0) != ((riota & k) != 0)
            v = jnp.where(wm, jnp.minimum(v, p), jnp.maximum(v, p))
            sh //= 2
    o_ref[...] = v


def _tc_minmax(inputs, se):
    row0 = _NSC // _BT
    return pl.pallas_call(
        _tc_body,
        grid=(_NTC // _BT,),
        in_specs=[
            pl.BlockSpec((_BT, 16), lambda i: (row0 + i, 0)),
            pl.BlockSpec((_BT, _L), lambda i: (row0 + i, 0)),
        ],
        out_specs=pl.BlockSpec((16, _BT), lambda i: (0, i)),
        out_shape=jax.ShapeDtypeStruct((16, _NTC), jnp.float32),
    )(se, inputs)


@jax.jit
def _minmax_all(inputs, lengths16, se):
    out_sc = _minmax16(inputs, lengths16)
    out_tc = _tc_minmax(inputs, se)
    return out_sc, out_tc


def kernel(inputs, lengths):
    leff = jnp.clip(lengths.astype(jnp.int32), 1, _L)
    lengths16 = jnp.repeat(leff[:_NSC], _LANES)
    js = jnp.arange(_R)
    starts = (js[None, :] * leff[:, None]) // _R
    ends = ((js[None, :] + 1) * leff[:, None] + (_R - 1)) // _R
    se = jnp.concatenate([starts, ends, jnp.zeros((_N, 6), jnp.int32)],
                         axis=1)
    out_sc, out_tc = _minmax_all(inputs, lengths16, se)
    return jnp.concatenate([out_sc[:, : 2 * _R], out_tc.T[:, : 2 * _R]],
                           axis=0)

# --- scband reference (transcript-rebuilt; emitter-appended) ---
"""Pipeline reference for scband-min-max-layer-77352361001485 (READ-ONLY COPY).

The authoritative reference and input builder live on the scoring server;
editing this copy changes nothing except your own understanding.
"""

import jax, jax.numpy as jnp
import numpy as np

R = 5
N = 4096
L = 4096


def _adaptive_max_pool_1d(x, leff, r):
    # x: [N, L] values, leff: [N] effective lengths (already clamped to [1, L])
    # Implements torch.nn.AdaptiveMaxPool1d bin semantics:
    #   bin j covers [floor(j*Leff/r), ceil((j+1)*Leff/r))
    Lmax = x.shape[1]
    pos = jnp.arange(Lmax)[None, :]  # [1, L]
    outs = []
    for j in range(r):
        start = (j * leff) // r                      # [N]
        end = ((j + 1) * leff + r - 1) // r          # [N] (ceil)
        mask = (pos >= start[:, None]) & (pos < end[:, None])  # [N, L]
        outs.append(jnp.max(jnp.where(mask, x, -jnp.inf), axis=1))
    return jnp.stack(outs, axis=1)  # [N, r]


def setup_inputs(seed: int = 0):
    key = jax.random.key(seed)
    k1, k2 = jax.random.split(key)
    inputs = jax.random.normal(k1, (N, L), dtype=jnp.float32)
    # lengths in [0, 1e6); python slicing inputs[i][:length] clamps to L,
    # so effective length is min(length, L). Values >= 1 w.h.p.
    lengths = jax.random.randint(k2, (N,), 0, 1000000, dtype=jnp.int32)
    return {"inputs": inputs, "lengths": lengths}


def reference(inputs, lengths):
    r = R
    Lmax = inputs.shape[1]
    # torch slicing inputs[i][:lengths[i]] truncates to at most L elements.
    # clamp to >= 1 (a zero-length row would crash the torch module anyway).
    leff = jnp.clip(lengths.astype(jnp.int32), 1, Lmax)
    top = _adaptive_max_pool_1d(inputs, leff, r)          # R max values per row
    neg = -_adaptive_max_pool_1d(-inputs, leff, r)        # R min values per row
    out = jnp.sort(jnp.concatenate([top, neg], axis=1), axis=1)  # [N, 2R] sorted ascending
    return out

if __name__ == "__main__":
    import jax
    _d = setup_inputs()
    print(jax.jit(kernel)(*tuple(_d.values())))

</pallas_src>

<mosaic_0001>
#map = affine_map<(d0, d1) -> (0, 0)>
#map1 = affine_map<(d0, d1) -> (0)>
module attributes {stable_mosaic.version = 14 : i64} {
  func.func @_sc_body(%arg0: i32, %arg1: i32, %arg2: memref<4096x4096xf32, #tpu.memory_space<hbm>>, %arg3: memref<36864xi32, #tpu.memory_space<hbm>>, %arg4: memref<2304x16xf32, #tpu.memory_space<hbm>>, %arg5: memref<1152xi32, #tpu.memory_space<vmem>>, %arg6: memref<4x4096xf32, #tpu.memory_space<vmem>>, %arg7: memref<4x4096xf32, #tpu.memory_space<vmem>>, %arg8: memref<72x16xf32, #tpu.memory_space<vmem>>, %arg9: memref<!tpu.dma_semaphore, #tpu.memory_space<semaphore_mem>>, %arg10: memref<!tpu.dma_semaphore, #tpu.memory_space<semaphore_mem>>) attributes {dimension_semantics = [#tpu.dimension_semantics<core_parallel>, #tpu.dimension_semantics<subcore_parallel>], iteration_bounds = array<i64: 2, 16>, scalar_prefetch = 0 : i64, scratch_operands = 6 : i64, tpu.core_type = #tpu.core_type<sc_vector_subcore>, window_params = [{transform_indices = #map}, {transform_indices = #map1}, {transform_indices = #map}]} {
    %mul3A = arith.constant 2 : i32
    %mul3A_0 = arith.muli %arg1, %mul3A : i32
    %add3A = arith.addi %mul3A_0, %arg0 : i32
    %mul3A_1 = arith.constant 72 : i32
    %mul3A_2 = arith.muli %add3A, %mul3A_1 : i32
    %mul3A_3 = arith.constant 16 : i32
    %mul3A_4 = arith.muli %mul3A_2, %mul3A_3 : i32
    "tpu.region"() ({
      %run_scoped3A = tpu.sem_alloc : memref<!tpu.dma_semaphore, #tpu.memory_space<semaphore_mem>>
      %dma_start3A_16 = tpu.memref_slice %arg3[%mul3A_4] : memref<36864xi32, #tpu.memory_space<hbm>> -> memref<1152xi32, #tpu.memory_space<hbm>>
      %dma_start3A_17 = tpu.memref_slice %arg3[%mul3A_4] : memref<36864xi32, #tpu.memory_space<hbm>> -> memref<1152xi32, #tpu.memory_space<hbm>>
      tpu.enqueue_dma source(%dma_start3A_17 : memref<1152xi32, #tpu.memory_space<hbm>>) target(%arg5 : memref<1152xi32, #tpu.memory_space<vmem>>) target_semaphore(%run_scoped3A : memref<!tpu.dma_semaphore, #tpu.memory_space<semaphore_mem>>)
      %dma_wait3A = tpu.memref_slice %arg3[%mul3A_4] : memref<36864xi32, #tpu.memory_space<hbm>> -> memref<1152xi32, #tpu.memory_space<hbm>>
      %dma_wait3A_18 = tpu.memref_slice %arg3[%mul3A_4] : memref<36864xi32, #tpu.memory_space<hbm>> -> memref<1152xi32, #tpu.memory_space<hbm>>
      tpu.wait_dma2 semaphore(%run_scoped3A : memref<!tpu.dma_semaphore, #tpu.memory_space<semaphore_mem>>) src(%dma_wait3A_18 : memref<1152xi32, #tpu.memory_space<hbm>>) dst(%arg5 : memref<1152xi32, #tpu.memory_space<vmem>>)
      tpu.yield
    }) : () -> ()
    %add3A_5 = arith.constant 0 : i32
    %add3A_6 = arith.addi %mul3A_2, %add3A_5 : i32
    %dma_start3A = arith.constant 0 : i32
    %dma_start3A_7 = tpu.memref_slice %arg2[%add3A_6, %dma_start3A] : memref<4096x4096xf32, #tpu.memory_space<hbm>> -> memref<4x4096xf32, #tpu.memory_space<hbm>>
    %dma_start3A_8 = arith.constant 0 : i32
    %dma_start3A_9 = tpu.memref_slice %arg2[%add3A_6, %dma_start3A_8] : memref<4096x4096xf32, #tpu.memory_space<hbm>> -> memref<4x4096xf32, #tpu.memory_space<hbm>>
    tpu.enqueue_dma source(%dma_start3A_9 : memref<4x4096xf32, #tpu.memory_space<hbm>>) target(%arg6 : memref<4x4096xf32, #tpu.memory_space<vmem>>) target_semaphore(%arg9 : memref<!tpu.dma_semaphore, #tpu.memory_space<semaphore_mem>>)
    %scan3A = arith.constant 0 : i32
    %scan3A_10 = arith.constant 0 : i32
    %scan3A_11 = arith.constant 9 : i32
    %scan3A_12 = arith.addi %scan3A_10, %scan3A_11 : i32
    %scan3A_13 = arith.constant 1 : i32
    %scan3A_14 = scf.for %scan3A_16 = %scan3A_10 to %scan3A_12 step %scan3A_13 iter_args(%scan3A_17 = %scan3A) -> (i32)  : i32 {
      %mul3A_18 = arith.constant 2 : i32
      %mul3A_19 = arith.muli %scan3A_16, %mul3A_18 : i32
      %add3A_20 = arith.constant 0 : i32
      %add3A_21 = arith.addi %mul3A_19, %add3A_20 : i32
      %add3A_22 = arith.constant 2 : i32
      %add3A_23 = arith.addi %add3A_21, %add3A_22 : i32
      %sub3A = arith.constant 1 : i32
      %sub3A_24 = arith.subi %add3A_23, %sub3A : i32
      %lt3A = arith.constant 18 : i32
      %lt3A_25 = arith.cmpi slt, %sub3A_24, %lt3A : i32
      %convert_element_type3A = arith.extui %lt3A_25 : i1 to i32
      %cond3A = arith.constant 0 : i32
      %cond3A_26 = arith.cmpi ne, %convert_element_type3A, %cond3A : i32
      scf.if %cond3A_26 {
        %add3A_68 = arith.constant 2 : i32
        %add3A_69 = arith.addi %add3A_21, %add3A_68 : i32
        %sub3A_70 = arith.constant 1 : i32
        %sub3A_71 = arith.subi %add3A_69, %sub3A_70 : i32
        %mul3A_72 = arith.constant 4 : i32
        %mul3A_73 = arith.muli %sub3A_71, %mul3A_72 : i32
        %add3A_74 = arith.addi %mul3A_2, %mul3A_73 : i32
        %dma_start3A_75 = arith.constant 0 : i32
        %dma_start3A_76 = tpu.memref_slice %arg2[%add3A_74, %dma_start3A_75] : memref<4096x4096xf32, #tpu.memory_space<hbm>> -> memref<4x4096xf32, #tpu.memory_space<hbm>>
        %dma_start3A_77 = arith.constant 0 : i32
        %dma_start3A_78 = tpu.memref_slice %arg2[%add3A_74, %dma_start3A_77] : memref<4096x4096xf32, #tpu.memory_space<hbm>> -> memref<4x4096xf32, #tpu.memory_space<hbm>>
        tpu.enqueue_dma source(%dma_start3A_78 : memref<4x4096xf32, #tpu.memory_space<hbm>>) target(%arg7 : memref<4x4096xf32, #tpu.memory_space<vmem>>) target_semaphore(%arg10 : memref<!tpu.dma_semaphore, #tpu.memory_space<semaphore_mem>>)
      } else {
      }
      %mul3A_27 = arith.constant 4 : i32
      %mul3A_28 = arith.muli %add3A_21, %mul3A_27 : i32
      %add3A_29 = arith.addi %mul3A_2, %mul3A_28 : i32
      %dma_wait3A = arith.constant 0 : i32
      %dma_wait3A_30 = tpu.memref_slice %arg2[%add3A_29, %dma_wait3A] : memref<4096x4096xf32, #tpu.memory_space<hbm>> -> memref<4x4096xf32, #tpu.memory_space<hbm>>
      %dma_wait3A_31 = arith.constant 0 : i32
      %dma_wait3A_32 = tpu.memref_slice %arg2[%add3A_29, %dma_wait3A_31] : memref<4096x4096xf32, #tpu.memory_space<hbm>> -> memref<4x4096xf32, #tpu.memory_space<hbm>>
      tpu.wait_dma2 semaphore(%arg9 : memref<!tpu.dma_semaphore, #tpu.memory_space<semaphore_mem>>) src(%dma_wait3A_32 : memref<4x4096xf32, #tpu.memory_space<hbm>>) dst(%arg6 : memref<4x4096xf32, #tpu.memory_space<vmem>>)
      %scan3A_33 = arith.constant 0 : i32
      %scan3A_34 = arith.constant 0 : i32
      %scan3A_35 = arith.constant 4 : i32
      %scan3A_36 = arith.addi %scan3A_34, %scan3A_35 : i32
      %scan3A_37 = arith.constant 1 : i32
      %scan3A_38 = scf.for %scan3A_68 = %scan3A_34 to %scan3A_36 step %scan3A_37 iter_args(%scan3A_69 = %scan3A_33) -> (i32)  : i32 {
        %mul3A_70 = arith.constant 4 : i32
        %mul3A_71 = arith.muli %add3A_21, %mul3A_70 : i32
        %add3A_72 = arith.addi %mul3A_71, %scan3A_68 : i32
        %mul3A_73 = arith.constant 16 : i32
        %mul3A_74 = arith.muli %add3A_72, %mul3A_73 : i32
        %multiple_of3A = tpu.assume_multiple %mul3A_74, 16 : i32
        %get3A = arith.index_cast %multiple_of3A : i32 to index
        %get3A_75 = tpu.vector_load %arg5[%get3A] {strides = array<i32>} : memref<1152xi32, #tpu.memory_space<vmem>>, vector<16xi32>,
        %get3A_76 = vector.shape_cast %get3A_75 : vector<16xi32> to vector<16xi32>
        %slice3A = vector.extract_strided_slice %get3A_76 {offsets = [0], sizes = [1], strides = [1]} : vector<16xi32> to vector<1xi32>
        %squeeze3A = vector.extract %slice3A[0] : i32 from vector<1xi32>
        %iota3A = tpu.iota {dimensions = array<i32: 0>} : vector<16xi32>
        %broadcast_in_dim3A = arith.constant 0x7F800000 : f32
        %broadcast_in_dim3A_77 = vector.broadcast %broadcast_in_dim3A : f32 to vector<16xf32>
        %scan3A_78 = arith.constant 0 : i32
        %scan3A_79 = arith.constant 5 : i32
        %scan3A_80 = arith.addi %scan3A_78, %scan3A_79 : i32
        %scan3A_81 = arith.constant 1 : i32
        %scan3A_82 = scf.for %scan3A_301 = %scan3A_78 to %scan3A_80 step %scan3A_81 iter_args(%scan3A_302 = %broadcast_in_dim3A_77) -> (vector<16xf32>)  : i32 {
          %mul3A_303 = arith.muli %scan3A_301, %squeeze3A : i32
          %jit3A = arith.constant 5 : i32
          %div3A = arith.divsi %mul3A_303, %jit3A : i32
          %sign3A = arith.constant 0 : i32
          %sign3A_304 = arith.cmpi sgt, %mul3A_303, %sign3A : i32
          %sign3A_305 = arith.extui %sign3A_304 : i1 to i32
          %sign3A_306 = arith.constant 0 : i32
          %sign3A_307 = arith.cmpi slt, %mul3A_303, %sign3A_306 : i32
          %sign3A_308 = arith.extui %sign3A_307 : i1 to i32
          %sign3A_309 = arith.subi %sign3A_305, %sign3A_308 : i32
          %sign3A_310 = arith.constant 0 : i32
          %sign3A_311 = arith.cmpi sgt, %jit3A, %sign3A_310 : i32
          %sign3A_312 = arith.extui %sign3A_311 : i1 to i32
          %sign3A_313 = arith.constant 0 : i32
          %sign3A_314 = arith.cmpi slt, %jit3A, %sign3A_313 : i32
          %sign3A_315 = arith.extui %sign3A_314 : i1 to i32
          %sign3A_316 = arith.subi %sign3A_312, %sign3A_315 : i32
          %ne3A_317 = arith.cmpi ne, %sign3A_309, %sign3A_316 : i32
          %rem3A = arith.remsi %mul3A_303, %jit3A : i32
          %ne3A_318 = arith.constant 0 : i32
          %ne3A_319 = arith.cmpi ne, %rem3A, %ne3A_318 : i32
          %and3A_320 = arith.andi %ne3A_317, %ne3A_319 : i1
          %sub3A_321 = arith.constant 1 : i32
          %sub3A_322 = arith.subi %div3A, %sub3A_321 : i32
          %select_n3A_323 = arith.select %and3A_320, %sub3A_322, %div3A : i32
          %add3A_324 = arith.constant 1 : i32
          %add3A_325 = arith.addi %scan3A_301, %add3A_324 : i32
          %mul3A_326 = arith.muli %add3A_325, %squeeze3A : i32
          %add3A_327 = arith.constant 4 : i32
          %add3A_328 = arith.addi %mul3A_326, %add3A_327 : i32
          %jit3A_329 = arith.constant 5 : i32
          %div3A_330 = arith.divsi %add3A_328, %jit3A_329 : i32
          %sign3A_331 = arith.constant 0 : i32
          %sign3A_332 = arith.cmpi sgt, %add3A_328, %sign3A_331 : i32
          %sign3A_333 = arith.extui %sign3A_332 : i1 to i32
          %sign3A_334 = arith.constant 0 : i32
          %sign3A_335 = arith.cmpi slt, %add3A_328, %sign3A_334 : i32
          %sign3A_336 = arith.extui %sign3A_335 : i1 to i32
          %sign3A_337 = arith.subi %sign3A_333, %sign3A_336 : i32
          %sign3A_338 = arith.constant 0 : i32
          %sign3A_339 = arith.cmpi sgt, %jit3A_329, %sign3A_338 : i32
          %sign3A_340 = arith.extui %sign3A_339 : i1 to i32
          %sign3A_341 = arith.constant 0 : i32
          %sign3A_342 = arith.cmpi slt, %jit3A_329, %sign3A_341 : i32
          %sign3A_343 = arith.extui %sign3A_342 : i1 to i32
          %sign3A_344 = arith.subi %sign3A_340, %sign3A_343 : i32
          %ne3A_345 = arith.cmpi ne, %sign3A_337, %sign3A_344 : i32
          %rem3A_346 = arith.remsi %add3A_328, %jit3A_329 : i32
          %ne3A_347 = arith.constant 0 : i32
          %ne3A_348 = arith.cmpi ne, %rem3A_346, %ne3A_347 : i32
          %and3A_349 = arith.andi %ne3A_345, %ne3A_348 : i1
          %sub3A_350 = arith.constant 1 : i32
          %sub3A_351 = arith.subi %div3A_330, %sub3A_350 : i32
          %select_n3A_352 = arith.select %and3A_349, %sub3A_351, %div3A_330 : i32
          %jit3A_353 = arith.constant 16 : i32
          %div3A_354 = arith.divsi %select_n3A_323, %jit3A_353 : i32
          %sign3A_355 = arith.constant 0 : i32
          %sign3A_356 = arith.cmpi sgt, %select_n3A_323, %sign3A_355 : i32
          %sign3A_357 = arith.extui %sign3A_356 : i1 to i32
          %sign3A_358 = arith.constant 0 : i32
          %sign3A_359 = arith.cmpi slt, %select_n3A_323, %sign3A_358 : i32
          %sign3A_360 = arith.extui %sign3A_359 : i1 to i32
          %sign3A_361 = arith.subi %sign3A_357, %sign3A_360 : i32
          %sign3A_362 = arith.constant 0 : i32
          %sign3A_363 = arith.cmpi sgt, %jit3A_353, %sign3A_362 : i32
          %sign3A_364 = arith.extui %sign3A_363 : i1 to i32
          %sign3A_365 = arith.constant 0 : i32
          %sign3A_366 = arith.cmpi slt, %jit3A_353, %sign3A_365 : i32
          %sign3A_367 = arith.extui %sign3A_366 : i1 to i32
          %sign3A_368 = arith.subi %sign3A_364, %sign3A_367 : i32
          %ne3A_369 = arith.cmpi ne, %sign3A_361, %sign3A_368 : i32
          %rem3A_370 = arith.remsi %select_n3A_323, %jit3A_353 : i32
          %ne3A_371 = arith.constant 0 : i32
          %ne3A_372 = arith.cmpi ne, %rem3A_370, %ne3A_371 : i32
          %and3A_373 = arith.andi %ne3A_369, %ne3A_372 : i1
          %sub3A_374 = arith.constant 1 : i32
          %sub3A_375 = arith.subi %div3A_354, %sub3A_374 : i32
          %select_n3A_376 = arith.select %and3A_373, %sub3A_375, %div3A_354 : i32
          %mul3A_377 = arith.constant 16 : i32
          %mul3A_378 = arith.muli %select_n3A_376, %mul3A_377 : i32
          %multiple_of3A_379 = tpu.assume_multiple %mul3A_378, 16 : i32
          %get3A_380 = arith.index_cast %scan3A_68 : i32 to index
          %get3A_381 = arith.index_cast %multiple_of3A_379 : i32 to index
          %get3A_382 = tpu.vector_load %arg6[%get3A_380, %get3A_381] {strides = array<i32>} : memref<4x4096xf32, #tpu.memory_space<vmem>>, vector<1x16xf32>,
          %get3A_383 = vector.shape_cast %get3A_382 : vector<1x16xf32> to vector<16xf32>
          %sub3A_384 = arith.subi %select_n3A_323, %mul3A_378 : i32
          %ge3A = vector.broadcast %sub3A_384 : i32 to vector<16xi32>
          %ge3A_385 = arith.cmpi sge, %iota3A, %ge3A : vector<16xi32>
          %sub3A_386 = arith.subi %select_n3A_352, %mul3A_378 : i32
          %lt3A_387 = vector.broadcast %sub3A_386 : i32 to vector<16xi32>
          %lt3A_388 = arith.cmpi slt, %iota3A, %lt3A_387 : vector<16xi32>
          %and3A_389 = arith.andi %ge3A_385, %lt3A_388 : vector<16xi1>
          %jit3A_390 = arith.constant 0xFF800000 : f32
          %broadcast_in_dim3A_391 = vector.broadcast %jit3A_390 : f32 to vector<16xf32>
          %select_n3A_392 = arith.select %and3A_389, %get3A_383, %broadcast_in_dim3A_391 : vector<16xi1>, vector<16xf32>
          %jit3A_393 = arith.constant 0x7F800000 : f32
          %broadcast_in_dim3A_394 = vector.broadcast %jit3A_393 : f32 to vector<16xf32>
          %select_n3A_395 = arith.select %and3A_389, %get3A_383, %broadcast_in_dim3A_394 : vector<16xi1>, vector<16xf32>
          %sub3A_396 = arith.subi %select_n3A_352, %mul3A_378 : i32
          %jit3A_397 = arith.constant 16 : i32
          %div3A_398 = arith.divsi %sub3A_396, %jit3A_397 : i32
          %sign3A_399 = arith.constant 0 : i32
          %sign3A_400 = arith.cmpi sgt, %sub3A_396, %sign3A_399 : i32
          %sign3A_401 = arith.extui %sign3A_400 : i1 to i32
          %sign3A_402 = arith.constant 0 : i32
          %sign3A_403 = arith.cmpi slt, %sub3A_396, %sign3A_402 : i32
          %sign3A_404 = arith.extui %sign3A_403 : i1 to i32
          %sign3A_405 = arith.subi %sign3A_401, %sign3A_404 : i32
          %sign3A_406 = arith.constant 0 : i32
          %sign3A_407 = arith.cmpi sgt, %jit3A_397, %sign3A_406 : i32
          %sign3A_408 = arith.extui %sign3A_407 : i1 to i32
          %sign3A_409 = arith.constant 0 : i32
          %sign3A_410 = arith.cmpi slt, %jit3A_397, %sign3A_409 : i32
          %sign3A_411 = arith.extui %sign3A_410 : i1 to i32
          %sign3A_412 = arith.subi %sign3A_408, %sign3A_411 : i32
          %ne3A_413 = arith.cmpi ne, %sign3A_405, %sign3A_412 : i32
          %rem3A_414 = arith.remsi %sub3A_396, %jit3A_397 : i32
          %ne3A_415 = arith.constant 0 : i32
          %ne3A_416 = arith.cmpi ne, %rem3A_414, %ne3A_415 : i32
          %and3A_417 = arith.andi %ne3A_413, %ne3A_416 : i1
          %sub3A_418 = arith.constant 1 : i32
          %sub3A_419 = arith.subi %div3A_398, %sub3A_418 : i32
          %select_n3A_420 = arith.select %and3A_417, %sub3A_419, %div3A_398 : i32
          %sub3A_421 = arith.constant 1 : i32
          %sub3A_422 = arith.subi %select_n3A_420, %sub3A_421 : i32
          %max3A_423 = arith.constant 0 : i32
          %max3A_424 = arith.maxsi %sub3A_422, %max3A_423 : i32
          %add3A_425 = arith.constant 16 : i32
          %add3A_426 = arith.addi %mul3A_378, %add3A_425 : i32
          %jit3A_427 = arith.constant 8 : i32
          %div3A_428 = arith.divsi %max3A_424, %jit3A_427 : i32
          %sign3A_429 = arith.constant 0 : i32
          %sign3A_430 = arith.cmpi sgt, %max3A_424, %sign3A_429 : i32
          %sign3A_431 = arith.extui %sign3A_430 : i1 to i32
          %sign3A_432 = arith.constant 0 : i32
          %sign3A_433 = arith.cmpi slt, %max3A_424, %sign3A_432 : i32
          %sign3A_434 = arith.extui %sign3A_433 : i1 to i32
          %sign3A_435 = arith.subi %sign3A_431, %sign3A_434 : i32
          %sign3A_436 = arith.constant 0 : i32
          %sign3A_437 = arith.cmpi sgt, %jit3A_427, %sign3A_436 : i32
          %sign3A_438 = arith.extui %sign3A_437 : i1 to i32
          %sign3A_439 = arith.constant 0 : i32
          %sign3A_440 = arith.cmpi slt, %jit3A_427, %sign3A_439 : i32
          %sign3A_441 = arith.extui %sign3A_440 : i1 to i32
          %sign3A_442 = arith.subi %sign3A_438, %sign3A_441 : i32
          %ne3A_443 = arith.cmpi ne, %sign3A_435, %sign3A_442 : i32
          %rem3A_444 = arith.remsi %max3A_424, %jit3A_427 : i32
          %ne3A_445 = arith.constant 0 : i32
          %ne3A_446 = arith.cmpi ne, %rem3A_444, %ne3A_445 : i32
          %and3A_447 = arith.andi %ne3A_443, %ne3A_446 : i1
          %sub3A_448 = arith.constant 1 : i32
          %sub3A_449 = arith.subi %div3A_428, %sub3A_448 : i32
          %select_n3A_450 = arith.select %and3A_447, %sub3A_449, %div3A_428 : i32
          %parallel_loop3A = arith.constant 0 : i32
          %parallel_loop3A_451 = arith.constant 1 : i32
          %parallel_loop3A_452:2 = scf.for %parallel_loop3A_626 = %parallel_loop3A to %select_n3A_450 step %parallel_loop3A_451 iter_args(%parallel_loop3A_627 = %select_n3A_392, %parallel_loop3A_628 = %select_n3A_395) -> (vector<16xf32>, vector<16xf32>)  : i32 {
            %parallel_loop3A_629 = arith.constant 128 : i32
            %parallel_loop3A_630 = arith.muli %parallel_loop3A_626, %parallel_loop3A_629 : i32
            %parallel_loop3A_631 = arith.addi %add3A_426, %parallel_loop3A_630 : i32
            %parallel_loop3A_632 = arith.constant 0 : i32
            %parallel_loop3A_633 = arith.addi %parallel_loop3A_631, %parallel_loop3A_632 : i32
            %parallel_loop3A_634 = tpu.assume_multiple %parallel_loop3A_633, 16 : i32
            %parallel_loop3A_635 = arith.index_cast %scan3A_68 : i32 to index
            %parallel_loop3A_636 = arith.index_cast %parallel_loop3A_634 : i32 to index
            %parallel_loop3A_637 = tpu.vector_load %arg6[%parallel_loop3A_635, %parallel_loop3A_636] {strides = array<i32>} : memref<4x4096xf32, #tpu.memory_space<vmem>>, vector<1x16xf32>,
            %parallel_loop3A_638 = vector.shape_cast %parallel_loop3A_637 : vector<1x16xf32> to vector<16xf32>
            %parallel_loop3A_639 = arith.constant 16 : i32
            %parallel_loop3A_640 = arith.addi %parallel_loop3A_631, %parallel_loop3A_639 : i32
            %parallel_loop3A_641 = tpu.assume_multiple %parallel_loop3A_640, 16 : i32
            %parallel_loop3A_642 = arith.index_cast %scan3A_68 : i32 to index
            %parallel_loop3A_643 = arith.index_cast %parallel_loop3A_641 : i32 to index
            %parallel_loop3A_644 = tpu.vector_load %arg6[%parallel_loop3A_642, %parallel_loop3A_643] {strides = array<i32>} : memref<4x4096xf32, #tpu.memory_space<vmem>>, vector<1x16xf32>,
            %parallel_loop3A_645 = vector.shape_cast %parallel_loop3A_644 : vector<1x16xf32> to vector<16xf32>
            %parallel_loop3A_646 = arith.constant 32 : i32
            %parallel_loop3A_647 = arith.addi %parallel_loop3A_631, %parallel_loop3A_646 : i32
            %parallel_loop3A_648 = tpu.assume_multiple %parallel_loop3A_647, 16 : i32
            %parallel_loop3A_649 = arith.index_cast %scan3A_68 : i32 to index
            %parallel_loop3A_650 = arith.index_cast %parallel_loop3A_648 : i32 to index
            %parallel_loop3A_651 = tpu.vector_load %arg6[%parallel_loop3A_649, %parallel_loop3A_650] {strides = array<i32>} : memref<4x4096xf32, #tpu.memory_space<vmem>>, vector<1x16xf32>,
            %parallel_loop3A_652 = vector.shape_cast %parallel_loop3A_651 : vector<1x16xf32> to vector<16xf32>
            %parallel_loop3A_653 = arith.constant 48 : i32
            %parallel_loop3A_654 = arith.addi %parallel_loop3A_631, %parallel_loop3A_653 : i32
            %parallel_loop3A_655 = tpu.assume_multiple %parallel_loop3A_654, 16 : i32
            %parallel_loop3A_656 = arith.index_cast %scan3A_68 : i32 to index
            %parallel_loop3A_657 = arith.index_cast %parallel_loop3A_655 : i32 to index
            %parallel_loop3A_658 = tpu.vector_load %arg6[%parallel_loop3A_656, %parallel_loop3A_657] {strides = array<i32>} : memref<4x4096xf32, #tpu.memory_space<vmem>>, vector<1x16xf32>,
            %parallel_loop3A_659 = vector.shape_cast %parallel_loop3A_658 : vector<1x16xf32> to vector<16xf32>
            %parallel_loop3A_660 = arith.constant 64 : i32
            %parallel_loop3A_661 = arith.addi %parallel_loop3A_631, %parallel_loop3A_660 : i32
            %parallel_loop3A_662 = tpu.assume_multiple %parallel_loop3A_661, 16 : i32
            %parallel_loop3A_663 = arith.index_cast %scan3A_68 : i32 to index
            %parallel_loop3A_664 = arith.index_cast %parallel_loop3A_662 : i32 to index
            %parallel_loop3A_665 = tpu.vector_load %arg6[%parallel_loop3A_663, %parallel_loop3A_664] {strides = array<i32>} : memref<4x4096xf32, #tpu.memory_space<vmem>>, vector<1x16xf32>,
            %parallel_loop3A_666 = vector.shape_cast %parallel_loop3A_665 : vector<1x16xf32> to vector<16xf32>
            %parallel_loop3A_667 = arith.constant 80 : i32
            %parallel_loop3A_668 = arith.addi %parallel_loop3A_631, %parallel_loop3A_667 : i32
            %parallel_loop3A_669 = tpu.assume_multiple %parallel_loop3A_668, 16 : i32
            %parallel_loop3A_670 = arith.index_cast %scan3A_68 : i32 to index
            %parallel_loop3A_671 = arith.index_cast %parallel_loop3A_669 : i32 to index
            %parallel_loop3A_672 = tpu.vector_load %arg6[%parallel_loop3A_670, %parallel_loop3A_671] {strides = array<i32>} : memref<4x4096xf32, #tpu.memory_space<vmem>>, vector<1x16xf32>,
            %parallel_loop3A_673 = vector.shape_cast %parallel_loop3A_672 : vector<1x16xf32> to vector<16xf32>
            %parallel_loop3A_674 = arith.constant 96 : i32
            %parallel_loop3A_675 = arith.addi %parallel_loop3A_631, %parallel_loop3A_674 : i32
            %parallel_loop3A_676 = tpu.assume_multiple %parallel_loop3A_675, 16 : i32
            %parallel_loop3A_677 = arith.index_cast %scan3A_68 : i32 to index
            %parallel_loop3A_678 = arith.index_cast %parallel_loop3A_676 : i32 to index
            %parallel_loop3A_679 = tpu.vector_load %arg6[%parallel_loop3A_677, %parallel_loop3A_678] {strides = array<i32>} : memref<4x4096xf32, #tpu.memory_space<vmem>>, vector<1x16xf32>,
            %parallel_loop3A_680 = vector.shape_cast %parallel_loop3A_679 : vector<1x16xf32> to vector<16xf32>
            %parallel_loop3A_681 = arith.constant 112 : i32
            %parallel_loop3A_682 = arith.addi %parallel_loop3A_631, %parallel_loop3A_681 : i32
            %parallel_loop3A_683 = tpu.assume_multiple %parallel_loop3A_682, 16 : i32
            %parallel_loop3A_684 = arith.index_cast %scan3A_68 : i32 to index
            %parallel_loop3A_685 = arith.index_cast %parallel_loop3A_683 : i32 to index
            %parallel_loop3A_686 = tpu.vector_load %arg6[%parallel_loop3A_684, %parallel_loop3A_685] {strides = array<i32>} : memref<4x4096xf32, #tpu.memory_space<vmem>>, vector<1x16xf32>,
            %parallel_loop3A_687 = vector.shape_cast %parallel_loop3A_686 : vector<1x16xf32> to vector<16xf32>
            %parallel_loop3A_688 = arith.maximumf %parallel_loop3A_638, %parallel_loop3A_645 : vector<16xf32>
            %parallel_loop3A_689 = arith.maximumf %parallel_loop3A_652, %parallel_loop3A_659 : vector<16xf32>
            %parallel_loop3A_690 = arith.maximumf %parallel_loop3A_666, %parallel_loop3A_673 : vector<16xf32>
            %parallel_loop3A_691 = arith.maximumf %parallel_loop3A_680, %parallel_loop3A_687 : vector<16xf32>
            %parallel_loop3A_692 = arith.minimumf %parallel_loop3A_638, %parallel_loop3A_645 : vector<16xf32>
            %parallel_loop3A_693 = arith.minimumf %parallel_loop3A_652, %parallel_loop3A_659 : vector<16xf32>
            %parallel_loop3A_694 = arith.minimumf %parallel_loop3A_666, %parallel_loop3A_673 : vector<16xf32>
            %parallel_loop3A_695 = arith.minimumf %parallel_loop3A_680, %parallel_loop3A_687 : vector<16xf32>
            %parallel_loop3A_696 = arith.maximumf %parallel_loop3A_688, %parallel_loop3A_689 : vector<16xf32>
            %parallel_loop3A_697 = arith.maximumf %parallel_loop3A_690, %parallel_loop3A_691 : vector<16xf32>
            %parallel_loop3A_698 = arith.minimumf %parallel_loop3A_692, %parallel_loop3A_693 : vector<16xf32>
            %parallel_loop3A_699 = arith.minimumf %parallel_loop3A_694, %parallel_loop3A_695 : vector<16xf32>
            %parallel_loop3A_700 = arith.maximumf %parallel_loop3A_696, %parallel_loop3A_697 : vector<16xf32>
            %parallel_loop3A_701 = arith.minimumf %parallel_loop3A_698, %parallel_loop3A_699 : vector<16xf32>
            %parallel_loop3A_702 = arith.maximumf %parallel_loop3A_627, %parallel_loop3A_700 : vector<16xf32>
            %parallel_loop3A_703 = arith.minimumf %parallel_loop3A_628, %parallel_loop3A_701 : vector<16xf32>
            scf.yield %parallel_loop3A_702, %parallel_loop3A_703 : vector<16xf32>, vector<16xf32>
          } {sc.loop_unroll_factor = 1 : i64, sc.parallel_access}
          %sub3A_453 = arith.constant 8 : i32
          %sub3A_454 = arith.subi %max3A_424, %sub3A_453 : i32
          %max3A_455 = arith.constant 0 : i32
          %max3A_456 = arith.maxsi %sub3A_454, %max3A_455 : i32
          %mul3A_457 = arith.constant 16 : i32
          %mul3A_458 = arith.muli %max3A_456, %mul3A_457 : i32
          %add3A_459 = arith.addi %add3A_426, %mul3A_458 : i32
          %add3A_460 = arith.constant 0 : i32
          %add3A_461 = arith.addi %add3A_459, %add3A_460 : i32
          %multiple_of3A_462 = tpu.assume_multiple %add3A_461, 16 : i32
          %get3A_463 = arith.index_cast %scan3A_68 : i32 to index
          %get3A_464 = arith.index_cast %multiple_of3A_462 : i32 to index
          %get3A_465 = tpu.vector_load %arg6[%get3A_463, %get3A_464] {strides = array<i32>} : memref<4x4096xf32, #tpu.memory_space<vmem>>, vector<1x16xf32>,
          %get3A_466 = vector.shape_cast %get3A_465 : vector<1x16xf32> to vector<16xf32>
          %add3A_467 = arith.constant 16 : i32
          %add3A_468 = arith.addi %add3A_459, %add3A_467 : i32
          %multiple_of3A_469 = tpu.assume_multiple %add3A_468, 16 : i32
          %get3A_470 = arith.index_cast %scan3A_68 : i32 to index
          %get3A_471 = arith.index_cast %multiple_of3A_469 : i32 to index
          %get3A_472 = tpu.vector_load %arg6[%get3A_470, %get3A_471] {strides = array<i32>} : memref<4x4096xf32, #tpu.memory_space<vmem>>, vector<1x16xf32>,
          %get3A_473 = vector.shape_cast %get3A_472 : vector<1x16xf32> to vector<16xf32>
          %add3A_474 = arith.constant 32 : i32
          %add3A_475 = arith.addi %add3A_459, %add3A_474 : i32
          %multiple_of3A_476 = tpu.assume_multiple %add3A_475, 16 : i32
          %get3A_477 = arith.index_cast %scan3A_68 : i32 to index
          %get3A_478 = arith.index_cast %multiple_of3A_476 : i32 to index
          %get3A_479 = tpu.vector_load %arg6[%get3A_477, %get3A_478] {strides = array<i32>} : memref<4x4096xf32, #tpu.memory_space<vmem>>, vector<1x16xf32>,
          %get3A_480 = vector.shape_cast %get3A_479 : vector<1x16xf32> to vector<16xf32>
          %add3A_481 = arith.constant 48 : i32
          %add3A_482 = arith.addi %add3A_459, %add3A_481 : i32
          %multiple_of3A_483 = tpu.assume_multiple %add3A_482, 16 : i32
          %get3A_484 = arith.index_cast %scan3A_68 : i32 to index
          %get3A_485 = arith.index_cast %multiple_of3A_483 : i32 to index
          %get3A_486 = tpu.vector_load %arg6[%get3A_484, %get3A_485] {strides = array<i32>} : memref<4x4096xf32, #tpu.memory_space<vmem>>, vector<1x16xf32>,
          %get3A_487 = vector.shape_cast %get3A_486 : vector<1x16xf32> to vector<16xf32>
          %add3A_488 = arith.constant 64 : i32
          %add3A_489 = arith.addi %add3A_459, %add3A_488 : i32
          %multiple_of3A_490 = tpu.assume_multiple %add3A_489, 16 : i32
          %get3A_491 = arith.index_cast %scan3A_68 : i32 to index
          %get3A_492 = arith.index_cast %multiple_of3A_490 : i32 to index
          %get3A_493 = tpu.vector_load %arg6[%get3A_491, %get3A_492] {strides = array<i32>} : memref<4x4096xf32, #tpu.memory_space<vmem>>, vector<1x16xf32>,
          %get3A_494 = vector.shape_cast %get3A_493 : vector<1x16xf32> to vector<16xf32>
          %add3A_495 = arith.constant 80 : i32
          %add3A_496 = arith.addi %add3A_459, %add3A_495 : i32
          %multiple_of3A_497 = tpu.assume_multiple %add3A_496, 16 : i32
          %get3A_498 = arith.index_cast %scan3A_68 : i32 to index
          %get3A_499 = arith.index_cast %multiple_of3A_497 : i32 to index
          %get3A_500 = tpu.vector_load %arg6[%get3A_498, %get3A_499] {strides = array<i32>} : memref<4x4096xf32, #tpu.memory_space<vmem>>, vector<1x16xf32>,
          %get3A_501 = vector.shape_cast %get3A_500 : vector<1x16xf32> to vector<16xf32>
          %add3A_502 = arith.constant 96 : i32
          %add3A_503 = arith.addi %add3A_459, %add3A_502 : i32
          %multiple_of3A_504 = tpu.assume_multiple %add3A_503, 16 : i32
          %get3A_505 = arith.index_cast %scan3A_68 : i32 to index
          %get3A_506 = arith.index_cast %multiple_of3A_504 : i32 to index
          %get3A_507 = tpu.vector_load %arg6[%get3A_505, %get3A_506] {strides = array<i32>} : memref<4x4096xf32, #tpu.memory_space<vmem>>, vector<1x16xf32>,
          %get3A_508 = vector.shape_cast %get3A_507 : vector<1x16xf32> to vector<16xf32>
          %add3A_509 = arith.constant 112 : i32
          %add3A_510 = arith.addi %add3A_459, %add3A_509 : i32
          %multiple_of3A_511 = tpu.assume_multiple %add3A_510, 16 : i32
          %get3A_512 = arith.index_cast %scan3A_68 : i32 to index
          %get3A_513 = arith.index_cast %multiple_of3A_511 : i32 to index
          %get3A_514 = tpu.vector_load %arg6[%get3A_512, %get3A_513] {strides = array<i32>} : memref<4x4096xf32, #tpu.memory_space<vmem>>, vector<1x16xf32>,
          %get3A_515 = vector.shape_cast %get3A_514 : vector<1x16xf32> to vector<16xf32>
          %max3A_516 = arith.maximumf %get3A_466, %get3A_473 : vector<16xf32>
          %max3A_517 = arith.maximumf %get3A_480, %get3A_487 : vector<16xf32>
          %max3A_518 = arith.maximumf %get3A_494, %get3A_501 : vector<16xf32>
          %max3A_519 = arith.maximumf %get3A_508, %get3A_515 : vector<16xf32>
          %min3A_520 = arith.minimumf %get3A_466, %get3A_473 : vector<16xf32>
          %min3A_521 = arith.minimumf %get3A_480, %get3A_487 : vector<16xf32>
          %min3A_522 = arith.minimumf %get3A_494, %get3A_501 : vector<16xf32>
          %min3A_523 = arith.minimumf %get3A_508, %get3A_515 : vector<16xf32>
          %max3A_524 = arith.maximumf %max3A_516, %max3A_517 : vector<16xf32>
          %max3A_525 = arith.maximumf %max3A_518, %max3A_519 : vector<16xf32>
          %min3A_526 = arith.minimumf %min3A_520, %min3A_521 : vector<16xf32>
          %min3A_527 = arith.minimumf %min3A_522, %min3A_523 : vector<16xf32>
          %max3A_528 = arith.maximumf %max3A_524, %max3A_525 : vector<16xf32>
          %min3A_529 = arith.minimumf %min3A_526, %min3A_527 : vector<16xf32>
          %max3A_530 = arith.maximumf %parallel_loop3A_452#0, %max3A_528 : vector<16xf32>
          %min3A_531 = arith.minimumf %parallel_loop3A_452#1, %min3A_529 : vector<16xf32>
          %ge3A_532 = arith.constant 8 : i32
          %ge3A_533 = arith.cmpi sge, %max3A_424, %ge3A_532 : i32
          %select_n3A_534 = arith.select %ge3A_533, %max3A_530, %parallel_loop3A_452#0 : vector<16xf32>
          %select_n3A_535 = arith.select %ge3A_533, %min3A_531, %parallel_loop3A_452#1 : vector<16xf32>
          %jit3A_536 = arith.constant 0 : i32
          %select_n3A_537 = arith.select %ge3A_533, %jit3A_536, %max3A_424 : i32
          %parallel_loop3A_538 = arith.constant 0 : i32
          %parallel_loop3A_539 = arith.constant 1 : i32
          %parallel_loop3A_540:2 = scf.for %parallel_loop3A_626 = %parallel_loop3A_538 to %select_n3A_537 step %parallel_loop3A_539 iter_args(%parallel_loop3A_627 = %select_n3A_534, %parallel_loop3A_628 = %select_n3A_535) -> (vector<16xf32>, vector<16xf32>)  : i32 {
            %parallel_loop3A_629 = arith.constant 16 : i32
            %parallel_loop3A_630 = arith.muli %parallel_loop3A_626, %parallel_loop3A_629 : i32
            %parallel_loop3A_631 = arith.addi %add3A_426, %parallel_loop3A_630 : i32
            %parallel_loop3A_632 = tpu.assume_multiple %parallel_loop3A_631, 16 : i32
            %parallel_loop3A_633 = arith.index_cast %scan3A_68 : i32 to index
            %parallel_loop3A_634 = arith.index_cast %parallel_loop3A_632 : i32 to index
            %parallel_loop3A_635 = tpu.vector_load %arg6[%parallel_loop3A_633, %parallel_loop3A_634] {strides = array<i32>} : memref<4x4096xf32, #tpu.memory_space<vmem>>, vector<1x16xf32>,
            %parallel_loop3A_636 = vector.shape_cast %parallel_loop3A_635 : vector<1x16xf32> to vector<16xf32>
            %parallel_loop3A_637 = arith.maximumf %parallel_loop3A_627, %parallel_loop3A_636 : vector<16xf32>
            %parallel_loop3A_638 = arith.minimumf %parallel_loop3A_628, %parallel_loop3A_636 : vector<16xf32>
            scf.yield %parallel_loop3A_637, %parallel_loop3A_638 : vector<16xf32>, vector<16xf32>
          } {sc.loop_unroll_factor = 1 : i64, sc.parallel_access}
          %mul3A_541 = arith.constant 16 : i32
          %mul3A_542 = arith.muli %max3A_424, %mul3A_541 : i32
          %add3A_543 = arith.addi %add3A_426, %mul3A_542 : i32
          %min3A_544 = arith.constant 4080 : i32
          %min3A_545 = arith.minsi %add3A_543, %min3A_544 : i32
          %multiple_of3A_546 = tpu.assume_multiple %min3A_545, 16 : i32
          %get3A_547 = arith.index_cast %scan3A_68 : i32 to index
          %get3A_548 = arith.index_cast %multiple_of3A_546 : i32 to index
          %get3A_549 = tpu.vector_load %arg6[%get3A_547, %get3A_548] {strides = array<i32>} : memref<4x4096xf32, #tpu.memory_space<vmem>>, vector<1x16xf32>,
          %get3A_550 = vector.shape_cast %get3A_549 : vector<1x16xf32> to vector<16xf32>
          %sub3A_551 = arith.subi %select_n3A_352, %add3A_543 : i32
          %lt3A_552 = vector.broadcast %sub3A_551 : i32 to vector<16xi32>
          %lt3A_553 = arith.cmpi slt, %iota3A, %lt3A_552 : vector<16xi32>
          %jit3A_554 = arith.constant 0xFF800000 : f32
          %broadcast_in_dim3A_555 = vector.broadcast %jit3A_554 : f32 to vector<16xf32>
          %select_n3A_556 = arith.select %lt3A_553, %get3A_550, %broadcast_in_dim3A_555 : vector<16xi1>, vector<16xf32>
          %max3A_557 = arith.maximumf %parallel_loop3A_540#0, %select_n3A_556 : vector<16xf32>
          %jit3A_558 = arith.constant 0x7F800000 : f32
          %broadcast_in_dim3A_559 = vector.broadcast %jit3A_558 : f32 to vector<16xf32>
          %select_n3A_560 = arith.select %lt3A_553, %get3A_550, %broadcast_in_dim3A_559 : vector<16xi1>, vector<16xf32>
          %min3A_561 = arith.minimumf %parallel_loop3A_540#1, %select_n3A_560 : vector<16xf32>
          %xor3A_562 = arith.constant 1 : i32
          %xor3A_563 = vector.broadcast %xor3A_562 : i32 to vector<16xi32>
          %xor3A_564 = arith.xori %iota3A, %xor3A_563 : vector<16xi32>
          %broadcast_in_dim3A_565 = vector.shape_cast %xor3A_564 : vector<16xi32> to vector<16x1xi32>
          %gather3A_566 = vector.shape_cast %broadcast_in_dim3A_565 : vector<16x1xi32> to vector<16xi32>
          %gather3A_567 = tpu.dynamic_gather %max3A_557[%gather3A_566] in [0] : vector<16xf32>, vector<16xi32> -> vector<16xf32>
          %max3A_568 = arith.maximumf %max3A_557, %gather3A_567 : vector<16xf32>
          %xor3A_569 = arith.constant 1 : i32
          %xor3A_570 = vector.broadcast %xor3A_569 : i32 to vector<16xi32>
          %xor3A_571 = arith.xori %iota3A, %xor3A_570 : vector<16xi32>
          %broadcast_in_dim3A_572 = vector.shape_cast %xor3A_571 : vector<16xi32> to vector<16x1xi32>
          %gather3A_573 = vector.shape_cast %broadcast_in_dim3A_572 : vector<16x1xi32> to vector<16xi32>
          %gather3A_574 = tpu.dynamic_gather %min3A_561[%gather3A_573] in [0] : vector<16xf32>, vector<16xi32> -> vector<16xf32>
          %min3A_575 = arith.minimumf %min3A_561, %gather3A_574 : vector<16xf32>
          %xor3A_576 = arith.constant 2 : i32
          %xor3A_577 = vector.broadcast %xor3A_576 : i32 to vector<16xi32>
          %xor3A_578 = arith.xori %iota3A, %xor3A_577 : vector<16xi32>
          %broadcast_in_dim3A_579 = vector.shape_cast %xor3A_578 : vector<16xi32> to vector<16x1xi32>
          %gather3A_580 = vector.shape_cast %broadcast_in_dim3A_579 : vector<16x1xi32> to vector<16xi32>
          %gather3A_581 = tpu.dynamic_gather %max3A_568[%gather3A_580] in [0] : vector<16xf32>, vector<16xi32> -> vector<16xf32>
          %max3A_582 = arith.maximumf %max3A_568, %gather3A_581 : vector<16xf32>
          %xor3A_583 = arith.constant 2 : i32
          %xor3A_584 = vector.broadcast %xor3A_583 : i32 to vector<16xi32>
          %xor3A_585 = arith.xori %iota3A, %xor3A_584 : vector<16xi32>
          %broadcast_in_dim3A_586 = vector.shape_cast %xor3A_585 : vector<16xi32> to vector<16x1xi32>
          %gather3A_587 = vector.shape_cast %broadcast_in_dim3A_586 : vector<16x1xi32> to vector<16xi32>
          %gather3A_588 = tpu.dynamic_gather %min3A_575[%gather3A_587] in [0] : vector<16xf32>, vector<16xi32> -> vector<16xf32>
          %min3A_589 = arith.minimumf %min3A_575, %gather3A_588 : vector<16xf32>
          %xor3A_590 = arith.constant 4 : i32
          %xor3A_591 = vector.broadcast %xor3A_590 : i32 to vector<16xi32>
          %xor3A_592 = arith.xori %iota3A, %xor3A_591 : vector<16xi32>
          %broadcast_in_dim3A_593 = vector.shape_cast %xor3A_592 : vector<16xi32> to vector<16x1xi32>
          %gather3A_594 = vector.shape_cast %broadcast_in_dim3A_593 : vector<16x1xi32> to vector<16xi32>
          %gather3A_595 = tpu.dynamic_gather %max3A_582[%gather3A_594] in [0] : vector<16xf32>, vector<16xi32> -> vector<16xf32>
          %max3A_596 = arith.maximumf %max3A_582, %gather3A_595 : vector<16xf32>
          %xor3A_597 = arith.constant 4 : i32
          %xor3A_598 = vector.broadcast %xor3A_597 : i32 to vector<16xi32>
          %xor3A_599 = arith.xori %iota3A, %xor3A_598 : vector<16xi32>
          %broadcast_in_dim3A_600 = vector.shape_cast %xor3A_599 : vector<16xi32> to vector<16x1xi32>
          %gather3A_601 = vector.shape_cast %broadcast_in_dim3A_600 : vector<16x1xi32> to vector<16xi32>
          %gather3A_602 = tpu.dynamic_gather %min3A_589[%gather3A_601] in [0] : vector<16xf32>, vector<16xi32> -> vector<16xf32>
          %min3A_603 = arith.minimumf %min3A_589, %gather3A_602 : vector<16xf32>
          %xor3A_604 = arith.constant 8 : i32
          %xor3A_605 = vector.broadcast %xor3A_604 : i32 to vector<16xi32>
          %xor3A_606 = arith.xori %iota3A, %xor3A_605 : vector<16xi32>
          %broadcast_in_dim3A_607 = vector.shape_cast %xor3A_606 : vector<16xi32> to vector<16x1xi32>
          %gather3A_608 = vector.shape_cast %broadcast_in_dim3A_607 : vector<16x1xi32> to vector<16xi32>
          %gather3A_609 = tpu.dynamic_gather %max3A_596[%gather3A_608] in [0] : vector<16xf32>, vector<16xi32> -> vector<16xf32>
          %max3A_610 = arith.maximumf %max3A_596, %gather3A_609 : vector<16xf32>
          %xor3A_611 = arith.constant 8 : i32
          %xor3A_612 = vector.broadcast %xor3A_611 : i32 to vector<16xi32>
          %xor3A_613 = arith.xori %iota3A, %xor3A_612 : vector<16xi32>
          %broadcast_in_dim3A_614 = vector.shape_cast %xor3A_613 : vector<16xi32> to vector<16x1xi32>
          %gather3A_615 = vector.shape_cast %broadcast_in_dim3A_614 : vector<16x1xi32> to vector<16xi32>
          %gather3A_616 = tpu.dynamic_gather %min3A_603[%gather3A_615] in [0] : vector<16xf32>, vector<16xi32> -> vector<16xf32>
          %min3A_617 = arith.minimumf %min3A_603, %gather3A_616 : vector<16xf32>
          %eq3A_618 = vector.broadcast %scan3A_301 : i32 to vector<16xi32>
          %eq3A_619 = arith.cmpi eq, %iota3A, %eq3A_618 : vector<16xi32>
          %select_n3A_620 = arith.select %eq3A_619, %min3A_617, %scan3A_302 : vector<16xi1>, vector<16xf32>
          %add3A_621 = arith.constant 5 : i32
          %add3A_622 = arith.addi %add3A_621, %scan3A_301 : i32
          %eq3A_623 = vector.broadcast %add3A_622 : i32 to vector<16xi32>
          %eq3A_624 = arith.cmpi eq, %iota3A, %eq3A_623 : vector<16xi32>
          %select_n3A_625 = arith.select %eq3A_624, %max3A_610, %select_n3A_620 : vector<16xi1>, vector<16xf32>
          scf.yield %select_n3A_625 : vector<16xf32>
        }
        %scan3A_83 = arith.constant 5 : i32
        %xor3A = arith.constant 1 : i32
        %xor3A_84 = vector.broadcast %xor3A : i32 to vector<16xi32>
        %xor3A_85 = arith.xori %iota3A, %xor3A_84 : vector<16xi32>
        %broadcast_in_dim3A_86 = vector.shape_cast %xor3A_85 : vector<16xi32> to vector<16x1xi32>
        %gather3A = vector.shape_cast %broadcast_in_dim3A_86 : vector<16x1xi32> to vector<16xi32>
        %gather3A_87 = tpu.dynamic_gather %scan3A_82[%gather3A] in [0] : vector<16xf32>, vector<16xi32> -> vector<16xf32>
        %and3A = arith.constant 1 : i32
        %and3A_88 = vector.broadcast %and3A : i32 to vector<16xi32>
        %and3A_89 = arith.andi %iota3A, %and3A_88 : vector<16xi32>
        %eq3A = arith.constant 0 : i32
        %eq3A_90 = vector.broadcast %eq3A : i32 to vector<16xi32>
        %eq3A_91 = arith.cmpi eq, %and3A_89, %eq3A_90 : vector<16xi32>
        %and3A_92 = arith.constant 2 : i32
        %and3A_93 = vector.broadcast %and3A_92 : i32 to vector<16xi32>
        %and3A_94 = arith.andi %iota3A, %and3A_93 : vector<16xi32>
        %ne3A = arith.constant 0 : i32
        %ne3A_95 = vector.broadcast %ne3A : i32 to vector<16xi32>
        %ne3A_96 = arith.cmpi ne, %and3A_94, %ne3A_95 : vector<16xi32>
        %ne3A_97 = arith.xori %eq3A_91, %ne3A_96 : vector<16xi1>
        %min3A = arith.minimumf %scan3A_82, %gather3A_87 : vector<16xf32>
        %max3A = arith.maximumf %scan3A_82, %gather3A_87 : vector<16xf32>
        %select_n3A = arith.select %ne3A_97, %min3A, %max3A : vector<16xi1>, vector<16xf32>
        %xor3A_98 = arith.constant 2 : i32
        %xor3A_99 = vector.broadcast %xor3A_98 : i32 to vector<16xi32>
        %xor3A_100 = arith.xori %iota3A, %xor3A_99 : vector<16xi32>
        %broadcast_in_dim3A_101 = vector.shape_cast %xor3A_100 : vector<16xi32> to vector<16x1xi32>
        %gather3A_102 = vector.shape_cast %broadcast_in_dim3A_101 : vector<16x1xi32> to vector<16xi32>
        %gather3A_103 = tpu.dynamic_gather %select_n3A[%gather3A_102] in [0] : vector<16xf32>, vector<16xi32> -> vector<16xf32>
        %and3A_104 = arith.constant 2 : i32
        %and3A_105 = vector.broadcast %and3A_104 : i32 to vector<16xi32>
        %and3A_106 = arith.andi %iota3A, %and3A_105 : vector<16xi32>
        %eq3A_107 = arith.constant 0 : i32
        %eq3A_108 = vector.broadcast %eq3A_107 : i32 to vector<16xi32>
        %eq3A_109 = arith.cmpi eq, %and3A_106, %eq3A_108 : vector<16xi32>
        %and3A_110 = arith.constant 4 : i32
        %and3A_111 = vector.broadcast %and3A_110 : i32 to vector<16xi32>
        %and3A_112 = arith.andi %iota3A, %and3A_111 : vector<16xi32>
        %ne3A_113 = arith.constant 0 : i32
        %ne3A_114 = vector.broadcast %ne3A_113 : i32 to vector<16xi32>
        %ne3A_115 = arith.cmpi ne, %and3A_112, %ne3A_114 : vector<16xi32>
        %ne3A_116 = arith.xori %eq3A_109, %ne3A_115 : vector<16xi1>
        %min3A_117 = arith.minimumf %select_n3A, %gather3A_103 : vector<16xf32>
        %max3A_118 = arith.maximumf %select_n3A, %gather3A_103 : vector<16xf32>
        %select_n3A_119 = arith.select %ne3A_116, %min3A_117, %max3A_118 : vector<16xi1>, vector<16xf32>
        %xor3A_120 = arith.constant 1 : i32
        %xor3A_121 = vector.broadcast %xor3A_120 : i32 to vector<16xi32>
        %xor3A_122 = arith.xori %iota3A, %xor3A_121 : vector<16xi32>
        %broadcast_in_dim3A_123 = vector.shape_cast %xor3A_122 : vector<16xi32> to vector<16x1xi32>
        %gather3A_124 = vector.shape_cast %broadcast_in_dim3A_123 : vector<16x1xi32> to vector<16xi32>
        %gather3A_125 = tpu.dynamic_gather %select_n3A_119[%gather3A_124] in [0] : vector<16xf32>, vector<16xi32> -> vector<16xf32>
        %and3A_126 = arith.constant 1 : i32
        %and3A_127 = vector.broadcast %and3A_126 : i32 to vector<16xi32>
        %and3A_128 = arith.andi %iota3A, %and3A_127 : vector<16xi32>
        %eq3A_129 = arith.constant 0 : i32
        %eq3A_130 = vector.broadcast %eq3A_129 : i32 to vector<16xi32>
        %eq3A_131 = arith.cmpi eq, %and3A_128, %eq3A_130 : vector<16xi32>
        %and3A_132 = arith.constant 4 : i32
        %and3A_133 = vector.broadcast %and3A_132 : i32 to vector<16xi32>
        %and3A_134 = arith.andi %iota3A, %and3A_133 : vector<16xi32>
        %ne3A_135 = arith.constant 0 : i32
        %ne3A_136 = vector.broadcast %ne3A_135 : i32 to vector<16xi32>
        %ne3A_137 = arith.cmpi ne, %and3A_134, %ne3A_136 : vector<16xi32>
        %ne3A_138 = arith.xori %eq3A_131, %ne3A_137 : vector<16xi1>
        %min3A_139 = arith.minimumf %select_n3A_119, %gather3A_125 : vector<16xf32>
        %max3A_140 = arith.maximumf %select_n3A_119, %gather3A_125 : vector<16xf32>
        %select_n3A_141 = arith.select %ne3A_138, %min3A_139, %max3A_140 : vector<16xi1>, vector<16xf32>
        %xor3A_142 = arith.constant 4 : i32
        %xor3A_143 = vector.broadcast %xor3A_142 : i32 to vector<16xi32>
        %xor3A_144 = arith.xori %iota3A, %xor3A_143 : vector<16xi32>
        %broadcast_in_dim3A_145 = vector.shape_cast %xor3A_144 : vector<16xi32> to vector<16x1xi32>
        %gather3A_146 = vector.shape_cast %broadcast_in_dim3A_145 : vector<16x1xi32> to vector<16xi32>
        %gather3A_147 = tpu.dynamic_gather %select_n3A_141[%gather3A_146] in [0] : vector<16xf32>, vector<16xi32> -> vector<16xf32>
        %and3A_148 = arith.constant 4 : i32
        %and3A_149 = vector.broadcast %and3A_148 : i32 to vector<16xi32>
        %and3A_150 = arith.andi %iota3A, %and3A_149 : vector<16xi32>
        %eq3A_151 = arith.constant 0 : i32
        %eq3A_152 = vector.broadcast %eq3A_151 : i32 to vector<16xi32>
        %eq3A_153 = arith.cmpi eq, %and3A_150, %eq3A_152 : vector<16xi32>
        %and3A_154 = arith.constant 8 : i32
        %and3A_155 = vector.broadcast %and3A_154 : i32 to vector<16xi32>
        %and3A_156 = arith.andi %iota3A, %and3A_155 : vector<16xi32>
        %ne3A_157 = arith.constant 0 : i32
        %ne3A_158 = vector.broadcast %ne3A_157 : i32 to vector<16xi32>
        %ne3A_159 = arith.cmpi ne, %and3A_156, %ne3A_158 : vector<16xi32>
        %ne3A_160 = arith.xori %eq3A_153, %ne3A_159 : vector<16xi1>
        %min3A_161 = arith.minimumf %select_n3A_141, %gather3A_147 : vector<16xf32>
        %max3A_162 = arith.maximumf %select_n3A_141, %gather3A_147 : vector<16xf32>
        %select_n3A_163 = arith.select %ne3A_160, %min3A_161, %max3A_162 : vector<16xi1>, vector<16xf32>
        %xor3A_164 = arith.constant 2 : i32
        %xor3A_165 = vector.broadcast %xor3A_164 : i32 to vector<16xi32>
        %xor3A_166 = arith.xori %iota3A, %xor3A_165 : vector<16xi32>
        %broadcast_in_dim3A_167 = vector.shape_cast %xor3A_166 : vector<16xi32> to vector<16x1xi32>
        %gather3A_168 = vector.shape_cast %broadcast_in_dim3A_167 : vector<16x1xi32> to vector<16xi32>
        %gather3A_169 = tpu.dynamic_gather %select_n3A_163[%gather3A_168] in [0] : vector<16xf32>, vector<16xi32> -> vector<16xf32>
        %and3A_170 = arith.constant 2 : i32
        %and3A_171 = vector.broadcast %and3A_170 : i32 to vector<16xi32>
        %and3A_172 = arith.andi %iota3A, %and3A_171 : vector<16xi32>
        %eq3A_173 = arith.constant 0 : i32
        %eq3A_174 = vector.broadcast %eq3A_173 : i32 to vector<16xi32>
        %eq3A_175 = arith.cmpi eq, %and3A_172, %eq3A_174 : vector<16xi32>
        %and3A_176 = arith.constant 8 : i32
        %and3A_177 = vector.broadcast %and3A_176 : i32 to vector<16xi32>
        %and3A_178 = arith.andi %iota3A, %and3A_177 : vector<16xi32>
        %ne3A_179 = arith.constant 0 : i32
        %ne3A_180 = vector.broadcast %ne3A_179 : i32 to vector<16xi32>
        %ne3A_181 = arith.cmpi ne, %and3A_178, %ne3A_180 : vector<16xi32>
        %ne3A_182 = arith.xori %eq3A_175, %ne3A_181 : vector<16xi1>
        %min3A_183 = arith.minimumf %select_n3A_163, %gather3A_169 : vector<16xf32>
        %max3A_184 = arith.maximumf %select_n3A_163, %gather3A_169 : vector<16xf32>
        %select_n3A_185 = arith.select %ne3A_182, %min3A_183, %max3A_184 : vector<16xi1>, vector<16xf32>
        %xor3A_186 = arith.constant 1 : i32
        %xor3A_187 = vector.broadcast %xor3A_186 : i32 to vector<16xi32>
        %xor3A_188 = arith.xori %iota3A, %xor3A_187 : vector<16xi32>
        %broadcast_in_dim3A_189 = vector.shape_cast %xor3A_188 : vector<16xi32> to vector<16x1xi32>
        %gather3A_190 = vector.shape_cast %broadcast_in_dim3A_189 : vector<16x1xi32> to vector<16xi32>
        %gather3A_191 = tpu.dynamic_gather %select_n3A_185[%gather3A_190] in [0] : vector<16xf32>, vector<16xi32> -> vector<16xf32>
        %and3A_192 = arith.constant 1 : i32
        %and3A_193 = vector.broadcast %and3A_192 : i32 to vector<16xi32>
        %and3A_194 = arith.andi %iota3A, %and3A_193 : vector<16xi32>
        %eq3A_195 = arith.constant 0 : i32
        %eq3A_196 = vector.broadcast %eq3A_195 : i32 to vector<16xi32>
        %eq3A_197 = arith.cmpi eq, %and3A_194, %eq3A_196 : vector<16xi32>
        %and3A_198 = arith.constant 8 : i32
        %and3A_199 = vector.broadcast %and3A_198 : i32 to vector<16xi32>
        %and3A_200 = arith.andi %iota3A, %and3A_199 : vector<16xi32>
        %ne3A_201 = arith.constant 0 : i32
        %ne3A_202 = vector.broadcast %ne3A_201 : i32 to vector<16xi32>
        %ne3A_203 = arith.cmpi ne, %and3A_200, %ne3A_202 : vector<16xi32>
        %ne3A_204 = arith.xori %eq3A_197, %ne3A_203 : vector<16xi1>
        %min3A_205 = arith.minimumf %select_n3A_185, %gather3A_191 : vector<16xf32>
        %max3A_206 = arith.maximumf %select_n3A_185, %gather3A_191 : vector<16xf32>
        %select_n3A_207 = arith.select %ne3A_204, %min3A_205, %max3A_206 : vector<16xi1>, vector<16xf32>
        %xor3A_208 = arith.constant 8 : i32
        %xor3A_209 = vector.broadcast %xor3A_208 : i32 to vector<16xi32>
        %xor3A_210 = arith.xori %iota3A, %xor3A_209 : vector<16xi32>
        %broadcast_in_dim3A_211 = vector.shape_cast %xor3A_210 : vector<16xi32> to vector<16x1xi32>
        %gather3A_212 = vector.shape_cast %broadcast_in_dim3A_211 : vector<16x1xi32> to vector<16xi32>
        %gather3A_213 = tpu.dynamic_gather %select_n3A_207[%gather3A_212] in [0] : vector<16xf32>, vector<16xi32> -> vector<16xf32>
        %and3A_214 = arith.constant 8 : i32
        %and3A_215 = vector.broadcast %and3A_214 : i32 to vector<16xi32>
        %and3A_216 = arith.andi %iota3A, %and3A_215 : vector<16xi32>
        %eq3A_217 = arith.constant 0 : i32
        %eq3A_218 = vector.broadcast %eq3A_217 : i32 to vector<16xi32>
        %eq3A_219 = arith.cmpi eq, %and3A_216, %eq3A_218 : vector<16xi32>
        %and3A_220 = arith.constant 16 : i32
        %and3A_221 = vector.broadcast %and3A_220 : i32 to vector<16xi32>
        %and3A_222 = arith.andi %iota3A, %and3A_221 : vector<16xi32>
        %ne3A_223 = arith.constant 0 : i32
        %ne3A_224 = vector.broadcast %ne3A_223 : i32 to vector<16xi32>
        %ne3A_225 = arith.cmpi ne, %and3A_222, %ne3A_224 : vector<16xi32>
        %ne3A_226 = arith.xori %eq3A_219, %ne3A_225 : vector<16xi1>
        %min3A_227 = arith.minimumf %select_n3A_207, %gather3A_213 : vector<16xf32>
        %max3A_228 = arith.maximumf %select_n3A_207, %gather3A_213 : vector<16xf32>
        %select_n3A_229 = arith.select %ne3A_226, %min3A_227, %max3A_228 : vector<16xi1>, vector<16xf32>
        %xor3A_230 = arith.constant 4 : i32
        %xor3A_231 = vector.broadcast %xor3A_230 : i32 to vector<16xi32>
        %xor3A_232 = arith.xori %iota3A, %xor3A_231 : vector<16xi32>
        %broadcast_in_dim3A_233 = vector.shape_cast %xor3A_232 : vector<16xi32> to vector<16x1xi32>
        %gather3A_234 = vector.shape_cast %broadcast_in_dim3A_233 : vector<16x1xi32> to vector<16xi32>
        %gather3A_235 = tpu.dynamic_gather %select_n3A_229[%gather3A_234] in [0] : vector<16xf32>, vector<16xi32> -> vector<16xf32>
        %and3A_236 = arith.constant 4 : i32
        %and3A_237 = vector.broadcast %and3A_236 : i32 to vector<16xi32>
        %and3A_238 = arith.andi %iota3A, %and3A_237 : vector<16xi32>
        %eq3A_239 = arith.constant 0 : i32
        %eq3A_240 = vector.broadcast %eq3A_239 : i32 to vector<16xi32>
        %eq3A_241 = arith.cmpi eq, %and3A_238, %eq3A_240 : vector<16xi32>
        %and3A_242 = arith.constant 16 : i32
        %and3A_243 = vector.broadcast %and3A_242 : i32 to vector<16xi32>
        %and3A_244 = arith.andi %iota3A, %and3A_243 : vector<16xi32>
        %ne3A_245 = arith.constant 0 : i32
        %ne3A_246 = vector.broadcast %ne3A_245 : i32 to vector<16xi32>
        %ne3A_247 = arith.cmpi ne, %and3A_244, %ne3A_246 : vector<16xi32>
        %ne3A_248 = arith.xori %eq3A_241, %ne3A_247 : vector<16xi1>
        %min3A_249 = arith.minimumf %select_n3A_229, %gather3A_235 : vector<16xf32>
        %max3A_250 = arith.maximumf %select_n3A_229, %gather3A_235 : vector<16xf32>
        %select_n3A_251 = arith.select %ne3A_248, %min3A_249, %max3A_250 : vector<16xi1>, vector<16xf32>
        %xor3A_252 = arith.constant 2 : i32
        %xor3A_253 = vector.broadcast %xor3A_252 : i32 to vector<16xi32>
        %xor3A_254 = arith.xori %iota3A, %xor3A_253 : vector<16xi32>
        %broadcast_in_dim3A_255 = vector.shape_cast %xor3A_254 : vector<16xi32> to vector<16x1xi32>
        %gather3A_256 = vector.shape_cast %broadcast_in_dim3A_255 : vector<16x1xi32> to vector<16xi32>
        %gather3A_257 = tpu.dynamic_gather %select_n3A_251[%gather3A_256] in [0] : vector<16xf32>, vector<16xi32> -> vector<16xf32>
        %and3A_258 = arith.constant 2 : i32
        %and3A_259 = vector.broadcast %and3A_258 : i32 to vector<16xi32>
        %and3A_260 = arith.andi %iota3A, %and3A_259 : vector<16xi32>
        %eq3A_261 = arith.constant 0 : i32
        %eq3A_262 = vector.broadcast %eq3A_261 : i32 to vector<16xi32>
        %eq3A_263 = arith.cmpi eq, %and3A_260, %eq3A_262 : vector<16xi32>
        %and3A_264 = arith.constant 16 : i32
        %and3A_265 = vector.broadcast %and3A_264 : i32 to vector<16xi32>
        %and3A_266 = arith.andi %iota3A, %and3A_265 : vector<16xi32>
        %ne3A_267 = arith.constant 0 : i32
        %ne3A_268 = vector.broadcast %ne3A_267 : i32 to vector<16xi32>
        %ne3A_269 = arith.cmpi ne, %and3A_266, %ne3A_268 : vector<16xi32>
        %ne3A_270 = arith.xori %eq3A_263, %ne3A_269 : vector<16xi1>
        %min3A_271 = arith.minimumf %select_n3A_251, %gather3A_257 : vector<16xf32>
        %max3A_272 = arith.maximumf %select_n3A_251, %gather3A_257 : vector<16xf32>
        %select_n3A_273 = arith.select %ne3A_270, %min3A_271, %max3A_272 : vector<16xi1>, vector<16xf32>
        %xor3A_274 = arith.constant 1 : i32
        %xor3A_275 = vector.broadcast %xor3A_274 : i32 to vector<16xi32>
        %xor3A_276 = arith.xori %iota3A, %xor3A_275 : vector<16xi32>
        %broadcast_in_dim3A_277 = vector.shape_cast %xor3A_276 : vector<16xi32> to vector<16x1xi32>
        %gather3A_278 = vector.shape_cast %broadcast_in_dim3A_277 : vector<16x1xi32> to vector<16xi32>
        %gather3A_279 = tpu.dynamic_gather %select_n3A_273[%gather3A_278] in [0] : vector<16xf32>, vector<16xi32> -> vector<16xf32>
        %and3A_280 = arith.constant 1 : i32
        %and3A_281 = vector.broadcast %and3A_280 : i32 to vector<16xi32>
        %and3A_282 = arith.andi %iota3A, %and3A_281 : vector<16xi32>
        %eq3A_283 = arith.constant 0 : i32
        %eq3A_284 = vector.broadcast %eq3A_283 : i32 to vector<16xi32>
        %eq3A_285 = arith.cmpi eq, %and3A_282, %eq3A_284 : vector<16xi32>
        %and3A_286 = arith.constant 16 : i32
        %and3A_287 = vector.broadcast %and3A_286 : i32 to vector<16xi32>
        %and3A_288 = arith.andi %iota3A, %and3A_287 : vector<16xi32>
        %ne3A_289 = arith.constant 0 : i32
        %ne3A_290 = vector.broadcast %ne3A_289 : i32 to vector<16xi32>
        %ne3A_291 = arith.cmpi ne, %and3A_288, %ne3A_290 : vector<16xi32>
        %ne3A_292 = arith.xori %eq3A_285, %ne3A_291 : vector<16xi1>
        %min3A_293 = arith.minimumf %select_n3A_273, %gather3A_279 : vector<16xf32>
        %max3A_294 = arith.maximumf %select_n3A_273, %gather3A_279 : vector<16xf32>
        %select_n3A_295 = arith.select %ne3A_292, %min3A_293, %max3A_294 : vector<16xi1>, vector<16xf32>
        %swap3A = arith.index_cast %add3A_72 : i32 to index
        %swap3A_296 = arith.constant 0 : index
        %swap3A_297 = tpu.vector_load %arg8[%swap3A, %swap3A_296] {strides = array<i32>} : memref<72x16xf32, #tpu.memory_space<vmem>>, vector<1x16xf32>,
        %swap3A_298 = vector.shape_cast %swap3A_297 : vector<1x16xf32> to vector<16xf32>
        %swap3A_299 = vector.shape_cast %select_n3A_295 : vector<16xf32> to vector<1x16xf32>
        tpu.vector_store %arg8[%swap3A, %swap3A_296], %swap3A_299 {strides = array<i32>} : memref<72x16xf32, #tpu.memory_space<vmem>>, vector<1x16xf32>,
        %scan3A_300 = arith.constant 0 : i32
        scf.yield %scan3A_300 : i32
      }
      %scan3A_39 = arith.constant 4 : i32
      %mul3A_40 = arith.constant 2 : i32
      %mul3A_41 = arith.muli %scan3A_16, %mul3A_40 : i32
      %add3A_42 = arith.constant 1 : i32
      %add3A_43 = arith.addi %mul3A_41, %add3A_42 : i32
      %add3A_44 = arith.constant 2 : i32
      %add3A_45 = arith.addi %add3A_43, %add3A_44 : i32
      %sub3A_46 = arith.constant 1 : i32
      %sub3A_47 = arith.subi %add3A_45, %sub3A_46 : i32
      %lt3A_48 = arith.constant 18 : i32
      %lt3A_49 = arith.cmpi slt, %sub3A_47, %lt3A_48 : i32
      %convert_element_type3A_50 = arith.extui %lt3A_49 : i1 to i32
      %cond3A_51 = arith.constant 0 : i32
      %cond3A_52 = arith.cmpi ne, %convert_element_type3A_50, %cond3A_51 : i32
      scf.if %cond3A_52 {
        %add3A_68 = arith.constant 2 : i32
        %add3A_69 = arith.addi %add3A_43, %add3A_68 : i32
        %sub3A_70 = arith.constant 1 : i32
        %sub3A_71 = arith.subi %add3A_69, %sub3A_70 : i32
        %mul3A_72 = arith.constant 4 : i32
        %mul3A_73 = arith.muli %sub3A_71, %mul3A_72 : i32
        %add3A_74 = arith.addi %mul3A_2, %mul3A_73 : i32
        %dma_start3A_75 = arith.constant 0 : i32
        %dma_start3A_76 = tpu.memref_slice %arg2[%add3A_74, %dma_start3A_75] : memref<4096x4096xf32, #tpu.memory_space<hbm>> -> memref<4x4096xf32, #tpu.memory_space<hbm>>
        %dma_start3A_77 = arith.constant 0 : i32
        %dma_start3A_78 = tpu.memref_slice %arg2[%add3A_74, %dma_start3A_77] : memref<4096x4096xf32, #tpu.memory_space<hbm>> -> memref<4x4096xf32, #tpu.memory_space<hbm>>
        tpu.enqueue_dma source(%dma_start3A_78 : memref<4x4096xf32, #tpu.memory_space<hbm>>) target(%arg6 : memref<4x4096xf32, #tpu.memory_space<vmem>>) target_semaphore(%arg9 : memref<!tpu.dma_semaphore, #tpu.memory_space<semaphore_mem>>)
      } else {
      }
      %mul3A_53 = arith.constant 4 : i32
      %mul3A_54 = arith.muli %add3A_43, %mul3A_53 : i32
      %add3A_55 = arith.addi %mul3A_2, %mul3A_54 : i32
      %dma_wait3A_56 = arith.constant 0 : i32
      %dma_wait3A_57 = tpu.memref_slice %arg2[%add3A_55, %dma_wait3A_56] : memref<4096x4096xf32, #tpu.memory_space<hbm>> -> memref<4x4096xf32, #tpu.memory_space<hbm>>
      %dma_wait3A_58 = arith.constant 0 : i32
      %dma_wait3A_59 = tpu.memref_slice %arg2[%add3A_55, %dma_wait3A_58] : memref<4096x4096xf32, #tpu.memory_space<hbm>> -> memref<4x4096xf32, #tpu.memory_space<hbm>>
      tpu.wait_dma2 semaphore(%arg10 : memref<!tpu.dma_semaphore, #tpu.memory_space<semaphore_mem>>) src(%dma_wait3A_59 : memref<4x4096xf32, #tpu.memory_space<hbm>>) dst(%arg7 : memref<4x4096xf32, #tpu.memory_space<vmem>>)
      %scan3A_60 = arith.constant 0 : i32
      %scan3A_61 = arith.constant 0 : i32
      %scan3A_62 = arith.constant 4 : i32
      %scan3A_63 = arith.addi %scan3A_61, %scan3A_62 : i32
      %scan3A_64 = arith.constant 1 : i32
      %scan3A_65 = scf.for %scan3A_68 = %scan3A_61 to %scan3A_63 step %scan3A_64 iter_args(%scan3A_69 = %scan3A_60) -> (i32)  : i32 {
        %mul3A_70 = arith.constant 4 : i32
        %mul3A_71 = arith.muli %add3A_43, %mul3A_70 : i32
        %add3A_72 = arith.addi %mul3A_71, %scan3A_68 : i32
        %mul3A_73 = arith.constant 16 : i32
        %mul3A_74 = arith.muli %add3A_72, %mul3A_73 : i32
        %multiple_of3A = tpu.assume_multiple %mul3A_74, 16 : i32
        %get3A = arith.index_cast %multiple_of3A : i32 to index
        %get3A_75 = tpu.vector_load %arg5[%get3A] {strides = array<i32>} : memref<1152xi32, #tpu.memory_space<vmem>>, vector<16xi32>,
        %get3A_76 = vector.shape_cast %get3A_75 : vector<16xi32> to vector<16xi32>
        %slice3A = vector.extract_strided_slice %get3A_76 {offsets = [0], sizes = [1], strides = [1]} : vector<16xi32> to vector<1xi32>
        %squeeze3A = vector.extract %slice3A[0] : i32 from vector<1xi32>
        %iota3A = tpu.iota {dimensions = array<i32: 0>} : vector<16xi32>
        %broadcast_in_dim3A = arith.constant 0x7F800000 : f32
        %broadcast_in_dim3A_77 = vector.broadcast %broadcast_in_dim3A : f32 to vector<16xf32>
        %scan3A_78 = arith.constant 0 : i32
        %scan3A_79 = arith.constant 5 : i32
        %scan3A_80 = arith.addi %scan3A_78, %scan3A_79 : i32
        %scan3A_81 = arith.constant 1 : i32
        %scan3A_82 = scf.for %scan3A_301 = %scan3A_78 to %scan3A_80 step %scan3A_81 iter_args(%scan3A_302 = %broadcast_in_dim3A_77) -> (vector<16xf32>)  : i32 {
          %mul3A_303 = arith.muli %scan3A_301, %squeeze3A : i32
          %jit3A = arith.constant 5 : i32
          %div3A = arith.divsi %mul3A_303, %jit3A : i32
          %sign3A = arith.constant 0 : i32
          %sign3A_304 = arith.cmpi sgt, %mul3A_303, %sign3A : i32
          %sign3A_305 = arith.extui %sign3A_304 : i1 to i32
          %sign3A_306 = arith.constant 0 : i32
          %sign3A_307 = arith.cmpi slt, %mul3A_303, %sign3A_306 : i32
          %sign3A_308 = arith.extui %sign3A_307 : i1 to i32
          %sign3A_309 = arith.subi %sign3A_305, %sign3A_308 : i32
          %sign3A_310 = arith.constant 0 : i32
          %sign3A_311 = arith.cmpi sgt, %jit3A, %sign3A_310 : i32
          %sign3A_312 = arith.extui %sign3A_311 : i1 to i32
          %sign3A_313 = arith.constant 0 : i32
          %sign3A_314 = arith.cmpi slt, %jit3A, %sign3A_313 : i32
          %sign3A_315 = arith.extui %sign3A_314 : i1 to i32
          %sign3A_316 = arith.subi %sign3A_312, %sign3A_315 : i32
          %ne3A_317 = arith.cmpi ne, %sign3A_309, %sign3A_316 : i32
          %rem3A = arith.remsi %mul3A_303, %jit3A : i32
          %ne3A_318 = arith.constant 0 : i32
          %ne3A_319 = arith.cmpi ne, %rem3A, %ne3A_318 : i32
          %and3A_320 = arith.andi %ne3A_317, %ne3A_319 : i1
          %sub3A_321 = arith.constant 1 : i32
          %sub3A_322 = arith.subi %div3A, %sub3A_321 : i32
          %select_n3A_323 = arith.select %and3A_320, %sub3A_322, %div3A : i32
          %add3A_324 = arith.constant 1 : i32
          %add3A_325 = arith.addi %scan3A_301, %add3A_324 : i32
          %mul3A_326 = arith.muli %add3A_325, %squeeze3A : i32
          %add3A_327 = arith.constant 4 : i32
          %add3A_328 = arith.addi %mul3A_326, %add3A_327 : i32
          %jit3A_329 = arith.constant 5 : i32
          %div3A_330 = arith.divsi %add3A_328, %jit3A_329 : i32
          %sign3A_331 = arith.constant 0 : i32
          %sign3A_332 = arith.cmpi sgt, %add3A_328, %sign3A_331 : i32
          %sign3A_333 = arith.extui %sign3A_332 : i1 to i32
          %sign3A_334 = arith.constant 0 : i32
          %sign3A_335 = arith.cmpi slt, %add3A_328, %sign3A_334 : i32
          %sign3A_336 = arith.extui %sign3A_335 : i1 to i32
          %sign3A_337 = arith.subi %sign3A_333, %sign3A_336 : i32
          %sign3A_338 = arith.constant 0 : i32
          %sign3A_339 = arith.cmpi sgt, %jit3A_329, %sign3A_338 : i32
          %sign3A_340 = arith.extui %sign3A_339 : i1 to i32
          %sign3A_341 = arith.constant 0 : i32
          %sign3A_342 = arith.cmpi slt, %jit3A_329, %sign3A_341 : i32
          %sign3A_343 = arith.extui %sign3A_342 : i1 to i32
          %sign3A_344 = arith.subi %sign3A_340, %sign3A_343 : i32
          %ne3A_345 = arith.cmpi ne, %sign3A_337, %sign3A_344 : i32
          %rem3A_346 = arith.remsi %add3A_328, %jit3A_329 : i32
          %ne3A_347 = arith.constant 0 : i32
          %ne3A_348 = arith.cmpi ne, %rem3A_346, %ne3A_347 : i32
          %and3A_349 = arith.andi %ne3A_345, %ne3A_348 : i1
          %sub3A_350 = arith.constant 1 : i32
          %sub3A_351 = arith.subi %div3A_330, %sub3A_350 : i32
          %select_n3A_352 = arith.select %and3A_349, %sub3A_351, %div3A_330 : i32
          %jit3A_353 = arith.constant 16 : i32
          %div3A_354 = arith.divsi %select_n3A_323, %jit3A_353 : i32
          %sign3A_355 = arith.constant 0 : i32
          %sign3A_356 = arith.cmpi sgt, %select_n3A_323, %sign3A_355 : i32
          %sign3A_357 = arith.extui %sign3A_356 : i1 to i32
          %sign3A_358 = arith.constant 0 : i32
          %sign3A_359 = arith.cmpi slt, %select_n3A_323, %sign3A_358 : i32
          %sign3A_360 = arith.extui %sign3A_359 : i1 to i32
          %sign3A_361 = arith.subi %sign3A_357, %sign3A_360 : i32
          %sign3A_362 = arith.constant 0 : i32
          %sign3A_363 = arith.cmpi sgt, %jit3A_353, %sign3A_362 : i32
          %sign3A_364 = arith.extui %sign3A_363 : i1 to i32
          %sign3A_365 = arith.constant 0 : i32
          %sign3A_366 = arith.cmpi slt, %jit3A_353, %sign3A_365 : i32
          %sign3A_367 = arith.extui %sign3A_366 : i1 to i32
          %sign3A_368 = arith.subi %sign3A_364, %sign3A_367 : i32
          %ne3A_369 = arith.cmpi ne, %sign3A_361, %sign3A_368 : i32
          %rem3A_370 = arith.remsi %select_n3A_323, %jit3A_353 : i32
          %ne3A_371 = arith.constant 0 : i32
          %ne3A_372 = arith.cmpi ne, %rem3A_370, %ne3A_371 : i32
          %and3A_373 = arith.andi %ne3A_369, %ne3A_372 : i1
          %sub3A_374 = arith.constant 1 : i32
          %sub3A_375 = arith.subi %div3A_354, %sub3A_374 : i32
          %select_n3A_376 = arith.select %and3A_373, %sub3A_375, %div3A_354 : i32
          %mul3A_377 = arith.constant 16 : i32
          %mul3A_378 = arith.muli %select_n3A_376, %mul3A_377 : i32
          %multiple_of3A_379 = tpu.assume_multiple %mul3A_378, 16 : i32
          %get3A_380 = arith.index_cast %scan3A_68 : i32 to index
          %get3A_381 = arith.index_cast %multiple_of3A_379 : i32 to index
          %get3A_382 = tpu.vector_load %arg7[%get3A_380, %get3A_381] {strides = array<i32>} : memref<4x4096xf32, #tpu.memory_space<vmem>>, vector<1x16xf32>,
          %get3A_383 = vector.shape_cast %get3A_382 : vector<1x16xf32> to vector<16xf32>
          %sub3A_384 = arith.subi %select_n3A_323, %mul3A_378 : i32
          %ge3A = vector.broadcast %sub3A_384 : i32 to vector<16xi32>
          %ge3A_385 = arith.cmpi sge, %iota3A, %ge3A : vector<16xi32>
          %sub3A_386 = arith.subi %select_n3A_352, %mul3A_378 : i32
          %lt3A_387 = vector.broadcast %sub3A_386 : i32 to vector<16xi32>
          %lt3A_388 = arith.cmpi slt, %iota3A, %lt3A_387 : vector<16xi32>
          %and3A_389 = arith.andi %ge3A_385, %lt3A_388 : vector<16xi1>
          %jit3A_390 = arith.constant 0xFF800000 : f32
          %broadcast_in_dim3A_391 = vector.broadcast %jit3A_390 : f32 to vector<16xf32>
          %select_n3A_392 = arith.select %and3A_389, %get3A_383, %broadcast_in_dim3A_391 : vector<16xi1>, vector<16xf32>
          %jit3A_393 = arith.constant 0x7F800000 : f32
          %broadcast_in_dim3A_394 = vector.broadcast %jit3A_393 : f32 to vector<16xf32>
          %select_n3A_395 = arith.select %and3A_389, %get3A_383, %broadcast_in_dim3A_394 : vector<16xi1>, vector<16xf32>
          %sub3A_396 = arith.subi %select_n3A_352, %mul3A_378 : i32
          %jit3A_397 = arith.constant 16 : i32
          %div3A_398 = arith.divsi %sub3A_396, %jit3A_397 : i32
          %sign3A_399 = arith.constant 0 : i32
          %sign3A_400 = arith.cmpi sgt, %sub3A_396, %sign3A_399 : i32
          %sign3A_401 = arith.extui %sign3A_400 : i1 to i32
          %sign3A_402 = arith.constant 0 : i32
          %sign3A_403 = arith.cmpi slt, %sub3A_396, %sign3A_402 : i32
          %sign3A_404 = arith.extui %sign3A_403 : i1 to i32
          %sign3A_405 = arith.subi %sign3A_401, %sign3A_404 : i32
          %sign3A_406 = arith.constant 0 : i32
          %sign3A_407 = arith.cmpi sgt, %jit3A_397, %sign3A_406 : i32
          %sign3A_408 = arith.extui %sign3A_407 : i1 to i32
          %sign3A_409 = arith.constant 0 : i32
          %sign3A_410 = arith.cmpi slt, %jit3A_397, %sign3A_409 : i32
          %sign3A_411 = arith.extui %sign3A_410 : i1 to i32
          %sign3A_412 = arith.subi %sign3A_408, %sign3A_411 : i32
          %ne3A_413 = arith.cmpi ne, %sign3A_405, %sign3A_412 : i32
          %rem3A_414 = arith.remsi %sub3A_396, %jit3A_397 : i32
          %ne3A_415 = arith.constant 0 : i32
          %ne3A_416 = arith.cmpi ne, %rem3A_414, %ne3A_415 : i32
          %and3A_417 = arith.andi %ne3A_413, %ne3A_416 : i1
          %sub3A_418 = arith.constant 1 : i32
          %sub3A_419 = arith.subi %div3A_398, %sub3A_418 : i32
          %select_n3A_420 = arith.select %and3A_417, %sub3A_419, %div3A_398 : i32
          %sub3A_421 = arith.constant 1 : i32
          %sub3A_422 = arith.subi %select_n3A_420, %sub3A_421 : i32
          %max3A_423 = arith.constant 0 : i32
          %max3A_424 = arith.maxsi %sub3A_422, %max3A_423 : i32
          %add3A_425 = arith.constant 16 : i32
          %add3A_426 = arith.addi %mul3A_378, %add3A_425 : i32
          %jit3A_427 = arith.constant 8 : i32
          %div3A_428 = arith.divsi %max3A_424, %jit3A_427 : i32
          %sign3A_429 = arith.constant 0 : i32
          %sign3A_430 = arith.cmpi sgt, %max3A_424, %sign3A_429 : i32
          %sign3A_431 = arith.extui %sign3A_430 : i1 to i32
          %sign3A_432 = arith.constant 0 : i32
          %sign3A_433 = arith.cmpi slt, %max3A_424, %sign3A_432 : i32
          %sign3A_434 = arith.extui %sign3A_433 : i1 to i32
          %sign3A_435 = arith.subi %sign3A_431, %sign3A_434 : i32
          %sign3A_436 = arith.constant 0 : i32
          %sign3A_437 = arith.cmpi sgt, %jit3A_427, %sign3A_436 : i32
          %sign3A_438 = arith.extui %sign3A_437 : i1 to i32
          %sign3A_439 = arith.constant 0 : i32
          %sign3A_440 = arith.cmpi slt, %jit3A_427, %sign3A_439 : i32
          %sign3A_441 = arith.extui %sign3A_440 : i1 to i32
          %sign3A_442 = arith.subi %sign3A_438, %sign3A_441 : i32
          %ne3A_443 = arith.cmpi ne, %sign3A_435, %sign3A_442 : i32
          %rem3A_444 = arith.remsi %max3A_424, %jit3A_427 : i32
          %ne3A_445 = arith.constant 0 : i32
          %ne3A_446 = arith.cmpi ne, %rem3A_444, %ne3A_445 : i32
          %and3A_447 = arith.andi %ne3A_443, %ne3A_446 : i1
          %sub3A_448 = arith.constant 1 : i32
          %sub3A_449 = arith.subi %div3A_428, %sub3A_448 : i32
          %select_n3A_450 = arith.select %and3A_447, %sub3A_449, %div3A_428 : i32
          %parallel_loop3A = arith.constant 0 : i32
          %parallel_loop3A_451 = arith.constant 1 : i32
          %parallel_loop3A_452:2 = scf.for %parallel_loop3A_626 = %parallel_loop3A to %select_n3A_450 step %parallel_loop3A_451 iter_args(%parallel_loop3A_627 = %select_n3A_392, %parallel_loop3A_628 = %select_n3A_395) -> (vector<16xf32>, vector<16xf32>)  : i32 {
            %parallel_loop3A_629 = arith.constant 128 : i32
            %parallel_loop3A_630 = arith.muli %parallel_loop3A_626, %parallel_loop3A_629 : i32
            %parallel_loop3A_631 = arith.addi %add3A_426, %parallel_loop3A_630 : i32
            %parallel_loop3A_632 = arith.constant 0 : i32
            %parallel_loop3A_633 = arith.addi %parallel_loop3A_631, %parallel_loop3A_632 : i32
            %parallel_loop3A_634 = tpu.assume_multiple %parallel_loop3A_633, 16 : i32
            %parallel_loop3A_635 = arith.index_cast %scan3A_68 : i32 to index
            %parallel_loop3A_636 = arith.index_cast %parallel_loop3A_634 : i32 to index
            %parallel_loop3A_637 = tpu.vector_load %arg7[%parallel_loop3A_635, %parallel_loop3A_636] {strides = array<i32>} : memref<4x4096xf32, #tpu.memory_space<vmem>>, vector<1x16xf32>,
            %parallel_loop3A_638 = vector.shape_cast %parallel_loop3A_637 : vector<1x16xf32> to vector<16xf32>
            %parallel_loop3A_639 = arith.constant 16 : i32
            %parallel_loop3A_640 = arith.addi %parallel_loop3A_631, %parallel_loop3A_639 : i32
            %parallel_loop3A_641 = tpu.assume_multiple %parallel_loop3A_640, 16 : i32
            %parallel_loop3A_642 = arith.index_cast %scan3A_68 : i32 to index
            %parallel_loop3A_643 = arith.index_cast %parallel_loop3A_641 : i32 to index
            %parallel_loop3A_644 = tpu.vector_load %arg7[%parallel_loop3A_642, %parallel_loop3A_643] {strides = array<i32>} : memref<4x4096xf32, #tpu.memory_space<vmem>>, vector<1x16xf32>,
            %parallel_loop3A_645 = vector.shape_cast %parallel_loop3A_644 : vector<1x16xf32> to vector<16xf32>
            %parallel_loop3A_646 = arith.constant 32 : i32
            %parallel_loop3A_647 = arith.addi %parallel_loop3A_631, %parallel_loop3A_646 : i32
            %parallel_loop3A_648 = tpu.assume_multiple %parallel_loop3A_647, 16 : i32
            %parallel_loop3A_649 = arith.index_cast %scan3A_68 : i32 to index
            %parallel_loop3A_650 = arith.index_cast %parallel_loop3A_648 : i32 to index
            %parallel_loop3A_651 = tpu.vector_load %arg7[%parallel_loop3A_649, %parallel_loop3A_650] {strides = array<i32>} : memref<4x4096xf32, #tpu.memory_space<vmem>>, vector<1x16xf32>,
            %parallel_loop3A_652 = vector.shape_cast %parallel_loop3A_651 : vector<1x16xf32> to vector<16xf32>
            %parallel_loop3A_653 = arith.constant 48 : i32
            %parallel_loop3A_654 = arith.addi %parallel_loop3A_631, %parallel_loop3A_653 : i32
            %parallel_loop3A_655 = tpu.assume_multiple %parallel_loop3A_654, 16 : i32
            %parallel_loop3A_656 = arith.index_cast %scan3A_68 : i32 to index
            %parallel_loop3A_657 = arith.index_cast %parallel_loop3A_655 : i32 to index
            %parallel_loop3A_658 = tpu.vector_load %arg7[%parallel_loop3A_656, %parallel_loop3A_657] {strides = array<i32>} : memref<4x4096xf32, #tpu.memory_space<vmem>>, vector<1x16xf32>,
            %parallel_loop3A_659 = vector.shape_cast %parallel_loop3A_658 : vector<1x16xf32> to vector<16xf32>
            %parallel_loop3A_660 = arith.constant 64 : i32
            %parallel_loop3A_661 = arith.addi %parallel_loop3A_631, %parallel_loop3A_660 : i32
            %parallel_loop3A_662 = tpu.assume_multiple %parallel_loop3A_661, 16 : i32
            %parallel_loop3A_663 = arith.index_cast %scan3A_68 : i32 to index
            %parallel_loop3A_664 = arith.index_cast %parallel_loop3A_662 : i32 to index
            %parallel_loop3A_665 = tpu.vector_load %arg7[%parallel_loop3A_663, %parallel_loop3A_664] {strides = array<i32>} : memref<4x4096xf32, #tpu.memory_space<vmem>>, vector<1x16xf32>,
            %parallel_loop3A_666 = vector.shape_cast %parallel_loop3A_665 : vector<1x16xf32> to vector<16xf32>
            %parallel_loop3A_667 = arith.constant 80 : i32
            %parallel_loop3A_668 = arith.addi %parallel_loop3A_631, %parallel_loop3A_667 : i32
            %parallel_loop3A_669 = tpu.assume_multiple %parallel_loop3A_668, 16 : i32
            %parallel_loop3A_670 = arith.index_cast %scan3A_68 : i32 to index
            %parallel_loop3A_671 = arith.index_cast %parallel_loop3A_669 : i32 to index
            %parallel_loop3A_672 = tpu.vector_load %arg7[%parallel_loop3A_670, %parallel_loop3A_671] {strides = array<i32>} : memref<4x4096xf32, #tpu.memory_space<vmem>>, vector<1x16xf32>,
            %parallel_loop3A_673 = vector.shape_cast %parallel_loop3A_672 : vector<1x16xf32> to vector<16xf32>
            %parallel_loop3A_674 = arith.constant 96 : i32
            %parallel_loop3A_675 = arith.addi %parallel_loop3A_631, %parallel_loop3A_674 : i32
            %parallel_loop3A_676 = tpu.assume_multiple %parallel_loop3A_675, 16 : i32
            %parallel_loop3A_677 = arith.index_cast %scan3A_68 : i32 to index
            %parallel_loop3A_678 = arith.index_cast %parallel_loop3A_676 : i32 to index
            %parallel_loop3A_679 = tpu.vector_load %arg7[%parallel_loop3A_677, %parallel_loop3A_678] {strides = array<i32>} : memref<4x4096xf32, #tpu.memory_space<vmem>>, vector<1x16xf32>,
            %parallel_loop3A_680 = vector.shape_cast %parallel_loop3A_679 : vector<1x16xf32> to vector<16xf32>
            %parallel_loop3A_681 = arith.constant 112 : i32
            %parallel_loop3A_682 = arith.addi %parallel_loop3A_631, %parallel_loop3A_681 : i32
            %parallel_loop3A_683 = tpu.assume_multiple %parallel_loop3A_682, 16 : i32
            %parallel_loop3A_684 = arith.index_cast %scan3A_68 : i32 to index
            %parallel_loop3A_685 = arith.index_cast %parallel_loop3A_683 : i32 to index
            %parallel_loop3A_686 = tpu.vector_load %arg7[%parallel_loop3A_684, %parallel_loop3A_685] {strides = array<i32>} : memref<4x4096xf32, #tpu.memory_space<vmem>>, vector<1x16xf32>,
            %parallel_loop3A_687 = vector.shape_cast %parallel_loop3A_686 : vector<1x16xf32> to vector<16xf32>
            %parallel_loop3A_688 = arith.maximumf %parallel_loop3A_638, %parallel_loop3A_645 : vector<16xf32>
            %parallel_loop3A_689 = arith.maximumf %parallel_loop3A_652, %parallel_loop3A_659 : vector<16xf32>
            %parallel_loop3A_690 = arith.maximumf %parallel_loop3A_666, %parallel_loop3A_673 : vector<16xf32>
            %parallel_loop3A_691 = arith.maximumf %parallel_loop3A_680, %parallel_loop3A_687 : vector<16xf32>
            %parallel_loop3A_692 = arith.minimumf %parallel_loop3A_638, %parallel_loop3A_645 : vector<16xf32>
            %parallel_loop3A_693 = arith.minimumf %parallel_loop3A_652, %parallel_loop3A_659 : vector<16xf32>
            %parallel_loop3A_694 = arith.minimumf %parallel_loop3A_666, %parallel_loop3A_673 : vector<16xf32>
            %parallel_loop3A_695 = arith.minimumf %parallel_loop3A_680, %parallel_loop3A_687 : vector<16xf32>
            %parallel_loop3A_696 = arith.maximumf %parallel_loop3A_688, %parallel_loop3A_689 : vector<16xf32>
            %parallel_loop3A_697 = arith.maximumf %parallel_loop3A_690, %parallel_loop3A_691 : vector<16xf32>
            %parallel_loop3A_698 = arith.minimumf %parallel_loop3A_692, %parallel_loop3A_693 : vector<16xf32>
            %parallel_loop3A_699 = arith.minimumf %parallel_loop3A_694, %parallel_loop3A_695 : vector<16xf32>
            %parallel_loop3A_700 = arith.maximumf %parallel_loop3A_696, %parallel_loop3A_697 : vector<16xf32>
            %parallel_loop3A_701 = arith.minimumf %parallel_loop3A_698, %parallel_loop3A_699 : vector<16xf32>
            %parallel_loop3A_702 = arith.maximumf %parallel_loop3A_627, %parallel_loop3A_700 : vector<16xf32>
            %parallel_loop3A_703 = arith.minimumf %parallel_loop3A_628, %parallel_loop3A_701 : vector<16xf32>
            scf.yield %parallel_loop3A_702, %parallel_loop3A_703 : vector<16xf32>, vector<16xf32>
          } {sc.loop_unroll_factor = 1 : i64, sc.parallel_access}
          %sub3A_453 = arith.constant 8 : i32
          %sub3A_454 = arith.subi %max3A_424, %sub3A_453 : i32
          %max3A_455 = arith.constant 0 : i32
          %max3A_456 = arith.maxsi %sub3A_454, %max3A_455 : i32
          %mul3A_457 = arith.constant 16 : i32
          %mul3A_458 = arith.muli %max3A_456, %mul3A_457 : i32
          %add3A_459 = arith.addi %add3A_426, %mul3A_458 : i32
          %add3A_460 = arith.constant 0 : i32
          %add3A_461 = arith.addi %add3A_459, %add3A_460 : i32
          %multiple_of3A_462 = tpu.assume_multiple %add3A_461, 16 : i32
          %get3A_463 = arith.index_cast %scan3A_68 : i32 to index
          %get3A_464 = arith.index_cast %multiple_of3A_462 : i32 to index
          %get3A_465 = tpu.vector_load %arg7[%get3A_463, %get3A_464] {strides = array<i32>} : memref<4x4096xf32, #tpu.memory_space<vmem>>, vector<1x16xf32>,
          %get3A_466 = vector.shape_cast %get3A_465 : vector<1x16xf32> to vector<16xf32>
          %add3A_467 = arith.constant 16 : i32
          %add3A_468 = arith.addi %add3A_459, %add3A_467 : i32
          %multiple_of3A_469 = tpu.assume_multiple %add3A_468, 16 : i32
          %get3A_470 = arith.index_cast %scan3A_68 : i32 to index
          %get3A_471 = arith.index_cast %multiple_of3A_469 : i32 to index
          %get3A_472 = tpu.vector_load %arg7[%get3A_470, %get3A_471] {strides = array<i32>} : memref<4x4096xf32, #tpu.memory_space<vmem>>, vector<1x16xf32>,
          %get3A_473 = vector.shape_cast %get3A_472 : vector<1x16xf32> to vector<16xf32>
          %add3A_474 = arith.constant 32 : i32
          %add3A_475 = arith.addi %add3A_459, %add3A_474 : i32
          %multiple_of3A_476 = tpu.assume_multiple %add3A_475, 16 : i32
          %get3A_477 = arith.index_cast %scan3A_68 : i32 to index
          %get3A_478 = arith.index_cast %multiple_of3A_476 : i32 to index
          %get3A_479 = tpu.vector_load %arg7[%get3A_477, %get3A_478] {strides = array<i32>} : memref<4x4096xf32, #tpu.memory_space<vmem>>, vector<1x16xf32>,
          %get3A_480 = vector.shape_cast %get3A_479 : vector<1x16xf32> to vector<16xf32>
          %add3A_481 = arith.constant 48 : i32
          %add3A_482 = arith.addi %add3A_459, %add3A_481 : i32
          %multiple_of3A_483 = tpu.assume_multiple %add3A_482, 16 : i32
          %get3A_484 = arith.index_cast %scan3A_68 : i32 to index
          %get3A_485 = arith.index_cast %multiple_of3A_483 : i32 to index
          %get3A_486 = tpu.vector_load %arg7[%get3A_484, %get3A_485] {strides = array<i32>} : memref<4x4096xf32, #tpu.memory_space<vmem>>, vector<1x16xf32>,
          %get3A_487 = vector.shape_cast %get3A_486 : vector<1x16xf32> to vector<16xf32>
          %add3A_488 = arith.constant 64 : i32
          %add3A_489 = arith.addi %add3A_459, %add3A_488 : i32
          %multiple_of3A_490 = tpu.assume_multiple %add3A_489, 16 : i32
          %get3A_491 = arith.index_cast %scan3A_68 : i32 to index
          %get3A_492 = arith.index_cast %multiple_of3A_490 : i32 to index
          %get3A_493 = tpu.vector_load %arg7[%get3A_491, %get3A_492] {strides = array<i32>} : memref<4x4096xf32, #tpu.memory_space<vmem>>, vector<1x16xf32>,
          %get3A_494 = vector.shape_cast %get3A_493 : vector<1x16xf32> to vector<16xf32>
          %add3A_495 = arith.constant 80 : i32
          %add3A_496 = arith.addi %add3A_459, %add3A_495 : i32
          %multiple_of3A_497 = tpu.assume_multiple %add3A_496, 16 : i32
          %get3A_498 = arith.index_cast %scan3A_68 : i32 to index
          %get3A_499 = arith.index_cast %multiple_of3A_497 : i32 to index
          %get3A_500 = tpu.vector_load %arg7[%get3A_498, %get3A_499] {strides = array<i32>} : memref<4x4096xf32, #tpu.memory_space<vmem>>, vector<1x16xf32>,
          %get3A_501 = vector.shape_cast %get3A_500 : vector<1x16xf32> to vector<16xf32>
          %add3A_502 = arith.constant 96 : i32
          %add3A_503 = arith.addi %add3A_459, %add3A_502 : i32
          %multiple_of3A_504 = tpu.assume_multiple %add3A_503, 16 : i32
          %get3A_505 = arith.index_cast %scan3A_68 : i32 to index
          %get3A_506 = arith.index_cast %multiple_of3A_504 : i32 to index
          %get3A_507 = tpu.vector_load %arg7[%get3A_505, %get3A_506] {strides = array<i32>} : memref<4x4096xf32, #tpu.memory_space<vmem>>, vector<1x16xf32>,
          %get3A_508 = vector.shape_cast %get3A_507 : vector<1x16xf32> to vector<16xf32>
          %add3A_509 = arith.constant 112 : i32
          %add3A_510 = arith.addi %add3A_459, %add3A_509 : i32
          %multiple_of3A_511 = tpu.assume_multiple %add3A_510, 16 : i32
          %get3A_512 = arith.index_cast %scan3A_68 : i32 to index
          %get3A_513 = arith.index_cast %multiple_of3A_511 : i32 to index
          %get3A_514 = tpu.vector_load %arg7[%get3A_512, %get3A_513] {strides = array<i32>} : memref<4x4096xf32, #tpu.memory_space<vmem>>, vector<1x16xf32>,
          %get3A_515 = vector.shape_cast %get3A_514 : vector<1x16xf32> to vector<16xf32>
          %max3A_516 = arith.maximumf %get3A_466, %get3A_473 : vector<16xf32>
          %max3A_517 = arith.maximumf %get3A_480, %get3A_487 : vector<16xf32>
          %max3A_518 = arith.maximumf %get3A_494, %get3A_501 : vector<16xf32>
          %max3A_519 = arith.maximumf %get3A_508, %get3A_515 : vector<16xf32>
          %min3A_520 = arith.minimumf %get3A_466, %get3A_473 : vector<16xf32>
          %min3A_521 = arith.minimumf %get3A_480, %get3A_487 : vector<16xf32>
          %min3A_522 = arith.minimumf %get3A_494, %get3A_501 : vector<16xf32>
          %min3A_523 = arith.minimumf %get3A_508, %get3A_515 : vector<16xf32>
          %max3A_524 = arith.maximumf %max3A_516, %max3A_517 : vector<16xf32>
          %max3A_525 = arith.maximumf %max3A_518, %max3A_519 : vector<16xf32>
          %min3A_526 = arith.minimumf %min3A_520, %min3A_521 : vector<16xf32>
          %min3A_527 = arith.minimumf %min3A_522, %min3A_523 : vector<16xf32>
          %max3A_528 = arith.maximumf %max3A_524, %max3A_525 : vector<16xf32>
          %min3A_529 = arith.minimumf %min3A_526, %min3A_527 : vector<16xf32>
          %max3A_530 = arith.maximumf %parallel_loop3A_452#0, %max3A_528 : vector<16xf32>
          %min3A_531 = arith.minimumf %parallel_loop3A_452#1, %min3A_529 : vector<16xf32>
          %ge3A_532 = arith.constant 8 : i32
          %ge3A_533 = arith.cmpi sge, %max3A_424, %ge3A_532 : i32
          %select_n3A_534 = arith.select %ge3A_533, %max3A_530, %parallel_loop3A_452#0 : vector<16xf32>
          %select_n3A_535 = arith.select %ge3A_533, %min3A_531, %parallel_loop3A_452#1 : vector<16xf32>
          %jit3A_536 = arith.constant 0 : i32
          %select_n3A_537 = arith.select %ge3A_533, %jit3A_536, %max3A_424 : i32
          %parallel_loop3A_538 = arith.constant 0 : i32
          %parallel_loop3A_539 = arith.constant 1 : i32
          %parallel_loop3A_540:2 = scf.for %parallel_loop3A_626 = %parallel_loop3A_538 to %select_n3A_537 step %parallel_loop3A_539 iter_args(%parallel_loop3A_627 = %select_n3A_534, %parallel_loop3A_628 = %select_n3A_535) -> (vector<16xf32>, vector<16xf32>)  : i32 {
            %parallel_loop3A_629 = arith.constant 16 : i32
            %parallel_loop3A_630 = arith.muli %parallel_loop3A_626, %parallel_loop3A_629 : i32
            %parallel_loop3A_631 = arith.addi %add3A_426, %parallel_loop3A_630 : i32
            %parallel_loop3A_632 = tpu.assume_multiple %parallel_loop3A_631, 16 : i32
            %parallel_loop3A_633 = arith.index_cast %scan3A_68 : i32 to index
            %parallel_loop3A_634 = arith.index_cast %parallel_loop3A_632 : i32 to index
            %parallel_loop3A_635 = tpu.vector_load %arg7[%parallel_loop3A_633, %parallel_loop3A_634] {strides = array<i32>} : memref<4x4096xf32, #tpu.memory_space<vmem>>, vector<1x16xf32>,
            %parallel_loop3A_636 = vector.shape_cast %parallel_loop3A_635 : vector<1x16xf32> to vector<16xf32>
            %parallel_loop3A_637 = arith.maximumf %parallel_loop3A_627, %parallel_loop3A_636 : vector<16xf32>
            %parallel_loop3A_638 = arith.minimumf %parallel_loop3A_628, %parallel_loop3A_636 : vector<16xf32>
            scf.yield %parallel_loop3A_637, %parallel_loop3A_638 : vector<16xf32>, vector<16xf32>
          } {sc.loop_unroll_factor = 1 : i64, sc.parallel_access}
          %mul3A_541 = arith.constant 16 : i32
          %mul3A_542 = arith.muli %max3A_424, %mul3A_541 : i32
          %add3A_543 = arith.addi %add3A_426, %mul3A_542 : i32
          %min3A_544 = arith.constant 4080 : i32
          %min3A_545 = arith.minsi %add3A_543, %min3A_544 : i32
          %multiple_of3A_546 = tpu.assume_multiple %min3A_545, 16 : i32
          %get3A_547 = arith.index_cast %scan3A_68 : i32 to index
          %get3A_548 = arith.index_cast %multiple_of3A_546 : i32 to index
          %get3A_549 = tpu.vector_load %arg7[%get3A_547, %get3A_548] {strides = array<i32>} : memref<4x4096xf32, #tpu.memory_space<vmem>>, vector<1x16xf32>,
          %get3A_550 = vector.shape_cast %get3A_549 : vector<1x16xf32> to vector<16xf32>
          %sub3A_551 = arith.subi %select_n3A_352, %add3A_543 : i32
          %lt3A_552 = vector.broadcast %sub3A_551 : i32 to vector<16xi32>
          %lt3A_553 = arith.cmpi slt, %iota3A, %lt3A_552 : vector<16xi32>
          %jit3A_554 = arith.constant 0xFF800000 : f32
          %broadcast_in_dim3A_555 = vector.broadcast %jit3A_554 : f32 to vector<16xf32>
          %select_n3A_556 = arith.select %lt3A_553, %get3A_550, %broadcast_in_dim3A_555 : vector<16xi1>, vector<16xf32>
          %max3A_557 = arith.maximumf %parallel_loop3A_540#0, %select_n3A_556 : vector<16xf32>
          %jit3A_558 = arith.constant 0x7F800000 : f32
          %broadcast_in_dim3A_559 = vector.broadcast %jit3A_558 : f32 to vector<16xf32>
          %select_n3A_560 = arith.select %lt3A_553, %get3A_550, %broadcast_in_dim3A_559 : vector<16xi1>, vector<16xf32>
          %min3A_561 = arith.minimumf %parallel_loop3A_540#1, %select_n3A_560 : vector<16xf32>
          %xor3A_562 = arith.constant 1 : i32
          %xor3A_563 = vector.broadcast %xor3A_562 : i32 to vector<16xi32>
          %xor3A_564 = arith.xori %iota3A, %xor3A_563 : vector<16xi32>
          %broadcast_in_dim3A_565 = vector.shape_cast %xor3A_564 : vector<16xi32> to vector<16x1xi32>
          %gather3A_566 = vector.shape_cast %broadcast_in_dim3A_565 : vector<16x1xi32> to vector<16xi32>
          %gather3A_567 = tpu.dynamic_gather %max3A_557[%gather3A_566] in [0] : vector<16xf32>, vector<16xi32> -> vector<16xf32>
          %max3A_568 = arith.maximumf %max3A_557, %gather3A_567 : vector<16xf32>
          %xor3A_569 = arith.constant 1 : i32
          %xor3A_570 = vector.broadcast %xor3A_569 : i32 to vector<16xi32>
          %xor3A_571 = arith.xori %iota3A, %xor3A_570 : vector<16xi32>
          %broadcast_in_dim3A_572 = vector.shape_cast %xor3A_571 : vector<16xi32> to vector<16x1xi32>
          %gather3A_573 = vector.shape_cast %broadcast_in_dim3A_572 : vector<16x1xi32> to vector<16xi32>
          %gather3A_574 = tpu.dynamic_gather %min3A_561[%gather3A_573] in [0] : vector<16xf32>, vector<16xi32> -> vector<16xf32>
          %min3A_575 = arith.minimumf %min3A_561, %gather3A_574 : vector<16xf32>
          %xor3A_576 = arith.constant 2 : i32
          %xor3A_577 = vector.broadcast %xor3A_576 : i32 to vector<16xi32>
          %xor3A_578 = arith.xori %iota3A, %xor3A_577 : vector<16xi32>
          %broadcast_in_dim3A_579 = vector.shape_cast %xor3A_578 : vector<16xi32> to vector<16x1xi32>
          %gather3A_580 = vector.shape_cast %broadcast_in_dim3A_579 : vector<16x1xi32> to vector<16xi32>
          %gather3A_581 = tpu.dynamic_gather %max3A_568[%gather3A_580] in [0] : vector<16xf32>, vector<16xi32> -> vector<16xf32>
          %max3A_582 = arith.maximumf %max3A_568, %gather3A_581 : vector<16xf32>
          %xor3A_583 = arith.constant 2 : i32
          %xor3A_584 = vector.broadcast %xor3A_583 : i32 to vector<16xi32>
          %xor3A_585 = arith.xori %iota3A, %xor3A_584 : vector<16xi32>
          %broadcast_in_dim3A_586 = vector.shape_cast %xor3A_585 : vector<16xi32> to vector<16x1xi32>
          %gather3A_587 = vector.shape_cast %broadcast_in_dim3A_586 : vector<16x1xi32> to vector<16xi32>
          %gather3A_588 = tpu.dynamic_gather %min3A_575[%gather3A_587] in [0] : vector<16xf32>, vector<16xi32> -> vector<16xf32>
          %min3A_589 = arith.minimumf %min3A_575, %gather3A_588 : vector<16xf32>
          %xor3A_590 = arith.constant 4 : i32
          %xor3A_591 = vector.broadcast %xor3A_590 : i32 to vector<16xi32>
          %xor3A_592 = arith.xori %iota3A, %xor3A_591 : vector<16xi32>
          %broadcast_in_dim3A_593 = vector.shape_cast %xor3A_592 : vector<16xi32> to vector<16x1xi32>
          %gather3A_594 = vector.shape_cast %broadcast_in_dim3A_593 : vector<16x1xi32> to vector<16xi32>
          %gather3A_595 = tpu.dynamic_gather %max3A_582[%gather3A_594] in [0] : vector<16xf32>, vector<16xi32> -> vector<16xf32>
          %max3A_596 = arith.maximumf %max3A_582, %gather3A_595 : vector<16xf32>
          %xor3A_597 = arith.constant 4 : i32
          %xor3A_598 = vector.broadcast %xor3A_597 : i32 to vector<16xi32>
          %xor3A_599 = arith.xori %iota3A, %xor3A_598 : vector<16xi32>
          %broadcast_in_dim3A_600 = vector.shape_cast %xor3A_599 : vector<16xi32> to vector<16x1xi32>
          %gather3A_601 = vector.shape_cast %broadcast_in_dim3A_600 : vector<16x1xi32> to vector<16xi32>
          %gather3A_602 = tpu.dynamic_gather %min3A_589[%gather3A_601] in [0] : vector<16xf32>, vector<16xi32> -> vector<16xf32>
          %min3A_603 = arith.minimumf %min3A_589, %gather3A_602 : vector<16xf32>
          %xor3A_604 = arith.constant 8 : i32
          %xor3A_605 = vector.broadcast %xor3A_604 : i32 to vector<16xi32>
          %xor3A_606 = arith.xori %iota3A, %xor3A_605 : vector<16xi32>
          %broadcast_in_dim3A_607 = vector.shape_cast %xor3A_606 : vector<16xi32> to vector<16x1xi32>
          %gather3A_608 = vector.shape_cast %broadcast_in_dim3A_607 : vector<16x1xi32> to vector<16xi32>
          %gather3A_609 = tpu.dynamic_gather %max3A_596[%gather3A_608] in [0] : vector<16xf32>, vector<16xi32> -> vector<16xf32>
          %max3A_610 = arith.maximumf %max3A_596, %gather3A_609 : vector<16xf32>
          %xor3A_611 = arith.constant 8 : i32
          %xor3A_612 = vector.broadcast %xor3A_611 : i32 to vector<16xi32>
          %xor3A_613 = arith.xori %iota3A, %xor3A_612 : vector<16xi32>
          %broadcast_in_dim3A_614 = vector.shape_cast %xor3A_613 : vector<16xi32> to vector<16x1xi32>
          %gather3A_615 = vector.shape_cast %broadcast_in_dim3A_614 : vector<16x1xi32> to vector<16xi32>
          %gather3A_616 = tpu.dynamic_gather %min3A_603[%gather3A_615] in [0] : vector<16xf32>, vector<16xi32> -> vector<16xf32>
          %min3A_617 = arith.minimumf %min3A_603, %gather3A_616 : vector<16xf32>
          %eq3A_618 = vector.broadcast %scan3A_301 : i32 to vector<16xi32>
          %eq3A_619 = arith.cmpi eq, %iota3A, %eq3A_618 : vector<16xi32>
          %select_n3A_620 = arith.select %eq3A_619, %min3A_617, %scan3A_302 : vector<16xi1>, vector<16xf32>
          %add3A_621 = arith.constant 5 : i32
          %add3A_622 = arith.addi %add3A_621, %scan3A_301 : i32
          %eq3A_623 = vector.broadcast %add3A_622 : i32 to vector<16xi32>
          %eq3A_624 = arith.cmpi eq, %iota3A, %eq3A_623 : vector<16xi32>
          %select_n3A_625 = arith.select %eq3A_624, %max3A_610, %select_n3A_620 : vector<16xi1>, vector<16xf32>
          scf.yield %select_n3A_625 : vector<16xf32>
        }
        %scan3A_83 = arith.constant 5 : i32
        %xor3A = arith.constant 1 : i32
        %xor3A_84 = vector.broadcast %xor3A : i32 to vector<16xi32>
        %xor3A_85 = arith.xori %iota3A, %xor3A_84 : vector<16xi32>
        %broadcast_in_dim3A_86 = vector.shape_cast %xor3A_85 : vector<16xi32> to vector<16x1xi32>
        %gather3A = vector.shape_cast %broadcast_in_dim3A_86 : vector<16x1xi32> to vector<16xi32>
        %gather3A_87 = tpu.dynamic_gather %scan3A_82[%gather3A] in [0] : vector<16xf32>, vector<16xi32> -> vector<16xf32>
        %and3A = arith.constant 1 : i32
        %and3A_88 = vector.broadcast %and3A : i32 to vector<16xi32>
        %and3A_89 = arith.andi %iota3A, %and3A_88 : vector<16xi32>
        %eq3A = arith.constant 0 : i32
        %eq3A_90 = vector.broadcast %eq3A : i32 to vector<16xi32>
        %eq3A_91 = arith.cmpi eq, %and3A_89, %eq3A_90 : vector<16xi32>
        %and3A_92 = arith.constant 2 : i32
        %and3A_93 = vector.broadcast %and3A_92 : i32 to vector<16xi32>
        %and3A_94 = arith.andi %iota3A, %and3A_93 : vector<16xi32>
        %ne3A = arith.constant 0 : i32
        %ne3A_95 = vector.broadcast %ne3A : i32 to vector<16xi32>
        %ne3A_96 = arith.cmpi ne, %and3A_94, %ne3A_95 : vector<16xi32>
        %ne3A_97 = arith.xori %eq3A_91, %ne3A_96 : vector<16xi1>
        %min3A = arith.minimumf %scan3A_82, %gather3A_87 : vector<16xf32>
        %max3A = arith.maximumf %scan3A_82, %gather3A_87 : vector<16xf32>
        %select_n3A = arith.select %ne3A_97, %min3A, %max3A : vector<16xi1>, vector<16xf32>
        %xor3A_98 = arith.constant 2 : i32
        %xor3A_99 = vector.broadcast %xor3A_98 : i32 to vector<16xi32>
        %xor3A_100 = arith.xori %iota3A, %xor3A_99 : vector<16xi32>
        %broadcast_in_dim3A_101 = vector.shape_cast %xor3A_100 : vector<16xi32> to vector<16x1xi32>
        %gather3A_102 = vector.shape_cast %broadcast_in_dim3A_101 : vector<16x1xi32> to vector<16xi32>
        %gather3A_103 = tpu.dynamic_gather %select_n3A[%gather3A_102] in [0] : vector<16xf32>, vector<16xi32> -> vector<16xf32>
        %and3A_104 = arith.constant 2 : i32
        %and3A_105 = vector.broadcast %and3A_104 : i32 to vector<16xi32>
        %and3A_106 = arith.andi %iota3A, %and3A_105 : vector<16xi32>
        %eq3A_107 = arith.constant 0 : i32
        %eq3A_108 = vector.broadcast %eq3A_107 : i32 to vector<16xi32>
        %eq3A_109 = arith.cmpi eq, %and3A_106, %eq3A_108 : vector<16xi32>
        %and3A_110 = arith.constant 4 : i32
        %and3A_111 = vector.broadcast %and3A_110 : i32 to vector<16xi32>
        %and3A_112 = arith.andi %iota3A, %and3A_111 : vector<16xi32>
        %ne3A_113 = arith.constant 0 : i32
        %ne3A_114 = vector.broadcast %ne3A_113 : i32 to vector<16xi32>
        %ne3A_115 = arith.cmpi ne, %and3A_112, %ne3A_114 : vector<16xi32>
        %ne3A_116 = arith.xori %eq3A_109, %ne3A_115 : vector<16xi1>
        %min3A_117 = arith.minimumf %select_n3A, %gather3A_103 : vector<16xf32>
        %max3A_118 = arith.maximumf %select_n3A, %gather3A_103 : vector<16xf32>
        %select_n3A_119 = arith.select %ne3A_116, %min3A_117, %max3A_118 : vector<16xi1>, vector<16xf32>
        %xor3A_120 = arith.constant 1 : i32
        %xor3A_121 = vector.broadcast %xor3A_120 : i32 to vector<16xi32>
        %xor3A_122 = arith.xori %iota3A, %xor3A_121 : vector<16xi32>
        %broadcast_in_dim3A_123 = vector.shape_cast %xor3A_122 : vector<16xi32> to vector<16x1xi32>
        %gather3A_124 = vector.shape_cast %broadcast_in_dim3A_123 : vector<16x1xi32> to vector<16xi32>
        %gather3A_125 = tpu.dynamic_gather %select_n3A_119[%gather3A_124] in [0] : vector<16xf32>, vector<16xi32> -> vector<16xf32>
        %and3A_126 = arith.constant 1 : i32
        %and3A_127 = vector.broadcast %and3A_126 : i32 to vector<16xi32>
        %and3A_128 = arith.andi %iota3A, %and3A_127 : vector<16xi32>
        %eq3A_129 = arith.constant 0 : i32
        %eq3A_130 = vector.broadcast %eq3A_129 : i32 to vector<16xi32>
        %eq3A_131 = arith.cmpi eq, %and3A_128, %eq3A_130 : vector<16xi32>
        %and3A_132 = arith.constant 4 : i32
        %and3A_133 = vector.broadcast %and3A_132 : i32 to vector<16xi32>
        %and3A_134 = arith.andi %iota3A, %and3A_133 : vector<16xi32>
        %ne3A_135 = arith.constant 0 : i32
        %ne3A_136 = vector.broadcast %ne3A_135 : i32 to vector<16xi32>
        %ne3A_137 = arith.cmpi ne, %and3A_134, %ne3A_136 : vector<16xi32>
        %ne3A_138 = arith.xori %eq3A_131, %ne3A_137 : vector<16xi1>
        %min3A_139 = arith.minimumf %select_n3A_119, %gather3A_125 : vector<16xf32>
        %max3A_140 = arith.maximumf %select_n3A_119, %gather3A_125 : vector<16xf32>
        %select_n3A_141 = arith.select %ne3A_138, %min3A_139, %max3A_140 : vector<16xi1>, vector<16xf32>
        %xor3A_142 = arith.constant 4 : i32
        %xor3A_143 = vector.broadcast %xor3A_142 : i32 to vector<16xi32>
        %xor3A_144 = arith.xori %iota3A, %xor3A_143 : vector<16xi32>
        %broadcast_in_dim3A_145 = vector.shape_cast %xor3A_144 : vector<16xi32> to vector<16x1xi32>
        %gather3A_146 = vector.shape_cast %broadcast_in_dim3A_145 : vector<16x1xi32> to vector<16xi32>
        %gather3A_147 = tpu.dynamic_gather %select_n3A_141[%gather3A_146] in [0] : vector<16xf32>, vector<16xi32> -> vector<16xf32>
        %and3A_148 = arith.constant 4 : i32
        %and3A_149 = vector.broadcast %and3A_148 : i32 to vector<16xi32>
        %and3A_150 = arith.andi %iota3A, %and3A_149 : vector<16xi32>
        %eq3A_151 = arith.constant 0 : i32
        %eq3A_152 = vector.broadcast %eq3A_151 : i32 to vector<16xi32>
        %eq3A_153 = arith.cmpi eq, %and3A_150, %eq3A_152 : vector<16xi32>
        %and3A_154 = arith.constant 8 : i32
        %and3A_155 = vector.broadcast %and3A_154 : i32 to vector<16xi32>
        %and3A_156 = arith.andi %iota3A, %and3A_155 : vector<16xi32>
        %ne3A_157 = arith.constant 0 : i32
        %ne3A_158 = vector.broadcast %ne3A_157 : i32 to vector<16xi32>
        %ne3A_159 = arith.cmpi ne, %and3A_156, %ne3A_158 : vector<16xi32>
        %ne3A_160 = arith.xori %eq3A_153, %ne3A_159 : vector<16xi1>
        %min3A_161 = arith.minimumf %select_n3A_141, %gather3A_147 : vector<16xf32>
        %max3A_162 = arith.maximumf %select_n3A_141, %gather3A_147 : vector<16xf32>
        %select_n3A_163 = arith.select %ne3A_160, %min3A_161, %max3A_162 : vector<16xi1>, vector<16xf32>
        %xor3A_164 = arith.constant 2 : i32
        %xor3A_165 = vector.broadcast %xor3A_164 : i32 to vector<16xi32>
        %xor3A_166 = arith.xori %iota3A, %xor3A_165 : vector<16xi32>
        %broadcast_in_dim3A_167 = vector.shape_cast %xor3A_166 : vector<16xi32> to vector<16x1xi32>
        %gather3A_168 = vector.shape_cast %broadcast_in_dim3A_167 : vector<16x1xi32> to vector<16xi32>
        %gather3A_169 = tpu.dynamic_gather %select_n3A_163[%gather3A_168] in [0] : vector<16xf32>, vector<16xi32> -> vector<16xf32>
        %and3A_170 = arith.constant 2 : i32
        %and3A_171 = vector.broadcast %and3A_170 : i32 to vector<16xi32>
        %and3A_172 = arith.andi %iota3A, %and3A_171 : vector<16xi32>
        %eq3A_173 = arith.constant 0 : i32
        %eq3A_174 = vector.broadcast %eq3A_173 : i32 to vector<16xi32>
        %eq3A_175 = arith.cmpi eq, %and3A_172, %eq3A_174 : vector<16xi32>
        %and3A_176 = arith.constant 8 : i32
        %and3A_177 = vector.broadcast %and3A_176 : i32 to vector<16xi32>
        %and3A_178 = arith.andi %iota3A, %and3A_177 : vector<16xi32>
        %ne3A_179 = arith.constant 0 : i32
        %ne3A_180 = vector.broadcast %ne3A_179 : i32 to vector<16xi32>
        %ne3A_181 = arith.cmpi ne, %and3A_178, %ne3A_180 : vector<16xi32>
        %ne3A_182 = arith.xori %eq3A_175, %ne3A_181 : vector<16xi1>
        %min3A_183 = arith.minimumf %select_n3A_163, %gather3A_169 : vector<16xf32>
        %max3A_184 = arith.maximumf %select_n3A_163, %gather3A_169 : vector<16xf32>
        %select_n3A_185 = arith.select %ne3A_182, %min3A_183, %max3A_184 : vector<16xi1>, vector<16xf32>
        %xor3A_186 = arith.constant 1 : i32
        %xor3A_187 = vector.broadcast %xor3A_186 : i32 to vector<16xi32>
        %xor3A_188 = arith.xori %iota3A, %xor3A_187 : vector<16xi32>
        %broadcast_in_dim3A_189 = vector.shape_cast %xor3A_188 : vector<16xi32> to vector<16x1xi32>
        %gather3A_190 = vector.shape_cast %broadcast_in_dim3A_189 : vector<16x1xi32> to vector<16xi32>
        %gather3A_191 = tpu.dynamic_gather %select_n3A_185[%gather3A_190] in [0] : vector<16xf32>, vector<16xi32> -> vector<16xf32>
        %and3A_192 = arith.constant 1 : i32
        %and3A_193 = vector.broadcast %and3A_192 : i32 to vector<16xi32>
        %and3A_194 = arith.andi %iota3A, %and3A_193 : vector<16xi32>
        %eq3A_195 = arith.constant 0 : i32
        %eq3A_196 = vector.broadcast %eq3A_195 : i32 to vector<16xi32>
        %eq3A_197 = arith.cmpi eq, %and3A_194, %eq3A_196 : vector<16xi32>
        %and3A_198 = arith.constant 8 : i32
        %and3A_199 = vector.broadcast %and3A_198 : i32 to vector<16xi32>
        %and3A_200 = arith.andi %iota3A, %and3A_199 : vector<16xi32>
        %ne3A_201 = arith.constant 0 : i32
        %ne3A_202 = vector.broadcast %ne3A_201 : i32 to vector<16xi32>
        %ne3A_203 = arith.cmpi ne, %and3A_200, %ne3A_202 : vector<16xi32>
        %ne3A_204 = arith.xori %eq3A_197, %ne3A_203 : vector<16xi1>
        %min3A_205 = arith.minimumf %select_n3A_185, %gather3A_191 : vector<16xf32>
        %max3A_206 = arith.maximumf %select_n3A_185, %gather3A_191 : vector<16xf32>
        %select_n3A_207 = arith.select %ne3A_204, %min3A_205, %max3A_206 : vector<16xi1>, vector<16xf32>
        %xor3A_208 = arith.constant 8 : i32
        %xor3A_209 = vector.broadcast %xor3A_208 : i32 to vector<16xi32>
        %xor3A_210 = arith.xori %iota3A, %xor3A_209 : vector<16xi32>
        %broadcast_in_dim3A_211 = vector.shape_cast %xor3A_210 : vector<16xi32> to vector<16x1xi32>
        %gather3A_212 = vector.shape_cast %broadcast_in_dim3A_211 : vector<16x1xi32> to vector<16xi32>
        %gather3A_213 = tpu.dynamic_gather %select_n3A_207[%gather3A_212] in [0] : vector<16xf32>, vector<16xi32> -> vector<16xf32>
        %and3A_214 = arith.constant 8 : i32
        %and3A_215 = vector.broadcast %and3A_214 : i32 to vector<16xi32>
        %and3A_216 = arith.andi %iota3A, %and3A_215 : vector<16xi32>
        %eq3A_217 = arith.constant 0 : i32
        %eq3A_218 = vector.broadcast %eq3A_217 : i32 to vector<16xi32>
        %eq3A_219 = arith.cmpi eq, %and3A_216, %eq3A_218 : vector<16xi32>
        %and3A_220 = arith.constant 16 : i32
        %and3A_221 = vector.broadcast %and3A_220 : i32 to vector<16xi32>
        %and3A_222 = arith.andi %iota3A, %and3A_221 : vector<16xi32>
        %ne3A_223 = arith.constant 0 : i32
        %ne3A_224 = vector.broadcast %ne3A_223 : i32 to vector<16xi32>
        %ne3A_225 = arith.cmpi ne, %and3A_222, %ne3A_224 : vector<16xi32>
        %ne3A_226 = arith.xori %eq3A_219, %ne3A_225 : vector<16xi1>
        %min3A_227 = arith.minimumf %select_n3A_207, %gather3A_213 : vector<16xf32>
        %max3A_228 = arith.maximumf %select_n3A_207, %gather3A_213 : vector<16xf32>
        %select_n3A_229 = arith.select %ne3A_226, %min3A_227, %max3A_228 : vector<16xi1>, vector<16xf32>
        %xor3A_230 = arith.constant 4 : i32
        %xor3A_231 = vector.broadcast %xor3A_230 : i32 to vector<16xi32>
        %xor3A_232 = arith.xori %iota3A, %xor3A_231 : vector<16xi32>
        %broadcast_in_dim3A_233 = vector.shape_cast %xor3A_232 : vector<16xi32> to vector<16x1xi32>
        %gather3A_234 = vector.shape_cast %broadcast_in_dim3A_233 : vector<16x1xi32> to vector<16xi32>
        %gather3A_235 = tpu.dynamic_gather %select_n3A_229[%gather3A_234] in [0] : vector<16xf32>, vector<16xi32> -> vector<16xf32>
        %and3A_236 = arith.constant 4 : i32
        %and3A_237 = vector.broadcast %and3A_236 : i32 to vector<16xi32>
        %and3A_238 = arith.andi %iota3A, %and3A_237 : vector<16xi32>
        %eq3A_239 = arith.constant 0 : i32
        %eq3A_240 = vector.broadcast %eq3A_239 : i32 to vector<16xi32>
        %eq3A_241 = arith.cmpi eq, %and3A_238, %eq3A_240 : vector<16xi32>
        %and3A_242 = arith.constant 16 : i32
        %and3A_243 = vector.broadcast %and3A_242 : i32 to vector<16xi32>
        %and3A_244 = arith.andi %iota3A, %and3A_243 : vector<16xi32>
        %ne3A_245 = arith.constant 0 : i32
        %ne3A_246 = vector.broadcast %ne3A_245 : i32 to vector<16xi32>
        %ne3A_247 = arith.cmpi ne, %and3A_244, %ne3A_246 : vector<16xi32>
        %ne3A_248 = arith.xori %eq3A_241, %ne3A_247 : vector<16xi1>
        %min3A_249 = arith.minimumf %select_n3A_229, %gather3A_235 : vector<16xf32>
        %max3A_250 = arith.maximumf %select_n3A_229, %gather3A_235 : vector<16xf32>
        %select_n3A_251 = arith.select %ne3A_248, %min3A_249, %max3A_250 : vector<16xi1>, vector<16xf32>
        %xor3A_252 = arith.constant 2 : i32
        %xor3A_253 = vector.broadcast %xor3A_252 : i32 to vector<16xi32>
        %xor3A_254 = arith.xori %iota3A, %xor3A_253 : vector<16xi32>
        %broadcast_in_dim3A_255 = vector.shape_cast %xor3A_254 : vector<16xi32> to vector<16x1xi32>
        %gather3A_256 = vector.shape_cast %broadcast_in_dim3A_255 : vector<16x1xi32> to vector<16xi32>
        %gather3A_257 = tpu.dynamic_gather %select_n3A_251[%gather3A_256] in [0] : vector<16xf32>, vector<16xi32> -> vector<16xf32>
        %and3A_258 = arith.constant 2 : i32
        %and3A_259 = vector.broadcast %and3A_258 : i32 to vector<16xi32>
        %and3A_260 = arith.andi %iota3A, %and3A_259 : vector<16xi32>
        %eq3A_261 = arith.constant 0 : i32
        %eq3A_262 = vector.broadcast %eq3A_261 : i32 to vector<16xi32>
        %eq3A_263 = arith.cmpi eq, %and3A_260, %eq3A_262 : vector<16xi32>
        %and3A_264 = arith.constant 16 : i32
        %and3A_265 = vector.broadcast %and3A_264 : i32 to vector<16xi32>
        %and3A_266 = arith.andi %iota3A, %and3A_265 : vector<16xi32>
        %ne3A_267 = arith.constant 0 : i32
        %ne3A_268 = vector.broadcast %ne3A_267 : i32 to vector<16xi32>
        %ne3A_269 = arith.cmpi ne, %and3A_266, %ne3A_268 : vector<16xi32>
        %ne3A_270 = arith.xori %eq3A_263, %ne3A_269 : vector<16xi1>
        %min3A_271 = arith.minimumf %select_n3A_251, %gather3A_257 : vector<16xf32>
        %max3A_272 = arith.maximumf %select_n3A_251, %gather3A_257 : vector<16xf32>
        %select_n3A_273 = arith.select %ne3A_270, %min3A_271, %max3A_272 : vector<16xi1>, vector<16xf32>
        %xor3A_274 = arith.constant 1 : i32
        %xor3A_275 = vector.broadcast %xor3A_274 : i32 to vector<16xi32>
        %xor3A_276 = arith.xori %iota3A, %xor3A_275 : vector<16xi32>
        %broadcast_in_dim3A_277 = vector.shape_cast %xor3A_276 : vector<16xi32> to vector<16x1xi32>
        %gather3A_278 = vector.shape_cast %broadcast_in_dim3A_277 : vector<16x1xi32> to vector<16xi32>
        %gather3A_279 = tpu.dynamic_gather %select_n3A_273[%gather3A_278] in [0] : vector<16xf32>, vector<16xi32> -> vector<16xf32>
        %and3A_280 = arith.constant 1 : i32
        %and3A_281 = vector.broadcast %and3A_280 : i32 to vector<16xi32>
        %and3A_282 = arith.andi %iota3A, %and3A_281 : vector<16xi32>
        %eq3A_283 = arith.constant 0 : i32
        %eq3A_284 = vector.broadcast %eq3A_283 : i32 to vector<16xi32>
        %eq3A_285 = arith.cmpi eq, %and3A_282, %eq3A_284 : vector<16xi32>
        %and3A_286 = arith.constant 16 : i32
        %and3A_287 = vector.broadcast %and3A_286 : i32 to vector<16xi32>
        %and3A_288 = arith.andi %iota3A, %and3A_287 : vector<16xi32>
        %ne3A_289 = arith.constant 0 : i32
        %ne3A_290 = vector.broadcast %ne3A_289 : i32 to vector<16xi32>
        %ne3A_291 = arith.cmpi ne, %and3A_288, %ne3A_290 : vector<16xi32>
        %ne3A_292 = arith.xori %eq3A_285, %ne3A_291 : vector<16xi1>
        %min3A_293 = arith.minimumf %select_n3A_273, %gather3A_279 : vector<16xf32>
        %max3A_294 = arith.maximumf %select_n3A_273, %gather3A_279 : vector<16xf32>
        %select_n3A_295 = arith.select %ne3A_292, %min3A_293, %max3A_294 : vector<16xi1>, vector<16xf32>
        %swap3A = arith.index_cast %add3A_72 : i32 to index
        %swap3A_296 = arith.constant 0 : index
        %swap3A_297 = tpu.vector_load %arg8[%swap3A, %swap3A_296] {strides = array<i32>} : memref<72x16xf32, #tpu.memory_space<vmem>>, vector<1x16xf32>,
        %swap3A_298 = vector.shape_cast %swap3A_297 : vector<1x16xf32> to vector<16xf32>
        %swap3A_299 = vector.shape_cast %select_n3A_295 : vector<16xf32> to vector<1x16xf32>
        tpu.vector_store %arg8[%swap3A, %swap3A_296], %swap3A_299 {strides = array<i32>} : memref<72x16xf32, #tpu.memory_space<vmem>>, vector<1x16xf32>,
        %scan3A_300 = arith.constant 0 : i32
        scf.yield %scan3A_300 : i32
      }
      %scan3A_66 = arith.constant 4 : i32
      %scan3A_67 = arith.constant 0 : i32
      scf.yield %scan3A_67 : i32
    }
    %scan3A_15 = arith.constant 9 : i32
    "tpu.region"() ({
      %run_scoped3A = tpu.sem_alloc : memref<!tpu.dma_semaphore, #tpu.memory_space<semaphore_mem>>
      %dma_start3A_16 = arith.constant 0 : i32
      %dma_start3A_17 = tpu.memref_slice %arg4[%mul3A_2, %dma_start3A_16] : memref<2304x16xf32, #tpu.memory_space<hbm>> -> memref<72x16xf32, #tpu.memory_space<hbm>>
      %dma_start3A_18 = arith.constant 0 : i32
      %dma_start3A_19 = tpu.memref_slice %arg4[%mul3A_2, %dma_start3A_18] : memref<2304x16xf32, #tpu.memory_space<hbm>> -> memref<72x16xf32, #tpu.memory_space<hbm>>
      tpu.enqueue_dma source(%arg8 : memref<72x16xf32, #tpu.memory_space<vmem>>) target(%dma_start3A_19 : memref<72x16xf32, #tpu.memory_space<hbm>>) target_semaphore(%run_scoped3A : memref<!tpu.dma_semaphore, #tpu.memory_space<semaphore_mem>>)
      %dma_wait3A = arith.constant 0 : i32
      %dma_wait3A_20 = tpu.memref_slice %arg4[%mul3A_2, %dma_wait3A] : memref<2304x16xf32, #tpu.memory_space<hbm>> -> memref<72x16xf32, #tpu.memory_space<hbm>>
      %dma_wait3A_21 = arith.constant 0 : i32
      %dma_wait3A_22 = tpu.memref_slice %arg4[%mul3A_2, %dma_wait3A_21] : memref<2304x16xf32, #tpu.memory_space<hbm>> -> memref<72x16xf32, #tpu.memory_space<hbm>>
      tpu.wait_dma2 semaphore(%run_scoped3A : memref<!tpu.dma_semaphore, #tpu.memory_space<semaphore_mem>>) src(%arg8 : memref<72x16xf32, #tpu.memory_space<vmem>>) dst(%dma_wait3A_22 : memref<72x16xf32, #tpu.memory_space<hbm>>)
      tpu.yield
    }) : () -> ()
    return
  }
}

module attributes {stable_mosaic.version = 14 : i64} {
  func.func @_tc_body(%arg0: i32, %arg1: memref<128x16xi32, #tpu.memory_space<vmem>>, %arg2: memref<128x4096xf32, #tpu.memory_space<vmem>>, %arg3: memref<16x128xf32, #tpu.memory_space<vmem>>) attributes {dimension_semantics = [#tpu.dimension_semantics<arbitrary>], iteration_bounds = array<i64: 14>, scalar_prefetch = 0 : i64, scratch_operands = 0 : i64, tpu.core_type = #tpu.core_type<tc>, window_params = [{transform_indices = @transform_0, window_bounds = array<i64: 128, 16>}, {transform_indices = @transform_1, window_bounds = array<i64: 128, 4096>}, {transform_indices = @transform_2, window_bounds = array<i64: 16, 128>}]} {
    %get3A = arith.constant 0 : index
    %get3A_0 = arith.constant 0 : index
    %get3A_1 = vector.load %arg2[%get3A, %get3A_0] : memref<128x4096xf32, #tpu.memory_space<vmem>>, vector<128x4096xf32>
    %iota3A = tpu.iota {dimensions = array<i32: 1>} : vector<128x4096xi32>
    %get3A_2 = arith.constant 0 : index
    %get3A_3 = arith.constant 0 : index
    %get3A_4 = vector.load %arg1[%get3A_2, %get3A_3] : memref<128x16xi32, #tpu.memory_space<vmem>>, vector<128x1xi32>
    %get3A_5 = arith.constant 0 : index
    %get3A_6 = arith.constant 5 : index
    %get3A_7 = vector.load %arg1[%get3A_5, %get3A_6] : memref<128x16xi32, #tpu.memory_space<vmem>>, vector<128x1xi32>
    %ge3A = vector.broadcast %get3A_4 : vector<128x1xi32> to vector<128x4096xi32>
    %ge3A_8 = arith.cmpi sge, %iota3A, %ge3A : vector<128x4096xi32>
    %lt3A = vector.broadcast %get3A_7 : vector<128x1xi32> to vector<128x4096xi32>
    %lt3A_9 = arith.cmpi slt, %iota3A, %lt3A : vector<128x4096xi32>
    %and3A = arith.andi %ge3A_8, %lt3A_9 : vector<128x4096xi1>
    %jit3A = arith.constant 0x7F800000 : f32
    %broadcast_in_dim3A = vector.broadcast %jit3A : f32 to vector<128x4096xf32>
    %select_n3A = arith.select %and3A, %get3A_1, %broadcast_in_dim3A : vector<128x4096xi1>, vector<128x4096xf32>
    %reduce_min3A = arith.constant dense<0x7F800000> : vector<128xf32>
    %reduce_min3A_10 = vector.multi_reduction <minimumf>, %select_n3A, %reduce_min3A [1] : vector<128x4096xf32> to vector<128xf32>
    %jit3A_11 = arith.constant 0xFF800000 : f32
    %broadcast_in_dim3A_12 = vector.broadcast %jit3A_11 : f32 to vector<128x4096xf32>
    %select_n3A_13 = arith.select %and3A, %get3A_1, %broadcast_in_dim3A_12 : vector<128x4096xi1>, vector<128x4096xf32>
    %reduce_max3A = arith.constant dense<0xFF800000> : vector<128xf32>
    %reduce_max3A_14 = vector.multi_reduction <maximumf>, %select_n3A_13, %reduce_max3A [1] : vector<128x4096xf32> to vector<128xf32>
    %broadcast_in_dim3A_15 = vector.shape_cast %reduce_min3A_10 : vector<128xf32> to vector<1x128xf32>
    %broadcast_in_dim3A_16 = vector.shape_cast %reduce_max3A_14 : vector<128xf32> to vector<1x128xf32>
    %get3A_17 = arith.constant 0 : index
    %get3A_18 = arith.constant 1 : index
    %get3A_19 = vector.load %arg1[%get3A_17, %get3A_18] : memref<128x16xi32, #tpu.memory_space<vmem>>, vector<128x1xi32>
    %get3A_20 = arith.constant 0 : index
    %get3A_21 = arith.constant 6 : index
    %get3A_22 = vector.load %arg1[%get3A_20, %get3A_21] : memref<128x16xi32, #tpu.memory_space<vmem>>, vector<128x1xi32>
    %ge3A_23 = vector.broadcast %get3A_19 : vector<128x1xi32> to vector<128x4096xi32>
    %ge3A_24 = arith.cmpi sge, %iota3A, %ge3A_23 : vector<128x4096xi32>
    %lt3A_25 = vector.broadcast %get3A_22 : vector<128x1xi32> to vector<128x4096xi32>
    %lt3A_26 = arith.cmpi slt, %iota3A, %lt3A_25 : vector<128x4096xi32>
    %and3A_27 = arith.andi %ge3A_24, %lt3A_26 : vector<128x4096xi1>
    %jit3A_28 = arith.constant 0x7F800000 : f32
    %broadcast_in_dim3A_29 = vector.broadcast %jit3A_28 : f32 to vector<128x4096xf32>
    %select_n3A_30 = arith.select %and3A_27, %get3A_1, %broadcast_in_dim3A_29 : vector<128x4096xi1>, vector<128x4096xf32>
    %reduce_min3A_31 = arith.constant dense<0x7F800000> : vector<128xf32>
    %reduce_min3A_32 = vector.multi_reduction <minimumf>, %select_n3A_30, %reduce_min3A_31 [1] : vector<128x4096xf32> to vector<128xf32>
    %jit3A_33 = arith.constant 0xFF800000 : f32
    %broadcast_in_dim3A_34 = vector.broadcast %jit3A_33 : f32 to vector<128x4096xf32>
    %select_n3A_35 = arith.select %and3A_27, %get3A_1, %broadcast_in_dim3A_34 : vector<128x4096xi1>, vector<128x4096xf32>
    %reduce_max3A_36 = arith.constant dense<0xFF800000> : vector<128xf32>
    %reduce_max3A_37 = vector.multi_reduction <maximumf>, %select_n3A_35, %reduce_max3A_36 [1] : vector<128x4096xf32> to vector<128xf32>
    %broadcast_in_dim3A_38 = vector.shape_cast %reduce_min3A_32 : vector<128xf32> to vector<1x128xf32>
    %broadcast_in_dim3A_39 = vector.shape_cast %reduce_max3A_37 : vector<128xf32> to vector<1x128xf32>
    %get3A_40 = arith.constant 0 : index
    %get3A_41 = arith.constant 2 : index
    %get3A_42 = vector.load %arg1[%get3A_40, %get3A_41] : memref<128x16xi32, #tpu.memory_space<vmem>>, vector<128x1xi32>
    %get3A_43 = arith.constant 0 : index
    %get3A_44 = arith.constant 7 : index
    %get3A_45 = vector.load %arg1[%get3A_43, %get3A_44] : memref<128x16xi32, #tpu.memory_space<vmem>>, vector<128x1xi32>
    %ge3A_46 = vector.broadcast %get3A_42 : vector<128x1xi32> to vector<128x4096xi32>
    %ge3A_47 = arith.cmpi sge, %iota3A, %ge3A_46 : vector<128x4096xi32>
    %lt3A_48 = vector.broadcast %get3A_45 : vector<128x1xi32> to vector<128x4096xi32>
    %lt3A_49 = arith.cmpi slt, %iota3A, %lt3A_48 : vector<128x4096xi32>
    %and3A_50 = arith.andi %ge3A_47, %lt3A_49 : vector<128x4096xi1>
    %jit3A_51 = arith.constant 0x7F800000 : f32
    %broadcast_in_dim3A_52 = vector.broadcast %jit3A_51 : f32 to vector<128x4096xf32>
    %select_n3A_53 = arith.select %and3A_50, %get3A_1, %broadcast_in_dim3A_52 : vector<128x4096xi1>, vector<128x4096xf32>
    %reduce_min3A_54 = arith.constant dense<0x7F800000> : vector<128xf32>
    %reduce_min3A_55 = vector.multi_reduction <minimumf>, %select_n3A_53, %reduce_min3A_54 [1] : vector<128x4096xf32> to vector<128xf32>
    %jit3A_56 = arith.constant 0xFF800000 : f32
    %broadcast_in_dim3A_57 = vector.broadcast %jit3A_56 : f32 to vector<128x4096xf32>
    %select_n3A_58 = arith.select %and3A_50, %get3A_1, %broadcast_in_dim3A_57 : vector<128x4096xi1>, vector<128x4096xf32>
    %reduce_max3A_59 = arith.constant dense<0xFF800000> : vector<128xf32>
    %reduce_max3A_60 = vector.multi_reduction <maximumf>, %select_n3A_58, %reduce_max3A_59 [1] : vector<128x4096xf32> to vector<128xf32>
    %broadcast_in_dim3A_61 = vector.shape_cast %reduce_min3A_55 : vector<128xf32> to vector<1x128xf32>
    %broadcast_in_dim3A_62 = vector.shape_cast %reduce_max3A_60 : vector<128xf32> to vector<1x128xf32>
    %get3A_63 = arith.constant 0 : index
    %get3A_64 = arith.constant 3 : index
    %get3A_65 = vector.load %arg1[%get3A_63, %get3A_64] : memref<128x16xi32, #tpu.memory_space<vmem>>, vector<128x1xi32>
    %get3A_66 = arith.constant 0 : index
    %get3A_67 = arith.constant 8 : index
    %get3A_68 = vector.load %arg1[%get3A_66, %get3A_67] : memref<128x16xi32, #tpu.memory_space<vmem>>, vector<128x1xi32>
    %ge3A_69 = vector.broadcast %get3A_65 : vector<128x1xi32> to vector<128x4096xi32>
    %ge3A_70 = arith.cmpi sge, %iota3A, %ge3A_69 : vector<128x4096xi32>
    %lt3A_71 = vector.broadcast %get3A_68 : vector<128x1xi32> to vector<128x4096xi32>
    %lt3A_72 = arith.cmpi slt, %iota3A, %lt3A_71 : vector<128x4096xi32>
    %and3A_73 = arith.andi %ge3A_70, %lt3A_72 : vector<128x4096xi1>
    %jit3A_74 = arith.constant 0x7F800000 : f32
    %broadcast_in_dim3A_75 = vector.broadcast %jit3A_74 : f32 to vector<128x4096xf32>
    %select_n3A_76 = arith.select %and3A_73, %get3A_1, %broadcast_in_dim3A_75 : vector<128x4096xi1>, vector<128x4096xf32>
    %reduce_min3A_77 = arith.constant dense<0x7F800000> : vector<128xf32>
    %reduce_min3A_78 = vector.multi_reduction <minimumf>, %select_n3A_76, %reduce_min3A_77 [1] : vector<128x4096xf32> to vector<128xf32>
    %jit3A_79 = arith.constant 0xFF800000 : f32
    %broadcast_in_dim3A_80 = vector.broadcast %jit3A_79 : f32 to vector<128x4096xf32>
    %select_n3A_81 = arith.select %and3A_73, %get3A_1, %broadcast_in_dim3A_80 : vector<128x4096xi1>, vector<128x4096xf32>
    %reduce_max3A_82 = arith.constant dense<0xFF800000> : vector<128xf32>
    %reduce_max3A_83 = vector.multi_reduction <maximumf>, %select_n3A_81, %reduce_max3A_82 [1] : vector<128x4096xf32> to vector<128xf32>
    %broadcast_in_dim3A_84 = vector.shape_cast %reduce_min3A_78 : vector<128xf32> to vector<1x128xf32>
    %broadcast_in_dim3A_85 = vector.shape_cast %reduce_max3A_83 : vector<128xf32> to vector<1x128xf32>
    %get3A_86 = arith.constant 0 : index
    %get3A_87 = arith.constant 4 : index
    %get3A_88 = vector.load %arg1[%get3A_86, %get3A_87] : memref<128x16xi32, #tpu.memory_space<vmem>>, vector<128x1xi32>
    %get3A_89 = arith.constant 0 : index
    %get3A_90 = arith.constant 9 : index
    %get3A_91 = vector.load %arg1[%get3A_89, %get3A_90] : memref<128x16xi32, #tpu.memory_space<vmem>>, vector<128x1xi32>
    %ge3A_92 = vector.broadcast %get3A_88 : vector<128x1xi32> to vector<128x4096xi32>
    %ge3A_93 = arith.cmpi sge, %iota3A, %ge3A_92 : vector<128x4096xi32>
    %lt3A_94 = vector.broadcast %get3A_91 : vector<128x1xi32> to vector<128x4096xi32>
    %lt3A_95 = arith.cmpi slt, %iota3A, %lt3A_94 : vector<128x4096xi32>
    %and3A_96 = arith.andi %ge3A_93, %lt3A_95 : vector<128x4096xi1>
    %jit3A_97 = arith.constant 0x7F800000 : f32
    %broadcast_in_dim3A_98 = vector.broadcast %jit3A_97 : f32 to vector<128x4096xf32>
    %select_n3A_99 = arith.select %and3A_96, %get3A_1, %broadcast_in_dim3A_98 : vector<128x4096xi1>, vector<128x4096xf32>
    %reduce_min3A_100 = arith.constant dense<0x7F800000> : vector<128xf32>
    %reduce_min3A_101 = vector.multi_reduction <minimumf>, %select_n3A_99, %reduce_min3A_100 [1] : vector<128x4096xf32> to vector<128xf32>
    %jit3A_102 = arith.constant 0xFF800000 : f32
    %broadcast_in_dim3A_103 = vector.broadcast %jit3A_102 : f32 to vector<128x4096xf32>
    %select_n3A_104 = arith.select %and3A_96, %get3A_1, %broadcast_in_dim3A_103 : vector<128x4096xi1>, vector<128x4096xf32>
    %reduce_max3A_105 = arith.constant dense<0xFF800000> : vector<128xf32>
    %reduce_max3A_106 = vector.multi_reduction <maximumf>, %select_n3A_104, %reduce_max3A_105 [1] : vector<128x4096xf32> to vector<128xf32>
    %broadcast_in_dim3A_107 = vector.shape_cast %reduce_min3A_101 : vector<128xf32> to vector<1x128xf32>
    %broadcast_in_dim3A_108 = vector.shape_cast %reduce_max3A_106 : vector<128xf32> to vector<1x128xf32>
    %broadcast_in_dim3A_109 = arith.constant 0x7F800000 : f32
    %broadcast_in_dim3A_110 = vector.broadcast %broadcast_in_dim3A_109 : f32 to vector<6x128xf32>
    %concatenate3A = tpu.concatenate %broadcast_in_dim3A_15, %broadcast_in_dim3A_16, %broadcast_in_dim3A_38, %broadcast_in_dim3A_39, %broadcast_in_dim3A_61, %broadcast_in_dim3A_62, %broadcast_in_dim3A_84, %broadcast_in_dim3A_85, %broadcast_in_dim3A_107, %broadcast_in_dim3A_108, %broadcast_in_dim3A_110 in 0 : vector<1x128xf32>, vector<1x128xf32>, vector<1x128xf32>, vector<1x128xf32>, vector<1x128xf32>, vector<1x128xf32>, vector<1x128xf32>, vector<1x128xf32>, vector<1x128xf32>, vector<1x128xf32>, vector<6x128xf32> -> vector<16x128xf32>
    %iota3A_111 = tpu.iota {dimensions = array<i32: 0>} : vector<16x1xi32>
    %slice3A = vector.extract_strided_slice %concatenate3A {offsets = [0, 0], sizes = [1, 128], strides = [1, 1]} : vector<16x128xf32> to vector<1x128xf32>
    %slice3A_112 = vector.extract_strided_slice %concatenate3A {offsets = [1, 0], sizes = [1, 128], strides = [1, 1]} : vector<16x128xf32> to vector<1x128xf32>
    %slice3A_113 = vector.extract_strided_slice %concatenate3A {offsets = [2, 0], sizes = [1, 128], strides = [1, 1]} : vector<16x128xf32> to vector<1x128xf32>
    %slice3A_114 = vector.extract_strided_slice %concatenate3A {offsets = [3, 0], sizes = [1, 128], strides = [1, 1]} : vector<16x128xf32> to vector<1x128xf32>
    %slice3A_115 = vector.extract_strided_slice %concatenate3A {offsets = [4, 0], sizes = [1, 128], strides = [1, 1]} : vector<16x128xf32> to vector<1x128xf32>
    %slice3A_116 = vector.extract_strided_slice %concatenate3A {offsets = [5, 0], sizes = [1, 128], strides = [1, 1]} : vector<16x128xf32> to vector<1x128xf32>
    %slice3A_117 = vector.extract_strided_slice %concatenate3A {offsets = [6, 0], sizes = [1, 128], strides = [1, 1]} : vector<16x128xf32> to vector<1x128xf32>
    %slice3A_118 = vector.extract_strided_slice %concatenate3A {offsets = [7, 0], sizes = [1, 128], strides = [1, 1]} : vector<16x128xf32> to vector<1x128xf32>
    %slice3A_119 = vector.extract_strided_slice %concatenate3A {offsets = [8, 0], sizes = [1, 128], strides = [1, 1]} : vector<16x128xf32> to vector<1x128xf32>
    %slice3A_120 = vector.extract_strided_slice %concatenate3A {offsets = [9, 0], sizes = [1, 128], strides = [1, 1]} : vector<16x128xf32> to vector<1x128xf32>
    %slice3A_121 = vector.extract_strided_slice %concatenate3A {offsets = [10, 0], sizes = [1, 128], strides = [1, 1]} : vector<16x128xf32> to vector<1x128xf32>
    %slice3A_122 = vector.extract_strided_slice %concatenate3A {offsets = [11, 0], sizes = [1, 128], strides = [1, 1]} : vector<16x128xf32> to vector<1x128xf32>
    %slice3A_123 = vector.extract_strided_slice %concatenate3A {offsets = [12, 0], sizes = [1, 128], strides = [1, 1]} : vector<16x128xf32> to vector<1x128xf32>
    %slice3A_124 = vector.extract_strided_slice %concatenate3A {offsets = [13, 0], sizes = [1, 128], strides = [1, 1]} : vector<16x128xf32> to vector<1x128xf32>
    %slice3A_125 = vector.extract_strided_slice %concatenate3A {offsets = [14, 0], sizes = [1, 128], strides = [1, 1]} : vector<16x128xf32> to vector<1x128xf32>
    %slice3A_126 = vector.extract_strided_slice %concatenate3A {offsets = [15, 0], sizes = [1, 128], strides = [1, 1]} : vector<16x128xf32> to vector<1x128xf32>
    %concatenate3A_127 = tpu.concatenate %slice3A_112, %slice3A, %slice3A_114, %slice3A_113, %slice3A_116, %slice3A_115, %slice3A_118, %slice3A_117, %slice3A_120, %slice3A_119, %slice3A_122, %slice3A_121, %slice3A_124, %slice3A_123, %slice3A_126, %slice3A_125 in 0 : vector<1x128xf32>, vector<1x128xf32>, vector<1x128xf32>, vector<1x128xf32>, vector<1x128xf32>, vector<1x128xf32>, vector<1x128xf32>, vector<1x128xf32>, vector<1x128xf32>, vector<1x128xf32>, vector<1x128xf32>, vector<1x128xf32>, vector<1x128xf32>, vector<1x128xf32>, vector<1x128xf32>, vector<1x128xf32> -> vector<16x128xf32>
    %and3A_128 = arith.constant 1 : i32
    %and3A_129 = vector.broadcast %and3A_128 : i32 to vector<16x1xi32>
    %and3A_130 = arith.andi %iota3A_111, %and3A_129 : vector<16x1xi32>
    %eq3A = arith.constant 0 : i32
    %eq3A_131 = vector.broadcast %eq3A : i32 to vector<16x1xi32>
    %eq3A_132 = arith.cmpi eq, %and3A_130, %eq3A_131 : vector<16x1xi32>
    %and3A_133 = arith.constant 2 : i32
    %and3A_134 = vector.broadcast %and3A_133 : i32 to vector<16x1xi32>
    %and3A_135 = arith.andi %iota3A_111, %and3A_134 : vector<16x1xi32>
    %ne3A = arith.constant 0 : i32
    %ne3A_136 = vector.broadcast %ne3A : i32 to vector<16x1xi32>
    %ne3A_137 = arith.cmpi ne, %and3A_135, %ne3A_136 : vector<16x1xi32>
    %ne3A_138 = arith.xori %eq3A_132, %ne3A_137 : vector<16x1xi1>
    %min3A = arith.minimumf %concatenate3A, %concatenate3A_127 : vector<16x128xf32>
    %max3A = arith.maximumf %concatenate3A, %concatenate3A_127 : vector<16x128xf32>
    %broadcast_in_dim3A_139 = vector.shape_cast %ne3A_138 : vector<16x1xi1> to vector<16x1xi1>
    %broadcast_in_dim3A_140 = vector.broadcast %broadcast_in_dim3A_139 : vector<16x1xi1> to vector<16x128xi1>
    %select_n3A_141 = arith.select %broadcast_in_dim3A_140, %min3A, %max3A : vector<16x128xi1>, vector<16x128xf32>
    %slice3A_142 = vector.extract_strided_slice %select_n3A_141 {offsets = [0, 0], sizes = [2, 128], strides = [1, 1]} : vector<16x128xf32> to vector<2x128xf32>
    %slice3A_143 = vector.extract_strided_slice %select_n3A_141 {offsets = [2, 0], sizes = [2, 128], strides = [1, 1]} : vector<16x128xf32> to vector<2x128xf32>
    %slice3A_144 = vector.extract_strided_slice %select_n3A_141 {offsets = [4, 0], sizes = [2, 128], strides = [1, 1]} : vector<16x128xf32> to vector<2x128xf32>
    %slice3A_145 = vector.extract_strided_slice %select_n3A_141 {offsets = [6, 0], sizes = [2, 128], strides = [1, 1]} : vector<16x128xf32> to vector<2x128xf32>
    %slice3A_146 = vector.extract_strided_slice %select_n3A_141 {offsets = [8, 0], sizes = [2, 128], strides = [1, 1]} : vector<16x128xf32> to vector<2x128xf32>
    %slice3A_147 = vector.extract_strided_slice %select_n3A_141 {offsets = [10, 0], sizes = [2, 128], strides = [1, 1]} : vector<16x128xf32> to vector<2x128xf32>
    %slice3A_148 = vector.extract_strided_slice %select_n3A_141 {offsets = [12, 0], sizes = [2, 128], strides = [1, 1]} : vector<16x128xf32> to vector<2x128xf32>
    %slice3A_149 = vector.extract_strided_slice %select_n3A_141 {offsets = [14, 0], sizes = [2, 128], strides = [1, 1]} : vector<16x128xf32> to vector<2x128xf32>
    %concatenate3A_150 = tpu.concatenate %slice3A_143, %slice3A_142, %slice3A_145, %slice3A_144, %slice3A_147, %slice3A_146, %slice3A_149, %slice3A_148 in 0 : vector<2x128xf32>, vector<2x128xf32>, vector<2x128xf32>, vector<2x128xf32>, vector<2x128xf32>, vector<2x128xf32>, vector<2x128xf32>, vector<2x128xf32> -> vector<16x128xf32>
    %and3A_151 = arith.constant 2 : i32
    %and3A_152 = vector.broadcast %and3A_151 : i32 to vector<16x1xi32>
    %and3A_153 = arith.andi %iota3A_111, %and3A_152 : vector<16x1xi32>
    %eq3A_154 = arith.constant 0 : i32
    %eq3A_155 = vector.broadcast %eq3A_154 : i32 to vector<16x1xi32>
    %eq3A_156 = arith.cmpi eq, %and3A_153, %eq3A_155 : vector<16x1xi32>
    %and3A_157 = arith.constant 4 : i32
    %and3A_158 = vector.broadcast %and3A_157 : i32 to vector<16x1xi32>
    %and3A_159 = arith.andi %iota3A_111, %and3A_158 : vector<16x1xi32>
    %ne3A_160 = arith.constant 0 : i32
    %ne3A_161 = vector.broadcast %ne3A_160 : i32 to vector<16x1xi32>
    %ne3A_162 = arith.cmpi ne, %and3A_159, %ne3A_161 : vector<16x1xi32>
    %ne3A_163 = arith.xori %eq3A_156, %ne3A_162 : vector<16x1xi1>
    %min3A_164 = arith.minimumf %select_n3A_141, %concatenate3A_150 : vector<16x128xf32>
    %max3A_165 = arith.maximumf %select_n3A_141, %concatenate3A_150 : vector<16x128xf32>
    %broadcast_in_dim3A_166 = vector.shape_cast %ne3A_163 : vector<16x1xi1> to vector<16x1xi1>
    %broadcast_in_dim3A_167 = vector.broadcast %broadcast_in_dim3A_166 : vector<16x1xi1> to vector<16x128xi1>
    %select_n3A_168 = arith.select %broadcast_in_dim3A_167, %min3A_164, %max3A_165 : vector<16x128xi1>, vector<16x128xf32>
    %slice3A_169 = vector.extract_strided_slice %select_n3A_168 {offsets = [0, 0], sizes = [1, 128], strides = [1, 1]} : vector<16x128xf32> to vector<1x128xf32>
    %slice3A_170 = vector.extract_strided_slice %select_n3A_168 {offsets = [1, 0], sizes = [1, 128], strides = [1, 1]} : vector<16x128xf32> to vector<1x128xf32>
    %slice3A_171 = vector.extract_strided_slice %select_n3A_168 {offsets = [2, 0], sizes = [1, 128], strides = [1, 1]} : vector<16x128xf32> to vector<1x128xf32>
    %slice3A_172 = vector.extract_strided_slice %select_n3A_168 {offsets = [3, 0], sizes = [1, 128], strides = [1, 1]} : vector<16x128xf32> to vector<1x128xf32>
    %slice3A_173 = vector.extract_strided_slice %select_n3A_168 {offsets = [4, 0], sizes = [1, 128], strides = [1, 1]} : vector<16x128xf32> to vector<1x128xf32>
    %slice3A_174 = vector.extract_strided_slice %select_n3A_168 {offsets = [5, 0], sizes = [1, 128], strides = [1, 1]} : vector<16x128xf32> to vector<1x128xf32>
    %slice3A_175 = vector.extract_strided_slice %select_n3A_168 {offsets = [6, 0], sizes = [1, 128], strides = [1, 1]} : vector<16x128xf32> to vector<1x128xf32>
    %slice3A_176 = vector.extract_strided_slice %select_n3A_168 {offsets = [7, 0], sizes = [1, 128], strides = [1, 1]} : vector<16x128xf32> to vector<1x128xf32>
    %slice3A_177 = vector.extract_strided_slice %select_n3A_168 {offsets = [8, 0], sizes = [1, 128], strides = [1, 1]} : vector<16x128xf32> to vector<1x128xf32>
    %slice3A_178 = vector.extract_strided_slice %select_n3A_168 {offsets = [9, 0], sizes = [1, 128], strides = [1, 1]} : vector<16x128xf32> to vector<1x128xf32>
    %slice3A_179 = vector.extract_strided_slice %select_n3A_168 {offsets = [10, 0], sizes = [1, 128], strides = [1, 1]} : vector<16x128xf32> to vector<1x128xf32>
    %slice3A_180 = vector.extract_strided_slice %select_n3A_168 {offsets = [11, 0], sizes = [1, 128], strides = [1, 1]} : vector<16x128xf32> to vector<1x128xf32>
    %slice3A_181 = vector.extract_strided_slice %select_n3A_168 {offsets = [12, 0], sizes = [1, 128], strides = [1, 1]} : vector<16x128xf32> to vector<1x128xf32>
    %slice3A_182 = vector.extract_strided_slice %select_n3A_168 {offsets = [13, 0], sizes = [1, 128], strides = [1, 1]} : vector<16x128xf32> to vector<1x128xf32>
    %slice3A_183 = vector.extract_strided_slice %select_n3A_168 {offsets = [14, 0], sizes = [1, 128], strides = [1, 1]} : vector<16x128xf32> to vector<1x128xf32>
    %slice3A_184 = vector.extract_strided_slice %select_n3A_168 {offsets = [15, 0], sizes = [1, 128], strides = [1, 1]} : vector<16x128xf32> to vector<1x128xf32>
    %concatenate3A_185 = tpu.concatenate %slice3A_170, %slice3A_169, %slice3A_172, %slice3A_171, %slice3A_174, %slice3A_173, %slice3A_176, %slice3A_175, %slice3A_178, %slice3A_177, %slice3A_180, %slice3A_179, %slice3A_182, %slice3A_181, %slice3A_184, %slice3A_183 in 0 : vector<1x128xf32>, vector<1x128xf32>, vector<1x128xf32>, vector<1x128xf32>, vector<1x128xf32>, vector<1x128xf32>, vector<1x128xf32>, vector<1x128xf32>, vector<1x128xf32>, vector<1x128xf32>, vector<1x128xf32>, vector<1x128xf32>, vector<1x128xf32>, vector<1x128xf32>, vector<1x128xf32>, vector<1x128xf32> -> vector<16x128xf32>
    %and3A_186 = arith.constant 1 : i32
    %and3A_187 = vector.broadcast %and3A_186 : i32 to vector<16x1xi32>
    %and3A_188 = arith.andi %iota3A_111, %and3A_187 : vector<16x1xi32>
    %eq3A_189 = arith.constant 0 : i32
    %eq3A_190 = vector.broadcast %eq3A_189 : i32 to vector<16x1xi32>
    %eq3A_191 = arith.cmpi eq, %and3A_188, %eq3A_190 : vector<16x1xi32>
    %and3A_192 = arith.constant 4 : i32
    %and3A_193 = vector.broadcast %and3A_192 : i32 to vector<16x1xi32>
    %and3A_194 = arith.andi %iota3A_111, %and3A_193 : vector<16x1xi32>
    %ne3A_195 = arith.constant 0 : i32
    %ne3A_196 = vector.broadcast %ne3A_195 : i32 to vector<16x1xi32>
    %ne3A_197 = arith.cmpi ne, %and3A_194, %ne3A_196 : vector<16x1xi32>
    %ne3A_198 = arith.xori %eq3A_191, %ne3A_197 : vector<16x1xi1>
    %min3A_199 = arith.minimumf %select_n3A_168, %concatenate3A_185 : vector<16x128xf32>
    %max3A_200 = arith.maximumf %select_n3A_168, %concatenate3A_185 : vector<16x128xf32>
    %broadcast_in_dim3A_201 = vector.shape_cast %ne3A_198 : vector<16x1xi1> to vector<16x1xi1>
    %broadcast_in_dim3A_202 = vector.broadcast %broadcast_in_dim3A_201 : vector<16x1xi1> to vector<16x128xi1>
    %select_n3A_203 = arith.select %broadcast_in_dim3A_202, %min3A_199, %max3A_200 : vector<16x128xi1>, vector<16x128xf32>
    %slice3A_204 = vector.extract_strided_slice %select_n3A_203 {offsets = [0, 0], sizes = [4, 128], strides = [1, 1]} : vector<16x128xf32> to vector<4x128xf32>
    %slice3A_205 = vector.extract_strided_slice %select_n3A_203 {offsets = [4, 0], sizes = [4, 128], strides = [1, 1]} : vector<16x128xf32> to vector<4x128xf32>
    %slice3A_206 = vector.extract_strided_slice %select_n3A_203 {offsets = [8, 0], sizes = [4, 128], strides = [1, 1]} : vector<16x128xf32> to vector<4x128xf32>
    %slice3A_207 = vector.extract_strided_slice %select_n3A_203 {offsets = [12, 0], sizes = [4, 128], strides = [1, 1]} : vector<16x128xf32> to vector<4x128xf32>
    %concatenate3A_208 = tpu.concatenate %slice3A_205, %slice3A_204, %slice3A_207, %slice3A_206 in 0 : vector<4x128xf32>, vector<4x128xf32>, vector<4x128xf32>, vector<4x128xf32> -> vector<16x128xf32>
    %and3A_209 = arith.constant 4 : i32
    %and3A_210 = vector.broadcast %and3A_209 : i32 to vector<16x1xi32>
    %and3A_211 = arith.andi %iota3A_111, %and3A_210 : vector<16x1xi32>
    %eq3A_212 = arith.constant 0 : i32
    %eq3A_213 = vector.broadcast %eq3A_212 : i32 to vector<16x1xi32>
    %eq3A_214 = arith.cmpi eq, %and3A_211, %eq3A_213 : vector<16x1xi32>
    %and3A_215 = arith.constant 8 : i32
    %and3A_216 = vector.broadcast %and3A_215 : i32 to vector<16x1xi32>
    %and3A_217 = arith.andi %iota3A_111, %and3A_216 : vector<16x1xi32>
    %ne3A_218 = arith.constant 0 : i32
    %ne3A_219 = vector.broadcast %ne3A_218 : i32 to vector<16x1xi32>
    %ne3A_220 = arith.cmpi ne, %and3A_217, %ne3A_219 : vector<16x1xi32>
    %ne3A_221 = arith.xori %eq3A_214, %ne3A_220 : vector<16x1xi1>
    %min3A_222 = arith.minimumf %select_n3A_203, %concatenate3A_208 : vector<16x128xf32>
    %max3A_223 = arith.maximumf %select_n3A_203, %concatenate3A_208 : vector<16x128xf32>
    %broadcast_in_dim3A_224 = vector.shape_cast %ne3A_221 : vector<16x1xi1> to vector<16x1xi1>
    %broadcast_in_dim3A_225 = vector.broadcast %broadcast_in_dim3A_224 : vector<16x1xi1> to vector<16x128xi1>
    %select_n3A_226 = arith.select %broadcast_in_dim3A_225, %min3A_222, %max3A_223 : vector<16x128xi1>, vector<16x128xf32>
    %slice3A_227 = vector.extract_strided_slice %select_n3A_226 {offsets = [0, 0], sizes = [2, 128], strides = [1, 1]} : vector<16x128xf32> to vector<2x128xf32>
    %slice3A_228 = vector.extract_strided_slice %select_n3A_226 {offsets = [2, 0], sizes = [2, 128], strides = [1, 1]} : vector<16x128xf32> to vector<2x128xf32>
    %slice3A_229 = vector.extract_strided_slice %select_n3A_226 {offsets = [4, 0], sizes = [2, 128], strides = [1, 1]} : vector<16x128xf32> to vector<2x128xf32>
    %slice3A_230 = vector.extract_strided_slice %select_n3A_226 {offsets = [6, 0], sizes = [2, 128], strides = [1, 1]} : vector<16x128xf32> to vector<2x128xf32>
    %slice3A_231 = vector.extract_strided_slice %select_n3A_226 {offsets = [8, 0], sizes = [2, 128], strides = [1, 1]} : vector<16x128xf32> to vector<2x128xf32>
    %slice3A_232 = vector.extract_strided_slice %select_n3A_226 {offsets = [10, 0], sizes = [2, 128], strides = [1, 1]} : vector<16x128xf32> to vector<2x128xf32>
    %slice3A_233 = vector.extract_strided_slice %select_n3A_226 {offsets = [12, 0], sizes = [2, 128], strides = [1, 1]} : vector<16x128xf32> to vector<2x128xf32>
    %slice3A_234 = vector.extract_strided_slice %select_n3A_226 {offsets = [14, 0], sizes = [2, 128], strides = [1, 1]} : vector<16x128xf32> to vector<2x128xf32>
    %concatenate3A_235 = tpu.concatenate %slice3A_228, %slice3A_227, %slice3A_230, %slice3A_229, %slice3A_232, %slice3A_231, %slice3A_234, %slice3A_233 in 0 : vector<2x128xf32>, vector<2x128xf32>, vector<2x128xf32>, vector<2x128xf32>, vector<2x128xf32>, vector<2x128xf32>, vector<2x128xf32>, vector<2x128xf32> -> vector<16x128xf32>
    %and3A_236 = arith.constant 2 : i32
    %and3A_237 = vector.broadcast %and3A_236 : i32 to vector<16x1xi32>
    %and3A_238 = arith.andi %iota3A_111, %and3A_237 : vector<16x1xi32>
    %eq3A_239 = arith.constant 0 : i32
    %eq3A_240 = vector.broadcast %eq3A_239 : i32 to vector<16x1xi32>
    %eq3A_241 = arith.cmpi eq, %and3A_238, %eq3A_240 : vector<16x1xi32>
    %and3A_242 = arith.constant 8 : i32
    %and3A_243 = vector.broadcast %and3A_242 : i32 to vector<16x1xi32>
    %and3A_244 = arith.andi %iota3A_111, %and3A_243 : vector<16x1xi32>
    %ne3A_245 = arith.constant 0 : i32
    %ne3A_246 = vector.broadcast %ne3A_245 : i32 to vector<16x1xi32>
    %ne3A_247 = arith.cmpi ne, %and3A_244, %ne3A_246 : vector<16x1xi32>
    %ne3A_248 = arith.xori %eq3A_241, %ne3A_247 : vector<16x1xi1>
    %min3A_249 = arith.minimumf %select_n3A_226, %concatenate3A_235 : vector<16x128xf32>
    %max3A_250 = arith.maximumf %select_n3A_226, %concatenate3A_235 : vector<16x128xf32>
    %broadcast_in_dim3A_251 = vector.shape_cast %ne3A_248 : vector<16x1xi1> to vector<16x1xi1>
    %broadcast_in_dim3A_252 = vector.broadcast %broadcast_in_dim3A_251 : vector<16x1xi1> to vector<16x128xi1>
    %select_n3A_253 = arith.select %broadcast_in_dim3A_252, %min3A_249, %max3A_250 : vector<16x128xi1>, vector<16x128xf32>
    %slice3A_254 = vector.extract_strided_slice %select_n3A_253 {offsets = [0, 0], sizes = [1, 128], strides = [1, 1]} : vector<16x128xf32> to vector<1x128xf32>
    %slice3A_255 = vector.extract_strided_slice %select_n3A_253 {offsets = [1, 0], sizes = [1, 128], strides = [1, 1]} : vector<16x128xf32> to vector<1x128xf32>
    %slice3A_256 = vector.extract_strided_slice %select_n3A_253 {offsets = [2, 0], sizes = [1, 128], strides = [1, 1]} : vector<16x128xf32> to vector<1x128xf32>
    %slice3A_257 = vector.extract_strided_slice %select_n3A_253 {offsets = [3, 0], sizes = [1, 128], strides = [1, 1]} : vector<16x128xf32> to vector<1x128xf32>
    %slice3A_258 = vector.extract_strided_slice %select_n3A_253 {offsets = [4, 0], sizes = [1, 128], strides = [1, 1]} : vector<16x128xf32> to vector<1x128xf32>
    %slice3A_259 = vector.extract_strided_slice %select_n3A_253 {offsets = [5, 0], sizes = [1, 128], strides = [1, 1]} : vector<16x128xf32> to vector<1x128xf32>
    %slice3A_260 = vector.extract_strided_slice %select_n3A_253 {offsets = [6, 0], sizes = [1, 128], strides = [1, 1]} : vector<16x128xf32> to vector<1x128xf32>
    %slice3A_261 = vector.extract_strided_slice %select_n3A_253 {offsets = [7, 0], sizes = [1, 128], strides = [1, 1]} : vector<16x128xf32> to vector<1x128xf32>
    %slice3A_262 = vector.extract_strided_slice %select_n3A_253 {offsets = [8, 0], sizes = [1, 128], strides = [1, 1]} : vector<16x128xf32> to vector<1x128xf32>
    %slice3A_263 = vector.extract_strided_slice %select_n3A_253 {offsets = [9, 0], sizes = [1, 128], strides = [1, 1]} : vector<16x128xf32> to vector<1x128xf32>
    %slice3A_264 = vector.extract_strided_slice %select_n3A_253 {offsets = [10, 0], sizes = [1, 128], strides = [1, 1]} : vector<16x128xf32> to vector<1x128xf32>
    %slice3A_265 = vector.extract_strided_slice %select_n3A_253 {offsets = [11, 0], sizes = [1, 128], strides = [1, 1]} : vector<16x128xf32> to vector<1x128xf32>
    %slice3A_266 = vector.extract_strided_slice %select_n3A_253 {offsets = [12, 0], sizes = [1, 128], strides = [1, 1]} : vector<16x128xf32> to vector<1x128xf32>
    %slice3A_267 = vector.extract_strided_slice %select_n3A_253 {offsets = [13, 0], sizes = [1, 128], strides = [1, 1]} : vector<16x128xf32> to vector<1x128xf32>
    %slice3A_268 = vector.extract_strided_slice %select_n3A_253 {offsets = [14, 0], sizes = [1, 128], strides = [1, 1]} : vector<16x128xf32> to vector<1x128xf32>
    %slice3A_269 = vector.extract_strided_slice %select_n3A_253 {offsets = [15, 0], sizes = [1, 128], strides = [1, 1]} : vector<16x128xf32> to vector<1x128xf32>
    %concatenate3A_270 = tpu.concatenate %slice3A_255, %slice3A_254, %slice3A_257, %slice3A_256, %slice3A_259, %slice3A_258, %slice3A_261, %slice3A_260, %slice3A_263, %slice3A_262, %slice3A_265, %slice3A_264, %slice3A_267, %slice3A_266, %slice3A_269, %slice3A_268 in 0 : vector<1x128xf32>, vector<1x128xf32>, vector<1x128xf32>, vector<1x128xf32>, vector<1x128xf32>, vector<1x128xf32>, vector<1x128xf32>, vector<1x128xf32>, vector<1x128xf32>, vector<1x128xf32>, vector<1x128xf32>, vector<1x128xf32>, vector<1x128xf32>, vector<1x128xf32>, vector<1x128xf32>, vector<1x128xf32> -> vector<16x128xf32>
    %and3A_271 = arith.constant 1 : i32
    %and3A_272 = vector.broadcast %and3A_271 : i32 to vector<16x1xi32>
    %and3A_273 = arith.andi %iota3A_111, %and3A_272 : vector<16x1xi32>
    %eq3A_274 = arith.constant 0 : i32
    %eq3A_275 = vector.broadcast %eq3A_274 : i32 to vector<16x1xi32>
    %eq3A_276 = arith.cmpi eq, %and3A_273, %eq3A_275 : vector<16x1xi32>
    %and3A_277 = arith.constant 8 : i32
    %and3A_278 = vector.broadcast %and3A_277 : i32 to vector<16x1xi32>
    %and3A_279 = arith.andi %iota3A_111, %and3A_278 : vector<16x1xi32>
    %ne3A_280 = arith.constant 0 : i32
    %ne3A_281 = vector.broadcast %ne3A_280 : i32 to vector<16x1xi32>
    %ne3A_282 = arith.cmpi ne, %and3A_279, %ne3A_281 : vector<16x1xi32>
    %ne3A_283 = arith.xori %eq3A_276, %ne3A_282 : vector<16x1xi1>
    %min3A_284 = arith.minimumf %select_n3A_253, %concatenate3A_270 : vector<16x128xf32>
    %max3A_285 = arith.maximumf %select_n3A_253, %concatenate3A_270 : vector<16x128xf32>
    %broadcast_in_dim3A_286 = vector.shape_cast %ne3A_283 : vector<16x1xi1> to vector<16x1xi1>
    %broadcast_in_dim3A_287 = vector.broadcast %broadcast_in_dim3A_286 : vector<16x1xi1> to vector<16x128xi1>
    %select_n3A_288 = arith.select %broadcast_in_dim3A_287, %min3A_284, %max3A_285 : vector<16x128xi1>, vector<16x128xf32>
    %slice3A_289 = vector.extract_strided_slice %select_n3A_288 {offsets = [0, 0], sizes = [8, 128], strides = [1, 1]} : vector<16x128xf32> to vector<8x128xf32>
    %slice3A_290 = vector.extract_strided_slice %select_n3A_288 {offsets = [8, 0], sizes = [8, 128], strides = [1, 1]} : vector<16x128xf32> to vector<8x128xf32>
    %concatenate3A_291 = tpu.concatenate %slice3A_290, %slice3A_289 in 0 : vector<8x128xf32>, vector<8x128xf32> -> vector<16x128xf32>
    %and3A_292 = arith.constant 8 : i32
    %and3A_293 = vector.broadcast %and3A_292 : i32 to vector<16x1xi32>
    %and3A_294 = arith.andi %iota3A_111, %and3A_293 : vector<16x1xi32>
    %eq3A_295 = arith.constant 0 : i32
    %eq3A_296 = vector.broadcast %eq3A_295 : i32 to vector<16x1xi32>
    %eq3A_297 = arith.cmpi eq, %and3A_294, %eq3A_296 : vector<16x1xi32>
    %and3A_298 = arith.constant 16 : i32
    %and3A_299 = vector.broadcast %and3A_298 : i32 to vector<16x1xi32>
    %and3A_300 = arith.andi %iota3A_111, %and3A_299 : vector<16x1xi32>
    %ne3A_301 = arith.constant 0 : i32
    %ne3A_302 = vector.broadcast %ne3A_301 : i32 to vector<16x1xi32>
    %ne3A_303 = arith.cmpi ne, %and3A_300, %ne3A_302 : vector<16x1xi32>
    %ne3A_304 = arith.xori %eq3A_297, %ne3A_303 : vector<16x1xi1>
    %min3A_305 = arith.minimumf %select_n3A_288, %concatenate3A_291 : vector<16x128xf32>
    %max3A_306 = arith.maximumf %select_n3A_288, %concatenate3A_291 : vector<16x128xf32>
    %broadcast_in_dim3A_307 = vector.shape_cast %ne3A_304 : vector<16x1xi1> to vector<16x1xi1>
    %broadcast_in_dim3A_308 = vector.broadcast %broadcast_in_dim3A_307 : vector<16x1xi1> to vector<16x128xi1>
    %select_n3A_309 = arith.select %broadcast_in_dim3A_308, %min3A_305, %max3A_306 : vector<16x128xi1>, vector<16x128xf32>
    %slice3A_310 = vector.extract_strided_slice %select_n3A_309 {offsets = [0, 0], sizes = [4, 128], strides = [1, 1]} : vector<16x128xf32> to vector<4x128xf32>
    %slice3A_311 = vector.extract_strided_slice %select_n3A_309 {offsets = [4, 0], sizes = [4, 128], strides = [1, 1]} : vector<16x128xf32> to vector<4x128xf32>
    %slice3A_312 = vector.extract_strided_slice %select_n3A_309 {offsets = [8, 0], sizes = [4, 128], strides = [1, 1]} : vector<16x128xf32> to vector<4x128xf32>
    %slice3A_313 = vector.extract_strided_slice %select_n3A_309 {offsets = [12, 0], sizes = [4, 128], strides = [1, 1]} : vector<16x128xf32> to vector<4x128xf32>
    %concatenate3A_314 = tpu.concatenate %slice3A_311, %slice3A_310, %slice3A_313, %slice3A_312 in 0 : vector<4x128xf32>, vector<4x128xf32>, vector<4x128xf32>, vector<4x128xf32> -> vector<16x128xf32>
    %and3A_315 = arith.constant 4 : i32
    %and3A_316 = vector.broadcast %and3A_315 : i32 to vector<16x1xi32>
    %and3A_317 = arith.andi %iota3A_111, %and3A_316 : vector<16x1xi32>
    %eq3A_318 = arith.constant 0 : i32
    %eq3A_319 = vector.broadcast %eq3A_318 : i32 to vector<16x1xi32>
    %eq3A_320 = arith.cmpi eq, %and3A_317, %eq3A_319 : vector<16x1xi32>
    %and3A_321 = arith.constant 16 : i32
    %and3A_322 = vector.broadcast %and3A_321 : i32 to vector<16x1xi32>
    %and3A_323 = arith.andi %iota3A_111, %and3A_322 : vector<16x1xi32>
    %ne3A_324 = arith.constant 0 : i32
    %ne3A_325 = vector.broadcast %ne3A_324 : i32 to vector<16x1xi32>
    %ne3A_326 = arith.cmpi ne, %and3A_323, %ne3A_325 : vector<16x1xi32>
    %ne3A_327 = arith.xori %eq3A_320, %ne3A_326 : vector<16x1xi1>
    %min3A_328 = arith.minimumf %select_n3A_309, %concatenate3A_314 : vector<16x128xf32>
    %max3A_329 = arith.maximumf %select_n3A_309, %concatenate3A_314 : vector<16x128xf32>
    %broadcast_in_dim3A_330 = vector.shape_cast %ne3A_327 : vector<16x1xi1> to vector<16x1xi1>
    %broadcast_in_dim3A_331 = vector.broadcast %broadcast_in_dim3A_330 : vector<16x1xi1> to vector<16x128xi1>
    %select_n3A_332 = arith.select %broadcast_in_dim3A_331, %min3A_328, %max3A_329 : vector<16x128xi1>, vector<16x128xf32>
    %slice3A_333 = vector.extract_strided_slice %select_n3A_332 {offsets = [0, 0], sizes = [2, 128], strides = [1, 1]} : vector<16x128xf32> to vector<2x128xf32>
    %slice3A_334 = vector.extract_strided_slice %select_n3A_332 {offsets = [2, 0], sizes = [2, 128], strides = [1, 1]} : vector<16x128xf32> to vector<2x128xf32>
    %slice3A_335 = vector.extract_strided_slice %select_n3A_332 {offsets = [4, 0], sizes = [2, 128], strides = [1, 1]} : vector<16x128xf32> to vector<2x128xf32>
    %slice3A_336 = vector.extract_strided_slice %select_n3A_332 {offsets = [6, 0], sizes = [2, 128], strides = [1, 1]} : vector<16x128xf32> to vector<2x128xf32>
    %slice3A_337 = vector.extract_strided_slice %select_n3A_332 {offsets = [8, 0], sizes = [2, 128], strides = [1, 1]} : vector<16x128xf32> to vector<2x128xf32>
    %slice3A_338 = vector.extract_strided_slice %select_n3A_332 {offsets = [10, 0], sizes = [2, 128], strides = [1, 1]} : vector<16x128xf32> to vector<2x128xf32>
    %slice3A_339 = vector.extract_strided_slice %select_n3A_332 {offsets = [12, 0], sizes = [2, 128], strides = [1, 1]} : vector<16x128xf32> to vector<2x128xf32>
    %slice3A_340 = vector.extract_strided_slice %select_n3A_332 {offsets = [14, 0], sizes = [2, 128], strides = [1, 1]} : vector<16x128xf32> to vector<2x128xf32>
    %concatenate3A_341 = tpu.concatenate %slice3A_334, %slice3A_333, %slice3A_336, %slice3A_335, %slice3A_338, %slice3A_337, %slice3A_340, %slice3A_339 in 0 : vector<2x128xf32>, vector<2x128xf32>, vector<2x128xf32>, vector<2x128xf32>, vector<2x128xf32>, vector<2x128xf32>, vector<2x128xf32>, vector<2x128xf32> -> vector<16x128xf32>
    %and3A_342 = arith.constant 2 : i32
    %and3A_343 = vector.broadcast %and3A_342 : i32 to vector<16x1xi32>
    %and3A_344 = arith.andi %iota3A_111, %and3A_343 : vector<16x1xi32>
    %eq3A_345 = arith.constant 0 : i32
    %eq3A_346 = vector.broadcast %eq3A_345 : i32 to vector<16x1xi32>
    %eq3A_347 = arith.cmpi eq, %and3A_344, %eq3A_346 : vector<16x1xi32>
    %and3A_348 = arith.constant 16 : i32
    %and3A_349 = vector.broadcast %and3A_348 : i32 to vector<16x1xi32>
    %and3A_350 = arith.andi %iota3A_111, %and3A_349 : vector<16x1xi32>
    %ne3A_351 = arith.constant 0 : i32
    %ne3A_352 = vector.broadcast %ne3A_351 : i32 to vector<16x1xi32>
    %ne3A_353 = arith.cmpi ne, %and3A_350, %ne3A_352 : vector<16x1xi32>
    %ne3A_354 = arith.xori %eq3A_347, %ne3A_353 : vector<16x1xi1>
    %min3A_355 = arith.minimumf %select_n3A_332, %concatenate3A_341 : vector<16x128xf32>
    %max3A_356 = arith.maximumf %select_n3A_332, %concatenate3A_341 : vector<16x128xf32>
    %broadcast_in_dim3A_357 = vector.shape_cast %ne3A_354 : vector<16x1xi1> to vector<16x1xi1>
    %broadcast_in_dim3A_358 = vector.broadcast %broadcast_in_dim3A_357 : vector<16x1xi1> to vector<16x128xi1>
    %select_n3A_359 = arith.select %broadcast_in_dim3A_358, %min3A_355, %max3A_356 : vector<16x128xi1>, vector<16x128xf32>
    %slice3A_360 = vector.extract_strided_slice %select_n3A_359 {offsets = [0, 0], sizes = [1, 128], strides = [1, 1]} : vector<16x128xf32> to vector<1x128xf32>
    %slice3A_361 = vector.extract_strided_slice %select_n3A_359 {offsets = [1, 0], sizes = [1, 128], strides = [1, 1]} : vector<16x128xf32> to vector<1x128xf32>
    %slice3A_362 = vector.extract_strided_slice %select_n3A_359 {offsets = [2, 0], sizes = [1, 128], strides = [1, 1]} : vector<16x128xf32> to vector<1x128xf32>
    %slice3A_363 = vector.extract_strided_slice %select_n3A_359 {offsets = [3, 0], sizes = [1, 128], strides = [1, 1]} : vector<16x128xf32> to vector<1x128xf32>
    %slice3A_364 = vector.extract_strided_slice %select_n3A_359 {offsets = [4, 0], sizes = [1, 128], strides = [1, 1]} : vector<16x128xf32> to vector<1x128xf32>
    %slice3A_365 = vector.extract_strided_slice %select_n3A_359 {offsets = [5, 0], sizes = [1, 128], strides = [1, 1]} : vector<16x128xf32> to vector<1x128xf32>
    %slice3A_366 = vector.extract_strided_slice %select_n3A_359 {offsets = [6, 0], sizes = [1, 128], strides = [1, 1]} : vector<16x128xf32> to vector<1x128xf32>
    %slice3A_367 = vector.extract_strided_slice %select_n3A_359 {offsets = [7, 0], sizes = [1, 128], strides = [1, 1]} : vector<16x128xf32> to vector<1x128xf32>
    %slice3A_368 = vector.extract_strided_slice %select_n3A_359 {offsets = [8, 0], sizes = [1, 128], strides = [1, 1]} : vector<16x128xf32> to vector<1x128xf32>
    %slice3A_369 = vector.extract_strided_slice %select_n3A_359 {offsets = [9, 0], sizes = [1, 128], strides = [1, 1]} : vector<16x128xf32> to vector<1x128xf32>
    %slice3A_370 = vector.extract_strided_slice %select_n3A_359 {offsets = [10, 0], sizes = [1, 128], strides = [1, 1]} : vector<16x128xf32> to vector<1x128xf32>
    %slice3A_371 = vector.extract_strided_slice %select_n3A_359 {offsets = [11, 0], sizes = [1, 128], strides = [1, 1]} : vector<16x128xf32> to vector<1x128xf32>
    %slice3A_372 = vector.extract_strided_slice %select_n3A_359 {offsets = [12, 0], sizes = [1, 128], strides = [1, 1]} : vector<16x128xf32> to vector<1x128xf32>
    %slice3A_373 = vector.extract_strided_slice %select_n3A_359 {offsets = [13, 0], sizes = [1, 128], strides = [1, 1]} : vector<16x128xf32> to vector<1x128xf32>
    %slice3A_374 = vector.extract_strided_slice %select_n3A_359 {offsets = [14, 0], sizes = [1, 128], strides = [1, 1]} : vector<16x128xf32> to vector<1x128xf32>
    %slice3A_375 = vector.extract_strided_slice %select_n3A_359 {offsets = [15, 0], sizes = [1, 128], strides = [1, 1]} : vector<16x128xf32> to vector<1x128xf32>
    %concatenate3A_376 = tpu.concatenate %slice3A_361, %slice3A_360, %slice3A_363, %slice3A_362, %slice3A_365, %slice3A_364, %slice3A_367, %slice3A_366, %slice3A_369, %slice3A_368, %slice3A_371, %slice3A_370, %slice3A_373, %slice3A_372, %slice3A_375, %slice3A_374 in 0 : vector<1x128xf32>, vector<1x128xf32>, vector<1x128xf32>, vector<1x128xf32>, vector<1x128xf32>, vector<1x128xf32>, vector<1x128xf32>, vector<1x128xf32>, vector<1x128xf32>, vector<1x128xf32>, vector<1x128xf32>, vector<1x128xf32>, vector<1x128xf32>, vector<1x128xf32>, vector<1x128xf32>, vector<1x128xf32> -> vector<16x128xf32>
    %and3A_377 = arith.constant 1 : i32
    %and3A_378 = vector.broadcast %and3A_377 : i32 to vector<16x1xi32>
    %and3A_379 = arith.andi %iota3A_111, %and3A_378 : vector<16x1xi32>
    %eq3A_380 = arith.constant 0 : i32
    %eq3A_381 = vector.broadcast %eq3A_380 : i32 to vector<16x1xi32>
    %eq3A_382 = arith.cmpi eq, %and3A_379, %eq3A_381 : vector<16x1xi32>
    %and3A_383 = arith.constant 16 : i32
    %and3A_384 = vector.broadcast %and3A_383 : i32 to vector<16x1xi32>
    %and3A_385 = arith.andi %iota3A_111, %and3A_384 : vector<16x1xi32>
    %ne3A_386 = arith.constant 0 : i32
    %ne3A_387 = vector.broadcast %ne3A_386 : i32 to vector<16x1xi32>
    %ne3A_388 = arith.cmpi ne, %and3A_385, %ne3A_387 : vector<16x1xi32>
    %ne3A_389 = arith.xori %eq3A_382, %ne3A_388 : vector<16x1xi1>
    %min3A_390 = arith.minimumf %select_n3A_359, %concatenate3A_376 : vector<16x128xf32>
    %max3A_391 = arith.maximumf %select_n3A_359, %concatenate3A_376 : vector<16x128xf32>
    %broadcast_in_dim3A_392 = vector.shape_cast %ne3A_389 : vector<16x1xi1> to vector<16x1xi1>
    %broadcast_in_dim3A_393 = vector.broadcast %broadcast_in_dim3A_392 : vector<16x1xi1> to vector<16x128xi1>
    %select_n3A_394 = arith.select %broadcast_in_dim3A_393, %min3A_390, %max3A_391 : vector<16x128xi1>, vector<16x128xf32>
    %swap3A = arith.constant 0 : index
    %swap3A_395 = arith.constant 0 : index
    %swap3A_396 = vector.load %arg3[%swap3A, %swap3A_395] : memref<16x128xf32, #tpu.memory_space<vmem>>, vector<16x128xf32>
    tpu.vector_store %arg3[%swap3A, %swap3A_395], %select_n3A_394 {strides = array<i32>} : memref<16x128xf32, #tpu.memory_space<vmem>>, vector<16x128xf32>,
    return
  }
  func.func @transform_0(%arg0: i32) -> (i32, i32) {
    %add3A = arith.constant 18 : i32
    %add3A_0 = arith.addi %add3A, %arg0 : i32
    %c0_i32 = arith.constant 0 : i32
    %c0_i32_1 = arith.constant 0 : i32
    return %add3A_0, %c0_i32 : i32, i32
  }
  func.func @transform_1(%arg0: i32) -> (i32, i32) {
    %add3A = arith.constant 18 : i32
    %add3A_0 = arith.addi %add3A, %arg0 : i32
    %c0_i32 = arith.constant 0 : i32
    %c0_i32_1 = arith.constant 0 : i32
    return %add3A_0, %c0_i32 : i32, i32
  }
  func.func @transform_2(%arg0: i32) -> (i32, i32) {
    %c0_i32 = arith.constant 0 : i32
    %c0_i32_0 = arith.constant 0 : i32
    return %c0_i32, %arg0 : i32, i32
  }
}

</mosaic_0001>

<sc_bundles>
// kernel: _minmax_all.4.cloned.1.call-start
scs
__scs_entry_jumppad:
0x0: {  	(pc) =	sbr.rel $0x88, $3  }
0x1: {  	(tag) =	ssettag $0x0;
	lr =	simm.s32 $0x1  }
0x2: {  	[smem:$0x3F9E] =	sst lr;
	_ =	strace $0xD0000000  }
0x3: {  	_ = 	snop  }
0x4: {  	_ = 	snop  }
0x5: {  	_ = 	snop  }
0x6: {  	_ = 	snop  }
0x7: {  	_ = 	snop  }
__scs_overlays_trampoline_lowered:
0x8: {  	[smem:$0x3FAD] =	sst s0  }
0x9: {  	[smem:$0x3FAE] =	sst s1  }
0xa: {  	[smem:$0x3FAF] =	sst s2  }
0xb: {  	[smem:$0x3FB0] =	sst s3  }
0xc: {  	[smem:$0x3FB1] =	sst s4  }
0xd: {  	[smem:$0x3FB2] =	sst s5  }
0xe: {  	[smem:$0x3FB3] =	sst s6  }
0xf: {  	[smem:$0x3FB4] =	sst s7  }
0x10: {  	[smem:$0x3FB5] =	sst s8  }
0x11: {  	[smem:$0x3FB6] =	sst s9;
	s0 =	simm.s32 @!p0 $0x0  }
0x12: {  	s1 =	sld [smem:$0x3F9C];
	s0 =	simm.s32 @p0 $0x1  }
0x13: {  	[smem:$0x3FB7] =	sst s0;
	s0 =	simm.s32 @!p1 $0x0  }
0x14: {  	s2 =	sld [smem:$0x3F9B];
	s0 =	simm.s32 @p1 $0x1  }
0x15: {  	[smem:$0x3FB8] =	sst s0;
	s0 =	simm.s32 @!p2 $0x0  }
0x16: {  	s3 =	sld [smem:$0x3FDB];
	s0 =	simm.s32 @p2 $0x1  }
0x17: {  	s4 =	simm.s32 $0x1BF5;
	[smem:$0x3FBA] =	sst s0  }
0x18: {  	s0 =	sld [smem:$0x3F9D];
	_ =	swait.ge [sflag:s4], $0x0  }
0x19: {  	s7 =	sld [smem:$0x3F9E]  }
0x1a: {  	s8 =	sadd.s32 $0xFFFFE003, lr  }
0x1b: {  	s9 =	sadd.s32 $0xFFFFFEF7, lr;
	s5 =	simm.s32 $0xFFFFFFFF;
	p2 =	slt.u32 s8, $0xFFFFF086  }
0x1c: {  	p1 =	slt.u32 s9, $0xF7A;
	s5 =	simm.s32 @!p2 $0x0  }
0x1d: {  	s5 =	simm.s32 @p1 $0x1;
	p0 =	seq.s32 s7, s2  }
0x1e: {  	s7 =	smul.u32 @!p0 $0xF7A, s2;
	p2 =	seq.s32 @!p0 s5, $0x0  }
0x1f: {  	s9 =	smul.u32 $0xF7A, s1;
	s8 =	simm.s32 @!p0 $0x1BF5;
	p2 =	por !p2, p0  }
0x20: {  	[sflag:s8] =	ssyncset.s32 @!p0 $0xFFFFF086;
	s6 =	sadd.s32 @!p0 s3, s7;
	s7 =	simm.s32 @!p0 $0x108  }
0x21: {  	s3 =	sadd.s32 s3, s9;
	s6 =	sadd.s32 @!p0 $0x88, s6;
	s7 =	simm.s32 @p2 $0x1082  }
0x22: {  	[simem:s7], [sflag:s8] =	dma.local @!p0 [hbm:s6], $0xF7A  }
0x23: {  	s9 =	sor.u32 $0xD0000000, s2;
	s6 =	simm.s32 $0x108;
	_ =	swait.ge @!p0 [sflag:s8], $0x0  }
0x24: {  	s3 =	sadd.s32 $0x88, s3;
	s6 =	simm.s32 @!p1 $0x1082;
	[sflag:s4] =	ssyncset.s32 $0xFFFFF086  }
0x25: {  	[simem:s6], [sflag:s4] =	dma.local [hbm:s3], $0xF7A  }
0x26: {  	[smem:$0x3F9E] =	sst s1;
	(tag) =	ssettag s2;
	_ =	strace s9  }
0x27: {  	s1 =	sld [smem:$0x3FAE]  }
0x28: {  	s2 =	sld [smem:$0x3FAF]  }
0x29: {  	s4 =	sld [smem:$0x3FB1]  }
0x2a: {  	p0 =	seq.s32 s5, $0x0;
	s5 =	sld [smem:$0x3FB2]  }
0x2b: {  	s6 =	sld [smem:$0x3FB3]  }
0x2c: {  	s7 =	sld [smem:$0x3FB4]  }
0x2d: {  	s3 =	simm.s32 $0x108;
	s8 =	sld [smem:$0x3FB5]  }
0x2e: {  	s3 =	simm.s32 @!p0 $0x1082;
	s9 =	sld [smem:$0x3FB6]  }
0x2f: {  	lr =	sadd.s32 s0, s3;
	s0 =	sld [smem:$0x3FAD]  }
0x30: {  	s3 =	sld [smem:$0x3FB0]  }
0x31: {  	[smem:$0x3FB9] =	sst s10  }
0x32: {  	s10 =	sld [smem:$0x3FB7];
	_ =	sdelay $0x3  }
0x33: {  	p0 =	seq.s32 s10, $0x1;
	s10 =	sld [smem:$0x3FB9];
	_ =	sdelay $0x3  }
0x34: {  	[smem:$0x3FB9] =	sst s10  }
0x35: {  	s10 =	sld [smem:$0x3FB8];
	_ =	sdelay $0x3  }
0x36: {  	p1 =	seq.s32 s10, $0x1;
	s10 =	sld [smem:$0x3FB9];
	_ =	sdelay $0x3  }
0x37: {  	[smem:$0x3FB9] =	sst s10  }
0x38: {  	s10 =	sld [smem:$0x3FBA]  }
0x39: {  	_ = 	snop;
	(pc) =	sbr.ind lr, $3  }
0x3a: {  	_ = 	snop  }
0x3b: {  	_ = 	snop  }
0x3c: {  	p2 =	seq.s32 s10, $0x1;
	s10 =	sld [smem:$0x3FB9]  }
0x3d: {  	_ =	shalt  }
0x3e: {  	_ =	shalt  }
0x3f: {  	_ =	shalt  }
0x40: {  	_ =	shalt  }
0x41: {  	_ =	shalt  }
0x42: {  	_ =	shalt  }
0x43: {  	_ =	shalt  }
0x44: {  	_ =	shalt  }
0x45: {  	_ =	shalt  }
0x46: {  	_ =	shalt  }
0x47: {  	_ =	shalt  }
0x48: {  	_ =	shalt  }
0x49: {  	_ =	shalt  }
0x4a: {  	_ =	shalt  }
0x4b: {  	_ =	shalt  }
0x4c: {  	_ =	shalt  }
0x4d: {  	_ =	shalt  }
0x4e: {  	_ =	shalt  }
0x4f: {  	_ =	shalt  }
0x50: {  	_ =	shalt  }
0x51: {  	_ =	shalt  }
0x52: {  	_ =	shalt  }
0x53: {  	_ =	shalt  }
0x54: {  	_ =	shalt  }
0x55: {  	_ =	shalt  }
0x56: {  	_ =	shalt  }
0x57: {  	_ =	shalt  }
0x58: {  	_ =	shalt  }
0x59: {  	_ =	shalt  }
0x5a: {  	_ =	shalt  }
0x5b: {  	_ =	shalt  }
0x5c: {  	_ =	shalt  }
0x5d: {  	_ =	shalt  }
0x5e: {  	_ =	shalt  }
0x5f: {  	_ =	shalt  }
0x60: {  	_ =	shalt  }
0x61: {  	_ =	shalt  }
0x62: {  	_ =	shalt  }
0x63: {  	_ =	shalt  }
0x64: {  	_ =	shalt  }
0x65: {  	_ =	shalt  }
0x66: {  	_ =	shalt  }
0x67: {  	_ =	shalt  }
0x68: {  	_ =	shalt  }
0x69: {  	_ =	shalt  }
0x6a: {  	_ =	shalt  }
0x6b: {  	_ =	shalt  }
0x6c: {  	_ =	shalt  }
0x6d: {  	_ =	shalt  }
0x6e: {  	_ =	shalt  }
0x6f: {  	_ =	shalt  }
0x70: {  	_ =	shalt  }
0x71: {  	_ =	shalt  }
0x72: {  	_ =	shalt  }
0x73: {  	_ =	shalt  }
0x74: {  	_ =	shalt  }
0x75: {  	_ =	shalt  }
0x76: {  	_ =	shalt  }
0x77: {  	_ =	shalt  }
0x78: {  	_ =	shalt  }
0x79: {  	_ =	shalt  }
0x7a: {  	_ =	shalt  }
0x7b: {  	_ =	shalt  }
0x7c: {  	_ =	shalt  }
0x7d: {  	_ =	shalt  }
0x7e: {  	_ =	shalt  }
0x7f: {  	_ =	shalt  }
0x80: {  	_ =	shalt  }
0x81: {  	_ =	shalt  }
0x82: {  	_ =	shalt  }
0x83: {  	_ =	shalt  }
0x84: {  	_ =	shalt  }
0x85: {  	_ =	shalt  }
0x86: {  	_ =	shalt  }
0x87: {  	_ =	shalt  }
.Lfunc_end0:
.L_simem_size_0:
called_computation_lowered:
.L_overlay_start_0:
0x88: {  	s2 =	sld [smem:$0x3FD9]  }
0x89: {  	s3 =	sld [smem:$0x3FFE];
	_ =	sdelay $0x1  }
0x8a: {  	s1 =	srdreg.scid  }
0x8b: {  	s0 =	sand.u32 $0x1, s1  }
0x8c: {  	s17 =	sshll.u32 s0, $0xA;
	s2 =	sadd.s32 s3, s2  }
0x8d: {  	s2 =	sadd.s32 s2, s17  }
0x8e: {  	[smem:$0x3FC5] =	sst s2  }
0x8f: {  	_ = 	snop  }
0x90: {  	s2 =	sld [smem:$0x3FC9]  }
0x91: {  	s18 =	sld [smem:$0x3FC8];
	(tm) =	ssettm $0x1  }
0x92: {  	s4 =	sld [smem:$0x3FFB];
	_ =	sdelay $0x3  }
0x93: {  	_ =	strace s4  }
0x94: {  	s4 =	sld [smem:$0x3FFC];
	_ =	sdelay $0x3  }
0x95: {  	_ =	strace s4  }
0x96: {  	s4 =	sld [smem:$0x3FFD];
	_ =	sdelay $0x3  }
0x97: {  	_ =	strace s4  }
0x98: {  	_ =	strace $0x8FFFFFFF  }
0x99: {  	s19 =	sld [smem:$0x3FDB];
	_ =	sdelay $0x1  }
0x9a: {  	s5 =	simm.s32 $_scs_section_size  }
0x9b: {  	s6 =	simm.s32 $_size__tile_overlayer_lowered;
	s7 =	simm.s32 $_tile_overlayer_lowered  }
0x9c: {  	s22 =	simm.s32 $0x1BFF;
	s21 =	sshll.u32 s7, $0x1;
	s4 =	sadd.s32 s5, s19  }
0x9d: {  	s8 =	simm.s32 $0x0;
	s20 =	sshll.u32 s6, $0x1;
	s6 =	sadd.s32 s21, s4  }
0x9e: {  	[timem:s8], [sflag:s22] =	dma.local [hbm:s6], s20  }
0x9f: {  	_ =	swait.ge [sflag:s22], s20  }
0xa0: {  	s5 =	ssub.s32 $0x0, s20;
	[sflag:s22] =	ssyncset.done $0x0  }
0xa1: {  	[sflag:s22] =	ssyncadd.s32 s5;
	_ =	sdelay $0x1  }
0xa2: {  	s23 =	simm.s32 $0x1B8B  }
0xa3: {  	_ =	swait.ge [sflag:s23], $0x1  }
0xa4: {  	[sflag:s23] =	ssyncset.done $0x0  }
0xa5: {  	s25 =	simm.s32 $0x1B8E;
	s24 =	sld [smem:$0x3FFE];
	[sflag:s23] =	ssyncadd.s32 $0xFFFFFFFF  }
0xa6: {  	s26 =	simm.s32 $execute0_lowered;
	[smem:$0x3FD2] =	sst s25  }
0xa7: {  	s6 =	sshll.u32 s26, $0x1;
	_ =	strace $0x80000046;
	[dreg:$0x1] =	wrdreg $0xFFFFFFFF  }
0xa8: {  	s28 =	simm.s32 $_size_execute0_lowered;
	s4 =	sadd.s32 s4, s6;
	[dreg:$0x0] =	wrdreg $0x0  }
0xa9: {  	s6 =	sshll.u32 s28, $0x1;
	[dreg:$0x2] =	wrdreg s4  }
0xaa: {  	[dreg:$0x3] =	wrdreg s6  }
0xab: {  	[dreg:$0x4] =	wrdreg $0xC0  }
0xac: {  	_ =	task [dreg:s8], $0x5FFFF  }
0xad: {  	[dreg:$0x1] =	wrdreg $0xFFFFFFFF  }
0xae: {  	[dreg:$0x0] =	wrdreg $0x60  }
0xaf: {  	[dreg:$0x2] =	wrdreg s2  }
0xb0: {  	[dreg:$0x3] =	wrdreg s18  }
0xb1: {  	[dreg:$0x4] =	wrdreg s24  }
0xb2: {  	[dreg:$0x5] =	wrdreg $0x9  }
0xb3: {  	_ =	task.clear_ibuf [dreg:s8], $0x6FFFF;
	_ =	strace $0x90000046  }
0xb4: {  	s29 =	simm.s32 $0x9;
	_ =	strace $0x80000048  }
0xb5: {  	_ =	swait.ge [sflag:s29], $0x1  }
0xb6: {  	[sflag:s29] =	ssyncadd.s32 $0xFFFFFFFF  }
0xb7: {  	_ =	strace $0x90000048  }
0xb8: {  	_ =	sfence  }
0xb9: {  	s30 =	sld [smem:$0x0];
	_ =	sdelay $0x2  }
0xba: {  	s31 =	sshll.u32 s1, $0xD;
	s1 =	sshrl.u32 s1, $0x2  }
0xbb: {  	s3 =	sand.u32 $0x4000, s31;
	s1 =	sadd.s32 s1, s30  }
0xbc: {  	s0 =	sor.u32 s3, s0;
	s1 =	sshll.u32 s1, $0x11  }
0xbd: {  	s0 =	sor.u32 s1, s0  }
0xbe: {  	s0 =	sadd.s32 $0x8F2B, s0  }
0xbf: {  	[sflag:s0] =	ssyncadd.remote.s32 $0x1  }
0xc0: {  	_ =	sfence.sel $0xFFFF  }
0xc1: {  	[dreg:$0x0] =	wrdreg $0xFFFFFFFF;
	(pc) =	sbr.abs _section_cstart, $3  }
0xc2: {  	[dreg:$0x1] =	wrdreg $0xFFFFFFFF  }
0xc3: {  	_ =	task.clear_ibuf [dreg:s8], $0x2FFFF;
	_ =	strace $0x9FFFFFFF  }
0xc4: {  	(tm) =	ssettm $0x7FFFFFFF  }
0xc5: {  	_ =	shalt  }
tec
execute0_lowered:
.L_overlay_start_1:
0x0: {  	(tag) =	ssettag $0x1  }
0x1: {  	v0 =	vimm.s32 $0xEFCDAB89  }
0x2: {  	v1 =	vimm.s32 $0x67452301;
	v2 =	vimm.s32 $0xDCFE98BA;
	v3 =	vimm.s32 $0x54761032  }
0x3: {  	v4 =	vimm.s32 $0xBA98FEDC;
	v5 =	vimm.s32 $0x32107654;
	vm0 =	vcmask $0x130C  }
0x4: {  	vm1 =	vcmask $0x33C;
	vm2 =	vcmask $0x231C;
	vm8 =	vcmask $0xB08  }
0x5: {  	vm3 =	vcmask $0x332C;
	vm5 =	vcmask $0x738;
	vm7 =	vcmask $0x2B28  }
0x6: {  	vm6 =	vcmask $0x3734;
	vm10 =	vcmask $0x1310;
	vm9 =	vcmask $0x1710  }
0x7: {  	vm11 =	vcmask $0x1B18;
	vm12 =	vcmask $0x2724;
	vm13 =	vcmask $0x2F28  }
0x8: {  	vm14 =	vcmask $0x2F2C;
	v0 =	vunpack.c.l.s4.s8 v0;
	v1 =	vunpack.c.l.s4.s8 v1  }
0x9: {  	v2 =	vunpack.c.l.s4.s8 v2;
	v3 =	vunpack.c.l.s4.s8 v3;
	v4 =	vunpack.c.l.s4.s8 v4  }
0xa: {  	vm0 =	vmor vm1, vm0;
	vm4 =	vmor vm1, vm8;
	vm1 =	vcmask $0x1714  }
0xb: {  	v5 =	vunpack.c.l.s4.s8 v5;
	vm0 =	vmor vm0, vm2;
	vm1 =	vmor vm4, vm1  }
0xc: {  	vm4 =	vmor vm4, vm10;
	v6 =	vunpack.c.0.s8.s32 v0;
	v1 =	vunpack.c.0.s8.s32 v1  }
0xd: {  	v2 =	vunpack.c.0.s8.s32 v2;
	v3 =	vunpack.c.0.s8.s32 v3;
	v0 =	vlaneseq.u32  }
0xe: {  	v4 =	vunpack.c.0.s8.s32 v4;
	v5 =	vunpack.c.0.s8.s32 v5;
	vm0 =	vmor vm0, vm3  }
0xf: {  	vm3 =	vcmask $0x2718;
	vm2 =	vmor vm1, vm2;
	vm4 =	vmor vm4, vm11  }
0x10: {  	vm1 =	vmor vm5, vm3;
	vm2 =	vmor vm2, vm7;
	vm3 =	vcmask $0xF30  }
0x11: {  	s0 =	srdreg.scid;
	s2 =	stileid.u32;
	vm5 =	vmor vm5, vm9;
	vm12 =	vmor vm4, vm12;
	v6 =	vcombine.low v1, v6  }
0x12: {  	s0 =	sand.u32 $0x1, s0;
	s2 =	sshll.u32 s2, $0x1;
	v3 =	vcombine.low v3, v2;
	v1 =	vimm.s32 $0xFEDCBA98;
	v4 =	vcombine.low v5, v4  }
0x13: {  	s2 =	sor.u32 s0, s2;
	v5 =	vimm.s32 $0x76543210;
	vm2 =	vmor vm2, vm6;
	vm4 =	vmor vm5, vm13  }
0x14: {  	s8 =	rddreg [dreg:$0x0];
	s4 =	smul.u32 $0x480, s2;
	vm5 =	vmor vm12, vm14;
	vm12 =	vcmask $0x300;
	vm13 =	vcmask $0xF00  }
0x15: {  	s1 =	rddreg [dreg:$0x1];
	s5 =	smul.u32 $0x90, s2;
	vm14 =	vcmask $0x3B38;
	v7 =	vunpack.c.l.s4.s8 v1;
	v1 =	vadd.s32 $0x1, v0  }
0x16: {  	s3 =	rddreg [dreg:$0x2];
	s9 =	simm.s32 $0x0;
	s7 =	smul.u32 $0x9000, s2;
	v5 =	vunpack.c.l.s4.s8 v5;
	vm5 =	vmor vm5, vm6;
	vm6 =	vmmov $0xff  }
0x17: {  	[smem:$0x7FF] =	sst s9;
	s29 =	sadd.s32 $0x40, s8;
	s2 =	smul.u32 $0x48000, s2;
	vm8 =	vmor vm12, vm8;
	vm12 =	vcmask $0x2F20;
	v2 =	vand.u32 $0xF, v6  }
0x18: {  	s0 =	ssub.s32 $0x2, s0;
	_ =	strace $0x80000047;
	[dreg:$0x7] =	wrdreg s29;
	v3 =	vand.u32 $0xF, v3;
	v4 =	vand.u32 $0xF, v4;
	vm8 =	vmor vm8, vm10  }
0x19: {  	s6 =	sshrl.u32 s0, $0x1;
	s1 =	sadd.s32 s1, s5;
	[dreg:$0x4] =	wrdreg s2;
	vm10 =	vcmask $0x700;
	v6 =	vunpack.c.0.s8.s32 v7;
	vm8 =	vmor vm8, vm11  }
.Ltmp0:
0x1a: {  	s28 =	sadd.s32 s8, s7;
	[dreg:$0x5] =	wrdreg s1;
	vm11 =	vcmask $0x2320;
	vm9 =	vmor vm10, vm9;
	vm10 =	vcmask $0x2720;
	(pc) =	sbr.rel .LBB2_1-.Ltmp0, $4  }
0x1b: {  	s0 =	ssub.s32 s0, s6;
	s30 =	sadd.s32 $0x8000, s2;
	[dreg:$0x6] =	wrdreg s28;
	v5 =	vunpack.c.0.s8.s32 v5;
	vm8 =	vmor vm8, vm11;
	vm9 =	vmor vm9, vm10  }
0x1c: {  	s3 =	sadd.s32 s4, s3;
	s0 =	smax.u32 s0, $0x1;
	[dreg:$0x8] =	wrdreg s30;
	v6 =	vand.u32 $0xF, v6;
	vm7 =	vmor vm8, vm7;
	vm8 =	vcmask $0x3330  }
0x1d: {  	s31 =	sadd.s32 $0x600, s3;
	[dreg:$0xa] =	wrdreg s0;
	vm10 =	vcmask $0x3730;
	v5 =	vcombine.low v6, v5;
	vm11 =	vmor vm7, vm8  }
0x1e: {  	s2 =	simm.s32 $0x0;
	s1 =	simm.s32 $0x3;
	[dreg:$0x9] =	wrdreg s31;
	vm7 =	vmor vm13, vm12;
	vm8 =	vmor vm9, vm10;
	vm9 =	vmor vm11, vm14  }
.LBB2_33:
0x1f: {  	s9 =	simm.s32 $0x0;
	s0 =	rddreg [dreg:$0x9];
	s1 =	simm.s32 $0x8480  }
0x20: {  	[hbm4b:s0+s9] =	stream.linear.scatter [tilespmem:s1], [sflag:$0x3], $0x2400, $0x38;
	[tilespmem:$0xA880] =	vst v63  }
0x21: {  	s1 =	simm.s32 $0x3  }
0x22: {  	_ =	swait.ge [sflag:s1], $0x2400  }
0x23: {  	s2 =	rddreg [dreg:$0xb]  }
0x24: {  	s31 =	rddreg [dreg:$0xa];
	s2 =	sadd.s32 $0x1, s2  }
0x25: {  	p0 =	sne.s32 s2, s31  }
.Ltmp1:
0x26: {  	_ = 	snop;
	(pc) =	sbr.rel @!p0 .LBB2_34-.Ltmp1, $3  }
0x27: {  	_ =	sdelay $0x1  }
0x28: {  	[sflag:s1] =	ssyncset.done $0x0  }
0x29: {  	[sflag:s1] =	ssyncadd.s32 $0xFFFFDC00  }
.LBB2_1:
0x2a: {  	s0 =	rddreg [dreg:$0x5]  }
0x2b: {  	[tilespmem:s9], [sflag:$0x3] =	stream.linear.gather [hbm4b:s0+s9], $0x480, $0x38;
	[tilespmem:$0xA880] =	vst v63  }
.Ltmp2:
0x2c: {  	[dreg:$0xb] =	wrdreg s2;
	(pc) =	sbr.rel .LBB2_2-.Ltmp2, $4  }
0x2d: {  	s30 =	simm.s32 $0x200;
	_ =	swait.ge [sflag:s1], $0x480  }
0x2e: {  	s31 =	simm.s32 $0x400;
	s3 =	simm.s32 $0x480;
	[sflag:s1] =	ssyncset.done $0x0  }
0x2f: {  	s4 =	simm.s32 $0x0;
	s29 =	rddreg [dreg:$0x6];
	[sflag:s1] =	ssyncadd.s32 $0xFFFFFB80  }
0x30: {  	[tilespmem:s3], [sflag:$0x1] =	stream.strided.gather [hbm4b:s29+s30], $0x4000, s31, s30, $0x38;
	[tilespmem:$0xA880] =	vst v63  }
.LBB2_32:
0x31: {  	s4 =	rddreg [dreg:$0xc]  }
0x32: {  	s4 =	sadd.s32 $0x1, s4  }
0x33: {  	p0 =	sne.s32 s4, $0x9  }
.Ltmp3:
0x34: {  	_ = 	snop;
	(pc) =	sbr.rel @!p0 .LBB2_33-.Ltmp3, $1  }
0x35: {  	_ =	sdelay $0x3  }
.LBB2_2:
0x36: {  	s0 =	rddreg [dreg:$0x4]  }
0x37: {  	s1 =	sshll.u32 s4, $0xF;
	s28 =	rddreg [dreg:$0x7]  }
0x38: {  	s29 =	simm.s32 $0x200;
	s2 =	simm.s32 $0x400;
	s0 =	sadd.s32 s0, s1  }
0x39: {  	s3 =	simm.s32 $0x4480;
	s30 =	simm.s32 $0x1;
	s0 =	sshrl.u32 s0, $0x3  }
.Ltmp4:
0x3a: {  	[dreg:$0xe] =	wrdreg s1;
	s0 =	sadd.s32 s0, s28;
	(pc) =	sbr.rel .LBB2_3-.Ltmp4, $4  }
0x3b: {  	[tilespmem:s3], [sflag:$0x2] =	stream.strided.gather [hbm4b:s0+s29], $0x4000, s2, s29, $0x38;
	[tilespmem:$0xA880] =	vst v63  }
0x3c: {  	_ =	swait.ge [sflag:s30], $0x4000  }
0x3d: {  	s31 =	sshll.u32 s4, $0x3;
	[dreg:$0xc] =	wrdreg s4;
	[sflag:s30] =	ssyncset.done $0x0  }
0x3e: {  	s23 =	simm.s32 $0x0;
	[dreg:$0xd] =	wrdreg s31;
	[sflag:s30] =	ssyncadd.s32 $0xFFFFC000  }
.LBB2_16:
0x3f: {  	v7 =	vperm.xlane v6, v2;
	_ =	sdelay $0x1  }
0x40: {  	v8 =	vmin.f32 v6, v7;
	v6 =	vmax.f32 v6, v7  }
0x41: {  	v6 =	vsel vm0, v8, v6  }
0x42: {  	v7 =	vperm.xlane v6, v3;
	_ =	sdelay $0x1  }
0x43: {  	v8 =	vmin.f32 v6, v7;
	v6 =	vmax.f32 v6, v7  }
0x44: {  	v6 =	vsel vm1, v8, v6  }
0x45: {  	v7 =	vperm.xlane v6, v2;
	_ =	sdelay $0x1  }
0x46: {  	v8 =	vmin.f32 v6, v7;
	v6 =	vmax.f32 v6, v7  }
0x47: {  	v6 =	vsel vm2, v8, v6  }
0x48: {  	v7 =	vperm.xlane v6, v4;
	_ =	sdelay $0x1  }
0x49: {  	v8 =	vmin.f32 v6, v7;
	v6 =	vmax.f32 v6, v7  }
0x4a: {  	v6 =	vsel vm3, v8, v6  }
0x4b: {  	v7 =	vperm.xlane v6, v3;
	_ =	sdelay $0x1  }
0x4c: {  	v8 =	vmin.f32 v6, v7;
	v6 =	vmax.f32 v6, v7  }
0x4d: {  	v6 =	vsel vm4, v8, v6  }
0x4e: {  	v7 =	vperm.xlane v6, v2;
	_ =	sdelay $0x1  }
0x4f: {  	v8 =	vmin.f32 v6, v7;
	v6 =	vmax.f32 v6, v7  }
0x50: {  	v6 =	vsel vm5, v8, v6  }
0x51: {  	v7 =	vperm.xlane v6, v5;
	_ =	sdelay $0x1  }
0x52: {  	v8 =	vmin.f32 v6, v7;
	v6 =	vmax.f32 v6, v7  }
0x53: {  	v6 =	vsel vm6, v8, v6  }
0x54: {  	v7 =	vperm.xlane v6, v4;
	_ =	sdelay $0x1  }
0x55: {  	v8 =	vmin.f32 v6, v7;
	v6 =	vmax.f32 v6, v7  }
0x56: {  	v6 =	vsel vm7, v8, v6  }
0x57: {  	v7 =	vperm.xlane v6, v3;
	_ =	sdelay $0x1  }
0x58: {  	s23 =	sadd.s32 $0x1, s23;
	v8 =	vmin.f32 v6, v7;
	v6 =	vmax.f32 v6, v7  }
0x59: {  	p0 =	sne.s32 s23, $0x4;
	v6 =	vsel vm8, v8, v6  }
.Ltmp5:
0x5a: {  	v7 =	vperm.xlane v6, v2;
	(pc) =	sbr.rel @!p0 .LBB2_17-.Ltmp5, $4  }
0x5b: {  	_ = 	snop  }
0x5c: {  	s0 =	sshll.u32 s24, $0x7;
	v8 =	vmin.f32 v6, v7;
	v6 =	vmax.f32 v6, v7  }
0x5d: {  	s0 =	sand.u32 $0x3FFFFF80, s0;
	v6 =	vsel vm9, v8, v6  }
0x5e: {  	[tilespmem:s0+$0x8480] =	vst v6  }
.LBB2_3:
0x5f: {  	s0 =	rddreg [dreg:$0xd]  }
0x60: {  	s24 =	sor.u32 s0, s23  }
0x61: {  	s0 =	sshll.u32 s24, $0x4  }
0x62: {  	s0 =	sand.u32 $0x3FFFFFF0, s0  }
0x63: {  	v6 =	vld [tilespmem:s0+$0x0];
	_ =	sdelay $0x4  }
0x64: {  	(v2sf) =	vpush v6, $0x0;
	_ =	sdelay $0x9  }
0x65: {  	s31 =	sshll.u32 s23, $0x7  }
.Ltmp6:
0x66: {  	v7 =	vmov s31;
	(pc) =	sbr.rel .LBB2_4-.Ltmp6, $2  }
0x67: {  	_ =	sdelay $0x2  }
0x68: {  	s29 =	simm.s32 $0x0;
	s26 =	sadd.s32 $0x480, s31;
	v6 =	vimm.f32 $+Inf;
	s25 =	spop (v2sf)  }
.LBB2_10:
0x69: {  	v11 =	vmov v9;
	v12 =	vmov v8  }
.LBB2_14:
0x6a: {  	_ =	sdelay $0x3  }
0x6b: {  	v13 =	vld.idx.msk [tilespmem:v7+s3+$0x480 ss:$0x1], $0xffff;
	_ =	sdelay $0x2  }
0x6c: {  	v11 =	vmax.f32 @p0 v11, v10;
	v10 =	vmin.f32 @p0 v12, v10  }
0x6d: {  	v9 =	vpsel p0, v11, v9;
	v8 =	vpsel p0, v10, v8  }
0x6e: {  	v9 =	vmax.f32 v9, v13;
	v8 =	vmin.f32 v8, v13  }
.LBB2_15:
0x6f: {  	s0 =	sshll.u32 s31, $0x4  }
0x70: {  	s0 =	sadd.s32 s2, s0  }
0x71: {  	p0 =	slt.s32 s0, $0xFF0  }
0x72: {  	s1 =	ssub.s32 s30, s0;
	s0 =	simm.s32 @!p0 $0xFF0  }
0x73: {  	s30 =	sshll.u32 s0, $0x2  }
0x74: {  	s0 =	sand.u32 $0x70, s0;
	s2 =	sand.u32 $0xFFFFFE00, s30  }
0x75: {  	s0 =	sor.u32 s0, s2  }
0x76: {  	v10 =	vld.idx.msk [tilespmem:v7+s0+$0x480 ss:$0x1], $0xffff;
	_ =	sdelay $0x3  }
0x77: {  	v11 =	vmov s1  }
0x78: {  	vm10 =	vgt.s32 v11, v0;
	v60 =	vmin.f32 v8, v10  }
0x79: {  	v10 =	vmax.f32 v9, v10;
	v8 =	vsel vm10, v60, v8  }
0x7a: {  	v9 =	vsel vm10, v10, v9;
	v61 =	vperm.xlane v8, v2  }
0x7b: {  	v62 =	vperm.xlane v9, v2  }
0x7c: {  	v8 =	vmin.f32 v8, v61  }
0x7d: {  	v9 =	vmax.f32 v9, v62;
	v10 =	vperm.xlane v8, v3  }
0x7e: {  	v11 =	vperm.xlane v9, v3  }
0x7f: {  	v8 =	vmin.f32 v8, v10  }
0x80: {  	v9 =	vmax.f32 v9, v11;
	v10 =	vperm.xlane v8, v4  }
0x81: {  	v11 =	vperm.xlane v9, v4  }
0x82: {  	p0 =	sne.s32 s28, $0x5;
	v8 =	vmin.f32 v8, v10  }
.Ltmp7:
0x83: {  	v9 =	vmax.f32 v9, v11;
	v10 =	vperm.xlane v8, v5;
	(pc) =	sbr.rel @!p0 .LBB2_16-.Ltmp7, $4  }
0x84: {  	v12 =	vmov s29;
	s31 =	sadd.s32 $0x5, s29;
	v11 =	vperm.xlane v9, v5  }
0x85: {  	v63 =	vmov s31;
	vm10 =	veq.s32 v12, v0;
	v8 =	vmin.f32 v8, v10  }
0x86: {  	v9 =	vmax.f32 v9, v11;
	v6 =	vsel vm10, v8, v6;
	vm10 =	veq.s32 v63, v0  }
0x87: {  	s29 =	smov.u32 s28;
	v6 =	vsel vm10, v9, v6  }
.LBB2_4:
0x88: {  	s0 =	smul.u32 s25, s29;
	s28 =	sadd.s32 $0x1, s29  }
0x89: {  	s3 =	smul.u32 s25, s28  }
0x8a: {  	s1 =	smulhi.u32 $0x66666667, s0;
	s2 =	sshra.s32 s0, $0x1F  }
0x8b: {  	s2 =	smul.u32 $0x66666667, s2  }
0x8c: {  	s5 =	sadd.s32 $0x4, s3  }
0x8d: {  	s6 =	smulhi.u32 $0x66666667, s5;
	s1 =	sadd.s32 s2, s1  }
0x8e: {  	s9 =	sshra.s32 s5, $0x1F;
	s2 =	sshrl.u32 s1, $0x1F;
	s1 =	sshra.s32 s1, $0x1  }
0x8f: {  	s10 =	smul.u32 $0x66666667, s9;
	s1 =	sadd.s32 s2, s1  }
0x90: {  	s11 =	smul.u32 $0xFFFFFFFB, s1  }
0x91: {  	p0 =	slt.s32 s0, $0x1;
	s0 =	ssub.s32 $0x0, s0  }
0x92: {  	s2 =	sadd.s32 s10, s6;
	p1 =	sne.s32 s11, s0  }
0x93: {  	s12 =	sshrl.u32 s2, $0x1F;
	s2 =	sshra.s32 s2, $0x1;
	p0 =	por !p0, !p1  }
0x94: {  	s0 =	sadd.s32 s12, s2;
	s2 =	simm.s32 $0x1;
	p0 =	por !p0, !p0  }
0x95: {  	s13 =	smul.u32 $0xFFFFFFFB, s0;
	s2 =	simm.s32 @!p0 $0x0  }
0x96: {  	s3 =	ssub.s32 $0xFFFFFFFC, s3;
	p4 =	slt.s32 s5, $0x1;
	s2 =	ssub.s32 s1, s2  }
0x97: {  	s5 =	simm.s32 $0x1;
	p5 =	sne.s32 s13, s3;
	s1 =	sand.u32 $0xF, s2  }
0x98: {  	s14 =	sshra.s32 s2, $0x1F;
	p6 =	slt.s32 s2, $0x1;
	p2 =	sne.s32 s1, $0x0  }
0x99: {  	s3 =	simm.s32 $0x1;
	s15 =	sshrl.u32 s14, $0x1C;
	p1 =	por !p6, !p2  }
0x9a: {  	p0 =	por !p4, !p5;
	s1 =	sadd.s32 s15, s2;
	p1 =	por !p1, !p1  }
0x9b: {  	p0 =	por !p0, !p0;
	s1 =	sshra.s32 s1, $0x4;
	s3 =	simm.s32 @!p1 $0x0  }
0x9c: {  	s5 =	simm.s32 @!p0 $0x0;
	s1 =	ssub.s32 s1, s3  }
0x9d: {  	s30 =	ssub.s32 s0, s5;
	s3 =	sshll.u32 s1, $0x4  }
0x9e: {  	s5 =	simm.s32 $0x1;
	s0 =	ssub.s32 s30, s3;
	p0 =	sne.s32 s30, s3  }
0x9f: {  	s16 =	sshra.s32 s0, $0x1F;
	s5 =	simm.s32 @!p0 $0x0  }
0xa0: {  	s17 =	sand.u32 $0xF, s30;
	s5 =	sor.u32 s5, s16  }
0xa1: {  	p4 =	sne.s32 s17, $0x0;
	p3 =	sne.s32 s5, $0x1  }
0xa2: {  	s18 =	sshrl.u32 s16, $0x1C;
	p0 =	por !p4, !p3  }
0xa3: {  	s6 =	simm.s32 $0x1;
	s5 =	sadd.s32 s18, s0;
	p0 =	por !p0, !p0  }
0xa4: {  	s5 =	sshra.s32 s5, $0x4;
	s6 =	simm.s32 @!p0 $0x0  }
0xa5: {  	s14 =	ssub.s32 s5, s6  }
0xa6: {  	p0 =	sgt.s32 s14, $0x1;
	s5 =	smov.u32 s14  }
0xa7: {  	s5 =	simm.s32 @!p0 $0x1  }
0xa8: {  	s31 =	sadd.s32 $0xFFFFFFFF, s5  }
0xa9: {  	s1 =	sshll.u32 s1, $0x6;
	s19 =	sand.u32 $0x70, s3;
	s21 =	sand.u32 $0x7, s31  }
0xaa: {  	s20 =	sand.u32 $0xFFFFFE00, s1;
	p6 =	slt.s32 s14, $0x2;
	p5 =	sne.s32 s21, $0x0  }
0xab: {  	s5 =	sor.u32 s19, s20;
	p0 =	por !p6, !p5  }
0xac: {  	v8 =	vld.idx.msk [tilespmem:v7+s5+$0x480 ss:$0x1], $0xffff;
	s5 =	simm.s32 $0x1;
	p0 =	por !p0, !p0  }
0xad: {  	s22 =	sshrl.u32 s31, $0x3;
	s5 =	simm.s32 @!p0 $0x0  }
0xae: {  	s9 =	ssub.s32 s22, s5  }
0xaf: {  	p0 =	slt.s32 s9, $0x1  }
.Ltmp8:
0xb0: {  	s2 =	ssub.s32 s2, s3;
	(pc) =	sbr.rel @p0 .LBB2_8-.Ltmp8, $4  }
0xb1: {  	v9 =	vmov s2;
	v10 =	vmov s0  }
0xb2: {  	vm10 =	vlt.s32 v9, v1;
	vm11 =	vgt.s32 v10, v0  }
0xb3: {  	s2 =	sadd.s32 $0x10, s3;
	vm10 =	vmand vm10, vm11  }
0xb4: {  	s18 =	sand.u32 $0x70, s2;
	v9 =	vnsel vm10, $0xFF800000, v8;
	v8 =	vnsel vm10, $0x7F800000, v8  }
0xb5: {  	s0 =	sadd.s32 s18, s26;
	s5 =	sadd.s32 $0x200, s1  }
0xb6: {  	s6 =	sadd.s32 $0x80, s3;
	p0 =	sne.s32 s9, $0x1;
	s9 =	sadd.s32 $0xFFFFFFFF, s9  }
0xb7: {  	s11 =	sadd.s32 $0xFFFFFE40, s5;
	s15 =	sand.u32 $0x70, s6;
	s19 =	sand.u32 $0xFFFFFE00, s5  }
0xb8: {  	v10 =	vmov s0;
	s0 =	sadd.s32 $0xFFFFFFA0, s6;
	s12 =	sadd.s32 $0xFFFFFE80, s5;
	s13 =	sadd.s32 $0xFFFFFFB0, s6  }
0xb9: {  	s4 =	sadd.s32 $0xFFFFFEC0, s5;
	s7 =	sadd.s32 $0xFFFFFFC0, s6;
	s8 =	sadd.s32 $0xFFFFFF00, s5  }
0xba: {  	s16 =	sadd.s32 $0xFFFFFFD0, s6;
	s17 =	sadd.s32 $0xFFFFFF40, s5;
	s22 =	sadd.s32 $0xFFFFFFE0, s6  }
0xbb: {  	s20 =	sadd.s32 $0xFFFFFF80, s5;
	s21 =	sadd.s32 $0xFFFFFFF0, s6;
	s0 =	sand.u32 $0x70, s0  }
0xbc: {  	s15 =	sor.u32 s15, s19;
	s12 =	sand.u32 $0xFFFFFE00, s12;
	s19 =	sand.u32 $0x70, s13  }
.Ltmp9:
0xbd: {  	s4 =	sand.u32 $0xFFFFFE00, s4;
	s0 =	sor.u32 s0, s12;
	v12 =	vld.idx.msk [tilespmem:v7+s15+$0x480 ss:$0x1], $0xffff;
	(pc) =	sbr.rel @!p0 .LBB2_7-.Ltmp9, $4  }
0xbe: {  	s10 =	sadd.s32 $0xFFFFFFC0, s5;
	s11 =	sand.u32 $0xFFFFFE00, s11;
	s13 =	sor.u32 s19, s4;
	v13 =	vld.idx.msk [tilespmem:v7+s0+$0x480 ss:$0x1], $0xffff  }
0xbf: {  	s7 =	sand.u32 $0x70, s7;
	s8 =	sand.u32 $0xFFFFFE00, s8;
	s15 =	sand.u32 $0x70, s16;
	v14 =	vld.idx.msk [tilespmem:v7+s13+$0x480 ss:$0x1], $0xffff  }
0xc0: {  	s16 =	sand.u32 $0xFFFFFE00, s17;
	s17 =	sor.u32 s7, s8;
	s19 =	sand.u32 $0xFFFFFE00, s20;
	v11 =	vld.idx.msk [tilespmem:v10+s11+$0x0 ss:$0x1], $0xffff  }
0xc1: {  	v15 =	vld.idx.msk [tilespmem:v7+s17+$0x480 ss:$0x1], $0xffff;
	s15 =	sor.u32 s15, s16;
	s0 =	sand.u32 $0x70, s21;
	s11 =	sand.u32 $0x70, s22  }
.LBB2_6:
0xc2: {  	p0 =	sne.s32 s9, $0x1;
	v16 =	vld.idx.msk [tilespmem:v7+s15+$0x480 ss:$0x1], $0xffff;
	s4 =	sor.u32 s11, s19;
	s7 =	sand.u32 $0xFFFFFE00, s10  }
0xc3: {  	s6 =	sadd.s32 $0x80, s6;
	v17 =	vld.idx.msk [tilespmem:v7+s4+$0x480 ss:$0x1], $0xffff;
	s0 =	sor.u32 s0, s7  }
0xc4: {  	s5 =	sadd.s32 $0x200, s5;
	s4 =	sand.u32 $0x70, s6;
	v18 =	vld.idx.msk [tilespmem:v7+s0+$0x480 ss:$0x1], $0xffff  }
0xc5: {  	s7 =	sand.u32 $0xFFFFFE00, s5;
	s8 =	sadd.s32 $0xFFFFFFA0, s6;
	s0 =	sadd.s32 $0xFFFFFE40, s5;
	v19 =	vmax.f32 v11, v13  }
0xc6: {  	s11 =	sadd.s32 $0xFFFFFE80, s5;
	s12 =	sadd.s32 $0xFFFFFFB0, s6;
	s13 =	sadd.s32 $0xFFFFFEC0, s5  }
0xc7: {  	s15 =	sadd.s32 $0xFFFFFFC0, s6;
	s16 =	sadd.s32 $0xFFFFFF00, s5;
	s17 =	sadd.s32 $0xFFFFFFD0, s6;
	v20 =	vmax.f32 v14, v15  }
0xc8: {  	s19 =	sadd.s32 $0xFFFFFF40, s5;
	s20 =	sadd.s32 $0xFFFFFFE0, s6;
	s21 =	sadd.s32 $0xFFFFFF80, s5;
	v19 =	vmax.f32 v19, v20  }
0xc9: {  	s22 =	sadd.s32 $0xFFFFFFF0, s6;
	s10 =	sadd.s32 $0xFFFFFFC0, s5;
	v13 =	vmin.f32 v11, v13;
	s8 =	sand.u32 $0x70, s8;
	v20 =	vmax.f32 v16, v17  }
0xca: {  	s4 =	sor.u32 s4, s7;
	s7 =	sand.u32 $0x70, s12;
	s0 =	sand.u32 $0xFFFFFE00, s0;
	v14 =	vmin.f32 v14, v15;
	v15 =	vmin.f32 v16, v17;
	v16 =	vmin.f32 v18, v12  }
.Ltmp10:
0xcb: {  	v13 =	vmin.f32 v13, v14;
	v17 =	vmax.f32 v18, v12;
	v14 =	vmin.f32 v15, v16;
	v11 =	vld.idx.msk [tilespmem:v10+s0+$0x0 ss:$0x1], $0xffff;
	s0 =	sand.u32 $0xFFFFFE00, s11;
	s11 =	sand.u32 $0xFFFFFE00, s13;
	(pc) =	sbr.rel @p0 .LBB2_6-.Ltmp10, $4  }
0xcc: {  	s12 =	sand.u32 $0xFFFFFE00, s16;
	v15 =	vmax.f32 v20, v17;
	v14 =	vmin.f32 v13, v14;
	s0 =	sor.u32 s8, s0;
	s8 =	sand.u32 $0x70, s15;
	v12 =	vld.idx.msk [tilespmem:v7+s4+$0x480 ss:$0x1], $0xffff  }
0xcd: {  	v15 =	vmax.f32 v19, v15;
	s4 =	sand.u32 $0x70, s17;
	v8 =	vmin.f32 v8, v14;
	v13 =	vld.idx.msk [tilespmem:v7+s0+$0x480 ss:$0x1], $0xffff;
	s0 =	sor.u32 s7, s11;
	s7 =	sand.u32 $0xFFFFFE00, s19  }
0xce: {  	v9 =	vmax.f32 v9, v15;
	s11 =	sand.u32 $0x70, s20;
	s19 =	sand.u32 $0xFFFFFE00, s21;
	v14 =	vld.idx.msk [tilespmem:v7+s0+$0x480 ss:$0x1], $0xffff;
	s0 =	sor.u32 s8, s12  }
0xcf: {  	s9 =	sadd.s32 $0xFFFFFFFF, s9;
	s15 =	sor.u32 s4, s7;
	v15 =	vld.idx.msk [tilespmem:v7+s0+$0x480 ss:$0x1], $0xffff;
	s0 =	sand.u32 $0x70, s22  }
.LBB2_7:
0xd0: {  	_ =	sdelay $0x3  }
0xd1: {  	v10 =	vld.idx.msk [tilespmem:v7+s15+$0x480 ss:$0x1], $0xffff;
	s4 =	sor.u32 s11, s19;
	s5 =	sand.u32 $0xFFFFFE00, s10  }
0xd2: {  	v16 =	vld.idx.msk [tilespmem:v7+s4+$0x480 ss:$0x1], $0xffff;
	s0 =	sor.u32 s0, s5  }
0xd3: {  	v17 =	vld.idx.msk [tilespmem:v7+s0+$0x480 ss:$0x1], $0xffff;
	_ =	sdelay $0x2  }
0xd4: {  	v18 =	vmax.f32 v11, v13;
	v11 =	vmin.f32 v11, v13;
	v19 =	vmax.f32 v14, v15  }
0xd5: {  	v61 =	vmin.f32 v14, v15;
	v18 =	vmax.f32 v18, v19;
	v60 =	vmax.f32 v10, v16  }
0xd6: {  	v10 =	vmin.f32 v10, v16;
	v62 =	vmin.f32 v17, v12;
	v63 =	vmax.f32 v17, v12  }
0xd7: {  	v11 =	vmin.f32 v11, v61;
	v10 =	vmin.f32 v10, v62;
	v12 =	vmax.f32 v60, v63  }
0xd8: {  	v10 =	vmin.f32 v11, v10;
	v11 =	vmax.f32 v18, v12  }
0xd9: {  	v8 =	vmin.f32 v8, v10;
	v9 =	vmax.f32 v9, v11  }
.LBB2_8:
0xda: {  	p0 =	sgt.s32 s14, $0x9;
	s0 =	smov.u32 s14  }
0xdb: {  	s0 =	simm.s32 @!p0 $0x9  }
0xdc: {  	s0 =	sshll.u32 s0, $0x4  }
0xdd: {  	s0 =	sadd.s32 s0, s3  }
0xde: {  	s3 =	sadd.s32 $0xFFFFFF80, s0;
	s5 =	sadd.s32 $0xFFFFFF90, s0;
	s7 =	sadd.s32 $0xFFFFFFA0, s0  }
0xdf: {  	s21 =	sadd.s32 $0xFFFFFFB0, s0;
	s8 =	sadd.s32 $0xFFFFFFC0, s0;
	s10 =	sadd.s32 $0xFFFFFFD0, s0  }
0xe0: {  	s15 =	sadd.s32 $0xFFFFFFE0, s0;
	s0 =	sadd.s32 $0xFFFFFFF0, s0;
	s4 =	sshll.u32 s3, $0x2  }
0xe1: {  	s3 =	sand.u32 $0x70, s3;
	s6 =	sshll.u32 s5, $0x2;
	s5 =	sand.u32 $0x70, s5  }
0xe2: {  	s19 =	sshll.u32 s7, $0x2;
	s20 =	sand.u32 $0x70, s7;
	s22 =	sshll.u32 s21, $0x2  }
0xe3: {  	s7 =	sand.u32 $0x70, s21;
	s9 =	sshll.u32 s8, $0x2;
	s4 =	sand.u32 $0xFFFFFE00, s4  }
0xe4: {  	s8 =	sand.u32 $0x70, s8;
	s6 =	sand.u32 $0xFFFFFE00, s6;
	s3 =	sor.u32 s3, s4  }
0xe5: {  	s12 =	sshll.u32 s10, $0x2;
	s17 =	sor.u32 s5, s6;
	s5 =	sand.u32 $0xFFFFFE00, s19;
	v10 =	vld.idx.msk [tilespmem:v7+s3+$0x480 ss:$0x1], $0xffff  }
0xe6: {  	s13 =	sand.u32 $0x70, s10;
	s6 =	sand.u32 $0xFFFFFE00, s22;
	s5 =	sor.u32 s20, s5;
	v11 =	vld.idx.msk [tilespmem:v7+s17+$0x480 ss:$0x1], $0xffff  }
0xe7: {  	s9 =	sand.u32 $0xFFFFFE00, s9;
	s19 =	sand.u32 $0x70, s15;
	s11 =	sor.u32 s7, s6;
	v12 =	vld.idx.msk [tilespmem:v7+s5+$0x480 ss:$0x1], $0xffff  }
0xe8: {  	s3 =	sor.u32 s8, s9;
	s6 =	sand.u32 $0xFFFFFE00, s12;
	s17 =	sshll.u32 s15, $0x2;
	v13 =	vld.idx.msk [tilespmem:v7+s11+$0x480 ss:$0x1], $0xffff  }
0xe9: {  	s20 =	sshll.u32 s0, $0x2;
	s16 =	sor.u32 s13, s6;
	v14 =	vld.idx.msk [tilespmem:v7+s3+$0x480 ss:$0x1], $0xffff;
	s5 =	sand.u32 $0xFFFFFE00, s17  }
0xea: {  	s0 =	sand.u32 $0x70, s0;
	s21 =	sand.u32 $0xFFFFFE00, s20;
	v15 =	vld.idx.msk [tilespmem:v7+s16+$0x480 ss:$0x1], $0xffff;
	s3 =	sor.u32 s19, s5  }
0xeb: {  	s0 =	sor.u32 s0, s21;
	v16 =	vld.idx.msk [tilespmem:v7+s3+$0x480 ss:$0x1], $0xffff  }
0xec: {  	v17 =	vld.idx.msk [tilespmem:v7+s0+$0x480 ss:$0x1], $0xffff;
	_ =	sdelay $0x2  }
0xed: {  	s22 =	sadd.s32 $0xFFFFFFFE, s14;
	v18 =	vmax.f32 v10, v11;
	v10 =	vmin.f32 v10, v11;
	v19 =	vmax.f32 v12, v13  }
0xee: {  	p1 =	sgt.u32 s22, $0x6;
	v11 =	vmin.f32 v12, v13;
	v20 =	vmax.f32 v14, v15;
	v59 =	vmin.f32 v14, v15  }
.Ltmp11:
0xef: {  	v61 =	vmax.f32 v18, v19;
	v21 =	vmax.f32 v16, v17;
	v60 =	vmin.f32 v16, v17;
	(pc) =	sbr.rel @p1 .LBB2_15-.Ltmp11, $4  }
0xf0: {  	v10 =	vmin.f32 v10, v11;
	v62 =	vmax.f32 v20, v21;
	v11 =	vmin.f32 v59, v60  }
0xf1: {  	v63 =	vmax.f32 v61, v62;
	v10 =	vmin.f32 v10, v11  }
0xf2: {  	p6 =	slt.s32 s14, $0x9;
	v11 =	vmax.f32 v9, v63;
	v10 =	vmin.f32 v8, v10  }
0xf3: {  	v9 =	vpsel p6, v9, v11;
	v8 =	vpsel p6, v8, v10  }
0xf4: {  	p1 =	sgt.u32 s31, $0x1  }
.Ltmp12:
0xf5: {  	_ = 	snop;
	(pc) =	sbr.rel @!p1 .LBB2_10-.Ltmp12, $4  }
0xf6: {  	_ = 	snop  }
0xf7: {  	s0 =	sadd.s32 $0x40, s1  }
0xf8: {  	s1 =	sand.u32 $0xFFFFFE00, s0  }
0xf9: {  	p0 =	por $0x0, $0x0;
	s3 =	sor.u32 s18, s1  }
0xfa: {  	_ =	sdelay $0x1  }
0xfb: {  	p1 =	sgt.u32 s31, $0x2  }
.Ltmp13:
0xfc: {  	_ = 	snop;
	(pc) =	sbr.rel @!p1 .LBB2_12-.Ltmp13, $4  }
0xfd: {  	v10 =	vld.idx.msk [tilespmem:v7+s3+$0x480 ss:$0x1], $0xffff  }
0xfe: {  	s1 =	sadd.s32 $0x40, s0;
	s5 =	sadd.s32 $0x10, s2  }
0xff: {  	s21 =	sand.u32 $0x70, s5;
	s22 =	sand.u32 $0xFFFFFE00, s1  }
0x100: {  	s6 =	simm.s32 $0x2;
	p0 =	por $0x1, $0x1;
	v11 =	vmov v9;
	v12 =	vmov v8;
	s3 =	sor.u32 s21, s22  }
.LBB2_13:
0x101: {  	s6 =	sadd.s32 $0x1, s6  }
0x102: {  	v11 =	vmax.f32 v11, v10;
	v12 =	vmin.f32 v12, v10;
	v10 =	vld.idx.msk [tilespmem:v7+s3+$0x480 ss:$0x1], $0xffff;
	p1 =	sgt.u32 s31, s6  }
.Ltmp14:
0x103: {  	(pc) =	sbr.rel @p1 .LBB2_13-.Ltmp14, $4  }
0x104: {  	_ = 	snop  }
0x105: {  	s1 =	sadd.s32 $0x40, s1;
	s5 =	sadd.s32 $0x10, s5  }
0x106: {  	s0 =	sand.u32 $0x70, s5;
	s3 =	sand.u32 $0xFFFFFE00, s1  }
0x107: {  	s3 =	sor.u32 s0, s3  }
.Ltmp15:
0x108: {  	_ = 	snop;
	(pc) =	sbr.rel .LBB2_14-.Ltmp15, $1  }
0x109: {  	_ =	sdelay $0x3  }
.LBB2_12:
.Ltmp16:
0x10a: {  	(pc) =	sbr.rel .LBB2_14-.Ltmp16, $2  }
0x10b: {  	_ =	sdelay $0x2  }
0x10c: {  	v11 =	vmov v9;
	v12 =	vmov v8  }
.LBB2_17:
0x10d: {  	s0 =	rddreg [dreg:$0xc]  }
0x10e: {  	s1 =	rddreg [dreg:$0xe]  }
0x10f: {  	p0 =	seq.s32 s0, $0x8;
	s0 =	rddreg [dreg:$0x8]  }
0x110: {  	s0 =	sadd.s32 @!p0 s0, s1  }
0x111: {  	s1 =	rddreg [dreg:$0x0];
	s2 =	simm.s32 @!p0 $0x400;
	s0 =	sshrl.u32 @!p0 s0, $0x3  }
0x112: {  	s3 =	simm.s32 @!p0 $0x480;
	s0 =	sadd.s32 @!p0 s1, s0;
	s1 =	simm.s32 @!p0 $0x200  }
0x113: {  	[tilespmem:s3], [sflag:$0x1] =	stream.strided.gather @!p0 [hbm4b:s0+s1], $0x4000, s2, s1, $0x38;
	[tilespmem:$0xA880] =	vst v63  }
.Ltmp17:
0x114: {  	s30 =	simm.s32 $0x2;
	(pc) =	sbr.rel .LBB2_18-.Ltmp17, $4  }
0x115: {  	_ =	swait.ge [sflag:s30], $0x4000  }
0x116: {  	s31 =	rddreg [dreg:$0xd]  }
0x117: {  	[sflag:s30] =	ssyncset.done $0x0;
	s0 =	sor.u32 $0x4, s31  }
0x118: {  	s22 =	simm.s32 $0x0;
	[sflag:s30] =	ssyncadd.s32 $0xFFFFC000;
	[dreg:$0xf] =	wrdreg s0  }
.LBB2_31:
0x119: {  	v7 =	vperm.xlane v6, v2;
	_ =	sdelay $0x1  }
0x11a: {  	v8 =	vmin.f32 v6, v7;
	v6 =	vmax.f32 v6, v7  }
0x11b: {  	v6 =	vsel vm0, v8, v6  }
0x11c: {  	v7 =	vperm.xlane v6, v3;
	_ =	sdelay $0x1  }
0x11d: {  	v8 =	vmin.f32 v6, v7;
	v6 =	vmax.f32 v6, v7  }
0x11e: {  	v6 =	vsel vm1, v8, v6  }
0x11f: {  	v7 =	vperm.xlane v6, v2;
	_ =	sdelay $0x1  }
0x120: {  	v8 =	vmin.f32 v6, v7;
	v6 =	vmax.f32 v6, v7  }
0x121: {  	v6 =	vsel vm2, v8, v6  }
0x122: {  	v7 =	vperm.xlane v6, v4;
	_ =	sdelay $0x1  }
0x123: {  	v8 =	vmin.f32 v6, v7;
	v6 =	vmax.f32 v6, v7  }
0x124: {  	v6 =	vsel vm3, v8, v6  }
0x125: {  	v7 =	vperm.xlane v6, v3;
	_ =	sdelay $0x1  }
0x126: {  	v8 =	vmin.f32 v6, v7;
	v6 =	vmax.f32 v6, v7  }
0x127: {  	v6 =	vsel vm4, v8, v6  }
0x128: {  	v7 =	vperm.xlane v6, v2;
	_ =	sdelay $0x1  }
0x129: {  	v8 =	vmin.f32 v6, v7;
	v6 =	vmax.f32 v6, v7  }
0x12a: {  	v6 =	vsel vm5, v8, v6  }
0x12b: {  	v7 =	vperm.xlane v6, v5;
	_ =	sdelay $0x1  }
0x12c: {  	v8 =	vmin.f32 v6, v7;
	v6 =	vmax.f32 v6, v7  }
0x12d: {  	v6 =	vsel vm6, v8, v6  }
0x12e: {  	v7 =	vperm.xlane v6, v4;
	_ =	sdelay $0x1  }
0x12f: {  	v8 =	vmin.f32 v6, v7;
	v6 =	vmax.f32 v6, v7  }
0x130: {  	v6 =	vsel vm7, v8, v6  }
0x131: {  	v7 =	vperm.xlane v6, v3;
	_ =	sdelay $0x1  }
0x132: {  	s22 =	sadd.s32 $0x1, s22;
	v8 =	vmin.f32 v6, v7;
	v6 =	vmax.f32 v6, v7  }
0x133: {  	p0 =	sne.s32 s22, $0x4;
	v6 =	vsel vm8, v8, v6  }
.Ltmp18:
0x134: {  	v7 =	vperm.xlane v6, v2;
	(pc) =	sbr.rel @!p0 .LBB2_32-.Ltmp18, $4  }
0x135: {  	_ = 	snop  }
0x136: {  	s0 =	sshll.u32 s23, $0x7;
	v8 =	vmin.f32 v6, v7;
	v6 =	vmax.f32 v6, v7  }
0x137: {  	s0 =	sand.u32 $0x3FFFFF80, s0;
	v6 =	vsel vm9, v8, v6  }
0x138: {  	[tilespmem:s0+$0x8480] =	vst v6  }
.LBB2_18:
0x139: {  	s0 =	rddreg [dreg:$0xf]  }
0x13a: {  	s23 =	sor.u32 s0, s22  }
0x13b: {  	s0 =	sshll.u32 s23, $0x4  }
0x13c: {  	s0 =	sand.u32 $0x3FFFFFF0, s0  }
0x13d: {  	v6 =	vld [tilespmem:s0+$0x0];
	_ =	sdelay $0x4  }
0x13e: {  	(v2sf) =	vpush v6, $0x0;
	_ =	sdelay $0x9  }
0x13f: {  	s31 =	sshll.u32 s22, $0x7  }
.Ltmp19:
0x140: {  	v7 =	vmov s31;
	(pc) =	sbr.rel .LBB2_19-.Ltmp19, $2  }
0x141: {  	_ =	sdelay $0x2  }
0x142: {  	s28 =	simm.s32 $0x0;
	s25 =	sadd.s32 $0x4480, s31;
	v6 =	vimm.f32 $+Inf;
	s24 =	spop (v2sf)  }
.LBB2_25:
0x143: {  	v11 =	vmov v9;
	v12 =	vmov v8  }
.LBB2_29:
0x144: {  	_ =	sdelay $0x3  }
0x145: {  	v13 =	vld.idx.msk [tilespmem:v7+s3+$0x4480 ss:$0x1], $0xffff;
	_ =	sdelay $0x2  }
0x146: {  	v11 =	vmax.f32 @p0 v11, v10;
	v10 =	vmin.f32 @p0 v12, v10  }
0x147: {  	v9 =	vpsel p0, v11, v9;
	v8 =	vpsel p0, v10, v8  }
0x148: {  	v9 =	vmax.f32 v9, v13;
	v8 =	vmin.f32 v8, v13  }
.LBB2_30:
0x149: {  	s0 =	sshll.u32 s30, $0x4  }
0x14a: {  	s0 =	sadd.s32 s2, s0  }
0x14b: {  	p0 =	slt.s32 s0, $0xFF0  }
0x14c: {  	s1 =	ssub.s32 s29, s0;
	s0 =	simm.s32 @!p0 $0xFF0  }
0x14d: {  	s30 =	sshll.u32 s0, $0x2  }
0x14e: {  	s0 =	sand.u32 $0x70, s0;
	s2 =	sand.u32 $0xFFFFFE00, s30  }
0x14f: {  	s0 =	sor.u32 s0, s2  }
0x150: {  	v10 =	vld.idx.msk [tilespmem:v7+s0+$0x4480 ss:$0x1], $0xffff;
	_ =	sdelay $0x3  }
0x151: {  	v11 =	vmov s1  }
0x152: {  	vm10 =	vgt.s32 v11, v0;
	v60 =	vmin.f32 v8, v10  }
0x153: {  	v10 =	vmax.f32 v9, v10;
	v8 =	vsel vm10, v60, v8  }
0x154: {  	v9 =	vsel vm10, v10, v9;
	v61 =	vperm.xlane v8, v2  }
0x155: {  	v62 =	vperm.xlane v9, v2  }
0x156: {  	v8 =	vmin.f32 v8, v61  }
0x157: {  	v9 =	vmax.f32 v9, v62;
	v10 =	vperm.xlane v8, v3  }
0x158: {  	v11 =	vperm.xlane v9, v3  }
0x159: {  	v8 =	vmin.f32 v8, v10  }
0x15a: {  	v9 =	vmax.f32 v9, v11;
	v10 =	vperm.xlane v8, v4  }
0x15b: {  	v11 =	vperm.xlane v9, v4  }
0x15c: {  	p0 =	sne.s32 s26, $0x5;
	v8 =	vmin.f32 v8, v10  }
.Ltmp20:
0x15d: {  	v9 =	vmax.f32 v9, v11;
	v10 =	vperm.xlane v8, v5;
	(pc) =	sbr.rel @!p0 .LBB2_31-.Ltmp20, $4  }
0x15e: {  	v12 =	vmov s28;
	s31 =	sadd.s32 $0x5, s28;
	v11 =	vperm.xlane v9, v5  }
0x15f: {  	v63 =	vmov s31;
	vm10 =	veq.s32 v12, v0;
	v8 =	vmin.f32 v8, v10  }
0x160: {  	v9 =	vmax.f32 v9, v11;
	v6 =	vsel vm10, v8, v6;
	vm10 =	veq.s32 v63, v0  }
0x161: {  	s28 =	smov.u32 s26;
	v6 =	vsel vm10, v9, v6  }
.LBB2_19:
0x162: {  	s0 =	smul.u32 s24, s28;
	s26 =	sadd.s32 $0x1, s28  }
0x163: {  	s3 =	smul.u32 s24, s26  }
0x164: {  	s1 =	smulhi.u32 $0x66666667, s0;
	s2 =	sshra.s32 s0, $0x1F  }
0x165: {  	s2 =	smul.u32 $0x66666667, s2  }
0x166: {  	s4 =	sadd.s32 $0x4, s3  }
0x167: {  	s5 =	smulhi.u32 $0x66666667, s4;
	s1 =	sadd.s32 s2, s1  }
0x168: {  	s6 =	sshra.s32 s4, $0x1F;
	s2 =	sshrl.u32 s1, $0x1F;
	s1 =	sshra.s32 s1, $0x1  }
0x169: {  	s9 =	smul.u32 $0x66666667, s6;
	s1 =	sadd.s32 s2, s1  }
0x16a: {  	s10 =	smul.u32 $0xFFFFFFFB, s1  }
0x16b: {  	p0 =	slt.s32 s0, $0x1;
	s0 =	ssub.s32 $0x0, s0  }
0x16c: {  	s2 =	sadd.s32 s9, s5;
	p1 =	sne.s32 s10, s0  }
0x16d: {  	s11 =	sshrl.u32 s2, $0x1F;
	s2 =	sshra.s32 s2, $0x1;
	p0 =	por !p0, !p1  }
0x16e: {  	s0 =	sadd.s32 s11, s2;
	s2 =	simm.s32 $0x1;
	p0 =	por !p0, !p0  }
0x16f: {  	s12 =	smul.u32 $0xFFFFFFFB, s0;
	s2 =	simm.s32 @!p0 $0x0  }
0x170: {  	s3 =	ssub.s32 $0xFFFFFFFC, s3;
	p4 =	slt.s32 s4, $0x1;
	s2 =	ssub.s32 s1, s2  }
0x171: {  	s4 =	simm.s32 $0x1;
	p5 =	sne.s32 s12, s3;
	s1 =	sand.u32 $0xF, s2  }
0x172: {  	s13 =	sshra.s32 s2, $0x1F;
	p6 =	slt.s32 s2, $0x1;
	p2 =	sne.s32 s1, $0x0  }
0x173: {  	s3 =	simm.s32 $0x1;
	s14 =	sshrl.u32 s13, $0x1C;
	p1 =	por !p6, !p2  }
0x174: {  	p0 =	por !p4, !p5;
	s1 =	sadd.s32 s14, s2;
	p1 =	por !p1, !p1  }
0x175: {  	p0 =	por !p0, !p0;
	s1 =	sshra.s32 s1, $0x4;
	s3 =	simm.s32 @!p1 $0x0  }
0x176: {  	s4 =	simm.s32 @!p0 $0x0;
	s1 =	ssub.s32 s1, s3  }
0x177: {  	s29 =	ssub.s32 s0, s4;
	s3 =	sshll.u32 s1, $0x4  }
0x178: {  	s4 =	simm.s32 $0x1;
	s0 =	ssub.s32 s29, s3;
	p0 =	sne.s32 s29, s3  }
0x179: {  	s15 =	sshra.s32 s0, $0x1F;
	s4 =	simm.s32 @!p0 $0x0  }
0x17a: {  	s16 =	sand.u32 $0xF, s29;
	s4 =	sor.u32 s4, s15  }
0x17b: {  	p4 =	sne.s32 s16, $0x0;
	p3 =	sne.s32 s4, $0x1  }
0x17c: {  	s17 =	sshrl.u32 s15, $0x1C;
	p0 =	por !p4, !p3  }
0x17d: {  	s5 =	simm.s32 $0x1;
	s4 =	sadd.s32 s17, s0;
	p0 =	por !p0, !p0  }
0x17e: {  	s4 =	sshra.s32 s4, $0x4;
	s5 =	simm.s32 @!p0 $0x0  }
0x17f: {  	s14 =	ssub.s32 s4, s5  }
0x180: {  	p0 =	sgt.s32 s14, $0x1;
	s4 =	smov.u32 s14  }
0x181: {  	s4 =	simm.s32 @!p0 $0x1  }
0x182: {  	s30 =	sadd.s32 $0xFFFFFFFF, s4  }
0x183: {  	s1 =	sshll.u32 s1, $0x6;
	s18 =	sand.u32 $0x70, s3;
	s20 =	sand.u32 $0x7, s30  }
0x184: {  	s19 =	sand.u32 $0xFFFFFE00, s1;
	p6 =	slt.s32 s14, $0x2;
	p5 =	sne.s32 s20, $0x0  }
0x185: {  	s4 =	sor.u32 s18, s19;
	p0 =	por !p6, !p5  }
0x186: {  	v8 =	vld.idx.msk [tilespmem:v7+s4+$0x4480 ss:$0x1], $0xffff;
	s4 =	simm.s32 $0x1;
	p0 =	por !p0, !p0  }
0x187: {  	s21 =	sshrl.u32 s30, $0x3;
	s4 =	simm.s32 @!p0 $0x0  }
0x188: {  	s9 =	ssub.s32 s21, s4  }
0x189: {  	p0 =	slt.s32 s9, $0x1  }
.Ltmp21:
0x18a: {  	s2 =	ssub.s32 s2, s3;
	(pc) =	sbr.rel @p0 .LBB2_23-.Ltmp21, $4  }
0x18b: {  	v9 =	vmov s2;
	v10 =	vmov s0  }
0x18c: {  	vm10 =	vlt.s32 v9, v1;
	vm11 =	vgt.s32 v10, v0  }
0x18d: {  	s2 =	sadd.s32 $0x10, s3;
	vm10 =	vmand vm10, vm11  }
0x18e: {  	s31 =	sand.u32 $0x70, s2;
	v9 =	vnsel vm10, $0xFF800000, v8;
	v8 =	vnsel vm10, $0x7F800000, v8  }
0x18f: {  	s0 =	sadd.s32 s31, s25;
	s5 =	sadd.s32 $0x200, s1  }
0x190: {  	s6 =	sadd.s32 $0x80, s3;
	p0 =	sne.s32 s9, $0x1;
	s9 =	sadd.s32 $0xFFFFFFFF, s9  }
0x191: {  	s4 =	sadd.s32 $0xFFFFFE40, s5;
	s7 =	sand.u32 $0x70, s6;
	s8 =	sand.u32 $0xFFFFFE00, s5  }
0x192: {  	v10 =	vmov s0;
	s0 =	sadd.s32 $0xFFFFFFA0, s6;
	s11 =	sadd.s32 $0xFFFFFE80, s5;
	s12 =	sadd.s32 $0xFFFFFFB0, s6  }
0x193: {  	s13 =	sadd.s32 $0xFFFFFEC0, s5;
	s15 =	sadd.s32 $0xFFFFFFC0, s6;
	s16 =	sadd.s32 $0xFFFFFF00, s5  }
0x194: {  	s17 =	sadd.s32 $0xFFFFFFD0, s6;
	s18 =	sadd.s32 $0xFFFFFF40, s5;
	s19 =	sadd.s32 $0xFFFFFFE0, s6  }
0x195: {  	s20 =	sadd.s32 $0xFFFFFF80, s5;
	s21 =	sadd.s32 $0xFFFFFFF0, s6;
	s10 =	sadd.s32 $0xFFFFFFC0, s5  }
0x196: {  	s0 =	sand.u32 $0x70, s0;
	s7 =	sor.u32 s7, s8;
	s8 =	sand.u32 $0xFFFFFE00, s11  }
.Ltmp22:
0x197: {  	s4 =	sand.u32 $0xFFFFFE00, s4;
	s0 =	sor.u32 s0, s8;
	v12 =	vld.idx.msk [tilespmem:v7+s7+$0x4480 ss:$0x1], $0xffff;
	(pc) =	sbr.rel @!p0 .LBB2_22-.Ltmp22, $4  }
0x198: {  	s11 =	sand.u32 $0x70, s12;
	s13 =	sand.u32 $0xFFFFFE00, s13;
	s12 =	sand.u32 $0xFFFFFE00, s16;
	v13 =	vld.idx.msk [tilespmem:v7+s0+$0x4480 ss:$0x1], $0xffff  }
0x199: {  	s16 =	sand.u32 $0xFFFFFE00, s18;
	s13 =	sor.u32 s11, s13;
	v11 =	vld.idx.msk [tilespmem:v10+s4+$0x0 ss:$0x1], $0xffff;
	s4 =	sand.u32 $0x70, s15  }
0x19a: {  	s18 =	sand.u32 $0xFFFFFE00, s20;
	v14 =	vld.idx.msk [tilespmem:v7+s13+$0x4480 ss:$0x1], $0xffff;
	s15 =	sand.u32 $0x70, s17;
	s17 =	sor.u32 s4, s12  }
0x19b: {  	s11 =	sand.u32 $0x70, s19;
	s0 =	sand.u32 $0x70, s21;
	s15 =	sor.u32 s15, s16;
	v15 =	vld.idx.msk [tilespmem:v7+s17+$0x4480 ss:$0x1], $0xffff  }
.LBB2_21:
0x19c: {  	p0 =	sne.s32 s9, $0x1;
	v16 =	vld.idx.msk [tilespmem:v7+s15+$0x4480 ss:$0x1], $0xffff;
	s4 =	sor.u32 s11, s18;
	s7 =	sand.u32 $0xFFFFFE00, s10  }
0x19d: {  	s6 =	sadd.s32 $0x80, s6;
	v17 =	vld.idx.msk [tilespmem:v7+s4+$0x4480 ss:$0x1], $0xffff;
	s0 =	sor.u32 s0, s7  }
0x19e: {  	s5 =	sadd.s32 $0x200, s5;
	s4 =	sand.u32 $0x70, s6;
	v18 =	vld.idx.msk [tilespmem:v7+s0+$0x4480 ss:$0x1], $0xffff  }
0x19f: {  	s7 =	sand.u32 $0xFFFFFE00, s5;
	s8 =	sadd.s32 $0xFFFFFFA0, s6;
	s0 =	sadd.s32 $0xFFFFFE40, s5;
	v19 =	vmax.f32 v11, v13  }
0x1a0: {  	s11 =	sadd.s32 $0xFFFFFE80, s5;
	s12 =	sadd.s32 $0xFFFFFFB0, s6;
	s13 =	sadd.s32 $0xFFFFFEC0, s5  }
0x1a1: {  	s15 =	sadd.s32 $0xFFFFFFC0, s6;
	s16 =	sadd.s32 $0xFFFFFF00, s5;
	s17 =	sadd.s32 $0xFFFFFFD0, s6;
	v20 =	vmax.f32 v14, v15  }
0x1a2: {  	s18 =	sadd.s32 $0xFFFFFF40, s5;
	s19 =	sadd.s32 $0xFFFFFFE0, s6;
	s20 =	sadd.s32 $0xFFFFFF80, s5;
	v19 =	vmax.f32 v19, v20  }
0x1a3: {  	s21 =	sadd.s32 $0xFFFFFFF0, s6;
	s10 =	sadd.s32 $0xFFFFFFC0, s5;
	v13 =	vmin.f32 v11, v13;
	s8 =	sand.u32 $0x70, s8;
	v20 =	vmax.f32 v16, v17  }
0x1a4: {  	s4 =	sor.u32 s4, s7;
	s7 =	sand.u32 $0x70, s12;
	s0 =	sand.u32 $0xFFFFFE00, s0;
	v14 =	vmin.f32 v14, v15;
	v15 =	vmin.f32 v16, v17;
	v16 =	vmin.f32 v18, v12  }
.Ltmp23:
0x1a5: {  	v13 =	vmin.f32 v13, v14;
	v17 =	vmax.f32 v18, v12;
	v14 =	vmin.f32 v15, v16;
	v11 =	vld.idx.msk [tilespmem:v10+s0+$0x0 ss:$0x1], $0xffff;
	s0 =	sand.u32 $0xFFFFFE00, s11;
	s11 =	sand.u32 $0xFFFFFE00, s13;
	(pc) =	sbr.rel @p0 .LBB2_21-.Ltmp23, $4  }
0x1a6: {  	s12 =	sand.u32 $0xFFFFFE00, s16;
	v15 =	vmax.f32 v20, v17;
	v14 =	vmin.f32 v13, v14;
	s0 =	sor.u32 s8, s0;
	s8 =	sand.u32 $0x70, s15;
	v12 =	vld.idx.msk [tilespmem:v7+s4+$0x4480 ss:$0x1], $0xffff  }
0x1a7: {  	v15 =	vmax.f32 v19, v15;
	s4 =	sand.u32 $0x70, s17;
	v8 =	vmin.f32 v8, v14;
	v13 =	vld.idx.msk [tilespmem:v7+s0+$0x4480 ss:$0x1], $0xffff;
	s0 =	sor.u32 s7, s11;
	s7 =	sand.u32 $0xFFFFFE00, s18  }
0x1a8: {  	v9 =	vmax.f32 v9, v15;
	s11 =	sand.u32 $0x70, s19;
	s18 =	sand.u32 $0xFFFFFE00, s20;
	v14 =	vld.idx.msk [tilespmem:v7+s0+$0x4480 ss:$0x1], $0xffff;
	s0 =	sor.u32 s8, s12  }
0x1a9: {  	s9 =	sadd.s32 $0xFFFFFFFF, s9;
	s15 =	sor.u32 s4, s7;
	v15 =	vld.idx.msk [tilespmem:v7+s0+$0x4480 ss:$0x1], $0xffff;
	s0 =	sand.u32 $0x70, s21  }
.LBB2_22:
0x1aa: {  	_ =	sdelay $0x3  }
0x1ab: {  	v10 =	vld.idx.msk [tilespmem:v7+s15+$0x4480 ss:$0x1], $0xffff;
	s4 =	sor.u32 s11, s18;
	s5 =	sand.u32 $0xFFFFFE00, s10  }
0x1ac: {  	v16 =	vld.idx.msk [tilespmem:v7+s4+$0x4480 ss:$0x1], $0xffff;
	s0 =	sor.u32 s0, s5  }
0x1ad: {  	v17 =	vld.idx.msk [tilespmem:v7+s0+$0x4480 ss:$0x1], $0xffff;
	_ =	sdelay $0x2  }
0x1ae: {  	v18 =	vmax.f32 v11, v13;
	v11 =	vmin.f32 v11, v13;
	v19 =	vmax.f32 v14, v15  }
0x1af: {  	v61 =	vmin.f32 v14, v15;
	v18 =	vmax.f32 v18, v19;
	v60 =	vmax.f32 v10, v16  }
0x1b0: {  	v10 =	vmin.f32 v10, v16;
	v62 =	vmin.f32 v17, v12;
	v63 =	vmax.f32 v17, v12  }
0x1b1: {  	v11 =	vmin.f32 v11, v61;
	v10 =	vmin.f32 v10, v62;
	v12 =	vmax.f32 v60, v63  }
0x1b2: {  	v10 =	vmin.f32 v11, v10;
	v11 =	vmax.f32 v18, v12  }
0x1b3: {  	v8 =	vmin.f32 v8, v10;
	v9 =	vmax.f32 v9, v11  }
.LBB2_23:
0x1b4: {  	p0 =	sgt.s32 s14, $0x9;
	s0 =	smov.u32 s14  }
0x1b5: {  	s0 =	simm.s32 @!p0 $0x9  }
0x1b6: {  	s0 =	sshll.u32 s0, $0x4  }
0x1b7: {  	s0 =	sadd.s32 s0, s3  }
0x1b8: {  	s3 =	sadd.s32 $0xFFFFFF80, s0;
	s5 =	sadd.s32 $0xFFFFFF90, s0;
	s7 =	sadd.s32 $0xFFFFFFA0, s0  }
0x1b9: {  	s20 =	sadd.s32 $0xFFFFFFB0, s0;
	s8 =	sadd.s32 $0xFFFFFFC0, s0;
	s10 =	sadd.s32 $0xFFFFFFD0, s0  }
0x1ba: {  	s15 =	sadd.s32 $0xFFFFFFE0, s0;
	s0 =	sadd.s32 $0xFFFFFFF0, s0;
	s4 =	sshll.u32 s3, $0x2  }
0x1bb: {  	s3 =	sand.u32 $0x70, s3;
	s6 =	sshll.u32 s5, $0x2;
	s5 =	sand.u32 $0x70, s5  }
0x1bc: {  	s18 =	sshll.u32 s7, $0x2;
	s19 =	sand.u32 $0x70, s7;
	s21 =	sshll.u32 s20, $0x2  }
0x1bd: {  	s7 =	sand.u32 $0x70, s20;
	s9 =	sshll.u32 s8, $0x2;
	s4 =	sand.u32 $0xFFFFFE00, s4  }
0x1be: {  	s8 =	sand.u32 $0x70, s8;
	s6 =	sand.u32 $0xFFFFFE00, s6;
	s3 =	sor.u32 s3, s4  }
0x1bf: {  	s12 =	sshll.u32 s10, $0x2;
	s17 =	sor.u32 s5, s6;
	s5 =	sand.u32 $0xFFFFFE00, s18;
	v10 =	vld.idx.msk [tilespmem:v7+s3+$0x4480 ss:$0x1], $0xffff  }
0x1c0: {  	s13 =	sand.u32 $0x70, s10;
	s6 =	sand.u32 $0xFFFFFE00, s21;
	s5 =	sor.u32 s19, s5;
	v11 =	vld.idx.msk [tilespmem:v7+s17+$0x4480 ss:$0x1], $0xffff  }
0x1c1: {  	s9 =	sand.u32 $0xFFFFFE00, s9;
	s18 =	sand.u32 $0x70, s15;
	s11 =	sor.u32 s7, s6;
	v12 =	vld.idx.msk [tilespmem:v7+s5+$0x4480 ss:$0x1], $0xffff  }
0x1c2: {  	s3 =	sor.u32 s8, s9;
	s6 =	sand.u32 $0xFFFFFE00, s12;
	s17 =	sshll.u32 s15, $0x2;
	v13 =	vld.idx.msk [tilespmem:v7+s11+$0x4480 ss:$0x1], $0xffff  }
0x1c3: {  	s19 =	sshll.u32 s0, $0x2;
	s16 =	sor.u32 s13, s6;
	v14 =	vld.idx.msk [tilespmem:v7+s3+$0x4480 ss:$0x1], $0xffff;
	s5 =	sand.u32 $0xFFFFFE00, s17  }
0x1c4: {  	s0 =	sand.u32 $0x70, s0;
	s20 =	sand.u32 $0xFFFFFE00, s19;
	v15 =	vld.idx.msk [tilespmem:v7+s16+$0x4480 ss:$0x1], $0xffff;
	s3 =	sor.u32 s18, s5  }
0x1c5: {  	s0 =	sor.u32 s0, s20;
	v16 =	vld.idx.msk [tilespmem:v7+s3+$0x4480 ss:$0x1], $0xffff  }
0x1c6: {  	v17 =	vld.idx.msk [tilespmem:v7+s0+$0x4480 ss:$0x1], $0xffff;
	_ =	sdelay $0x2  }
0x1c7: {  	s21 =	sadd.s32 $0xFFFFFFFE, s14;
	v18 =	vmax.f32 v10, v11;
	v10 =	vmin.f32 v10, v11;
	v19 =	vmax.f32 v12, v13  }
0x1c8: {  	p1 =	sgt.u32 s21, $0x6;
	v11 =	vmin.f32 v12, v13;
	v20 =	vmax.f32 v14, v15;
	v59 =	vmin.f32 v14, v15  }
.Ltmp24:
0x1c9: {  	v61 =	vmax.f32 v18, v19;
	v21 =	vmax.f32 v16, v17;
	v60 =	vmin.f32 v16, v17;
	(pc) =	sbr.rel @p1 .LBB2_30-.Ltmp24, $4  }
0x1ca: {  	v10 =	vmin.f32 v10, v11;
	v62 =	vmax.f32 v20, v21;
	v11 =	vmin.f32 v59, v60  }
0x1cb: {  	v63 =	vmax.f32 v61, v62;
	v10 =	vmin.f32 v10, v11  }
0x1cc: {  	p6 =	slt.s32 s14, $0x9;
	v11 =	vmax.f32 v9, v63;
	v10 =	vmin.f32 v8, v10  }
0x1cd: {  	v9 =	vpsel p6, v9, v11;
	v8 =	vpsel p6, v8, v10  }
0x1ce: {  	p1 =	sgt.u32 s30, $0x1  }
.Ltmp25:
0x1cf: {  	_ = 	snop;
	(pc) =	sbr.rel @!p1 .LBB2_25-.Ltmp25, $4  }
0x1d0: {  	_ = 	snop  }
0x1d1: {  	s0 =	sadd.s32 $0x40, s1  }
0x1d2: {  	s1 =	sand.u32 $0xFFFFFE00, s0  }
0x1d3: {  	p0 =	por $0x0, $0x0;
	s3 =	sor.u32 s31, s1  }
0x1d4: {  	_ =	sdelay $0x1  }
0x1d5: {  	p1 =	sgt.u32 s30, $0x2  }
.Ltmp26:
0x1d6: {  	_ = 	snop;
	(pc) =	sbr.rel @!p1 .LBB2_27-.Ltmp26, $4  }
0x1d7: {  	v10 =	vld.idx.msk [tilespmem:v7+s3+$0x4480 ss:$0x1], $0xffff  }
0x1d8: {  	s1 =	sadd.s32 $0x40, s0;
	s5 =	sadd.s32 $0x10, s2  }
0x1d9: {  	s21 =	sand.u32 $0x70, s5;
	s31 =	sand.u32 $0xFFFFFE00, s1  }
0x1da: {  	s6 =	simm.s32 $0x2;
	p0 =	por $0x1, $0x1;
	v11 =	vmov v9;
	v12 =	vmov v8;
	s3 =	sor.u32 s21, s31  }
.LBB2_28:
0x1db: {  	s6 =	sadd.s32 $0x1, s6  }
0x1dc: {  	v11 =	vmax.f32 v11, v10;
	v12 =	vmin.f32 v12, v10;
	v10 =	vld.idx.msk [tilespmem:v7+s3+$0x4480 ss:$0x1], $0xffff;
	p1 =	sgt.u32 s30, s6  }
.Ltmp27:
0x1dd: {  	(pc) =	sbr.rel @p1 .LBB2_28-.Ltmp27, $4  }
0x1de: {  	_ = 	snop  }
0x1df: {  	s1 =	sadd.s32 $0x40, s1;
	s5 =	sadd.s32 $0x10, s5  }
0x1e0: {  	s0 =	sand.u32 $0x70, s5;
	s3 =	sand.u32 $0xFFFFFE00, s1  }
0x1e1: {  	s3 =	sor.u32 s0, s3  }
.Ltmp28:
0x1e2: {  	_ = 	snop;
	(pc) =	sbr.rel .LBB2_29-.Ltmp28, $1  }
0x1e3: {  	_ =	sdelay $0x3  }
.LBB2_27:
.Ltmp29:
0x1e4: {  	(pc) =	sbr.rel .LBB2_29-.Ltmp29, $2  }
0x1e5: {  	_ =	sdelay $0x2  }
0x1e6: {  	v11 =	vmov v9;
	v12 =	vmov v8  }
.LBB2_34:
0x1e7: {  	_ =	sfence.sel $0x180000  }
0x1e8: {  	[bflag:$0x0] =	sbarrier.arrive $0xFFFF  }
0x1e9: {  	_ =	strace $0x90000047  }
0x1ea: {  	s0 =	stileid.u32;
	[bflag:$0x2] =	sbarrier.arrive $0xFFFF  }
0x1eb: {  	p0 =	sne.s32 s0, $0x0;
	s0 =	rddreg [dreg:$0x3]  }
0x1ec: {  	s0 =	sadd.s32 @!p0 $0x100000, s0  }
0x1ed: {  	[sflag:s0] =	ssyncadd.tile.s32 @!p0 $0x1;
	_ =	shalt  }
.Lfunc_end2:
_tile_overlayer_lowered:
.L_overlay_start_2:
0x1ee: {  	(tag) =	ssettag $0x2  }
0x1ef: {  	s0 =	rddreg [dreg:$0x0];
	s2 =	stileid.u32  }
0x1f0: {  	s1 =	rddreg [dreg:$0x1];
	p0 =	sne.s32 s2, $0x0  }
0x1f1: {  	s3 =	rddreg [dreg:$0x2];
	[bflag:$0x3] =	sbarrier.arrive $0xFFFF;
	s2 =	simm.s32 @!p0 $0x1C03  }
0x1f2: {  	[timem:s3], [sflag:s2] =	dma.local @!p0 [hbm:s0], s1  }
0x1f3: {  	s0 =	simm.s32 @!p0 $0x3  }
0x1f4: {  	_ =	swait.ge @!p0 [sflag:s0], s1  }
0x1f5: {  	s1 =	ssub.s32 @!p0 $0x0, s1;
	[sflag:s0] =	ssyncset.done @!p0 $0x0  }
0x1f6: {  	[sflag:s0] =	ssyncadd.s32 @!p0 s1  }
0x1f7: {  	[bflag:$0x3] =	sbarrier.arrive $0xFFFF  }
0x1f8: {  	_ =	shalt  }

</sc_bundles>
